<compile_context>
chip_gen: v7x
topology: tpu7x:2x2x1
jax: 0.10.2.dev20260603
libtpu: 0.0.44.dev20260713+nightly
codegen_flags: <defaults>
</compile_context>

<pallas_src>
import jax
import jax.numpy as jnp
from jax import lax
from jax.experimental import pallas as pl
from jax.experimental.pallas import tpu as pltpu
from jax.experimental.pallas import tpu_sc as plsc

ROWS = 128
COLS = 32768
K = 64
NC = 2
NS = 16
NW = NC * NS
RPW = ROWS // NW
CPL = COLS // 16
SIGN = -(2 ** 31)


def _shrl(x, n):
    return lax.shift_right_logical(x, lax.full_like(x, n))


def _ukey(v):
    b = plsc.bitcast(v, jnp.int32)
    m = lax.shift_right_arithmetic(b, lax.full_like(b, 31))
    return b ^ (m | jnp.int32(SIGN))


def _byte(u, s):
    if s == 24:
        return _shrl(u, 24)
    return jnp.bitwise_and(_shrl(u, s), jnp.int32(255))


def _zero_hist(hist_v):
    zero16i = jnp.zeros((16,), jnp.int32)

    @plsc.parallel_loop(0, 16 * 256, step=16, unroll=8)
    def _zb(i):
        hist_v[pl.ds(i, 16)] = zero16i


def _collapse(hist_v, histc_v, lane):

    @plsc.parallel_loop(0, 256, step=16)
    def _cg(gbase):
        a = hist_v[pl.ds(gbase, 16)]
        for l in range(1, 16):
            a = a + hist_v[pl.ds(l * 256 + gbase, 16)]
        plsc.store_scatter(histc_v, [lane * 16 + (gbase >> 4)], a)


def _find_digit(histc_v, kk, lane):
    gtot = histc_v[pl.ds(0, 16)]
    for i in range(1, 16):
        gtot = gtot + histc_v[pl.ds(i * 16, 16)]
    grev = lax.rev(gtot, (0,))
    gcs = lax.cumsum(grev, axis=0)
    gidx = jnp.max(plsc.all_reduce_ffs(gcs >= kk))
    g_star = 15 - gidx
    above_g = jnp.sum(jnp.where(lane == gidx, gcs - grev, 0))

    h = plsc.load_gather(histc_v, [lane * 16 + g_star])
    rev = lax.rev(h, (0,))
    cs = lax.cumsum(rev, axis=0)
    idx = jnp.max(plsc.all_reduce_ffs((above_g + cs) >= kk))
    digit = g_star * 16 + 15 - idx
    above_d = above_g + jnp.sum(jnp.where(lane == idx, cs - rev, 0))
    return digit, kk - above_d


def _row_phase_a(row_v, candA_v, hist_v, histc_v, lane, laneoff,
                 lanecpl):
    ones_i = jnp.ones((16,), jnp.int32)
    mask0 = lane >= 1

    _zero_hist(hist_v)
    v0 = row_v[pl.ds(0, 16)]
    u0 = _ukey(v0)
    acc0 = jnp.where(mask0, jnp.exp(v0), jnp.float32(0.0))
    plsc.addupdate_scatter(
        hist_v, [_byte(u0, 24) + laneoff], ones_i, mask=mask0)

    @plsc.parallel_loop(16, COLS, step=16, unroll=8, carry=acc0)
    def _p1(i, acc):
        v = row_v[pl.ds(i, 16)]
        plsc.addupdate_scatter(
            hist_v, [_byte(_ukey(v), 24) + laneoff], ones_i)
        return acc + jnp.exp(v)

    total = jnp.sum(_p1)
    _collapse(hist_v, histc_v, lane)
    b1, rem = _find_digit(histc_v, jnp.int32(K), lane)

    ge0 = jnp.logical_and(_byte(u0, 24) >= b1, mask0)
    plsc.store_scatter(candA_v, [lanecpl], v0, mask=ge0)
    off0 = jnp.where(ge0, 1, 0)

    @plsc.parallel_loop(16, COLS, step=16, unroll=8, carry=off0)
    def _p2(i, off):
        v = row_v[pl.ds(i, 16)]
        ge = _byte(_ukey(v), 24) >= b1
        plsc.store_scatter(candA_v, [lanecpl + off], v, mask=ge)
        return off + jnp.where(ge, 1, 0)

    return total, b1, rem, _p2


def _row_phase_b(state, candA_v, candB_v, hist_v, histc_v, lane, laneoff,
                 lanecpl):
    total, b1, rem, n1p = state
    ones_i = jnp.ones((16,), jnp.int32)
    zf = jnp.zeros((16,), jnp.float32)
    zi = jnp.zeros((16,), jnp.int32)

    _zero_hist(hist_v)
    trips0 = jnp.max(n1p)

    def split(j, carry):
        s, off = carry
        v = plsc.load_gather(candA_v, [lanecpl + j])
        valid = j < n1p
        u = _ukey(v)
        hi = _byte(u, 24)
        gt = jnp.logical_and(valid, hi > b1)
        eq = jnp.logical_and(valid, hi == b1)
        s = s + jnp.where(gt, jnp.exp(v), jnp.float32(0.0))
        plsc.addupdate_scatter(hist_v, [_byte(u, 16) + laneoff], ones_i,
                               mask=eq)
        plsc.store_scatter(candB_v, [lanecpl + off], v, mask=eq)
        return s, off + jnp.where(eq, 1, 0)

    s_gt, n1 = lax.fori_loop(0, trips0, split, (zf, zi))
    _collapse(hist_v, histc_v, lane)
    b2, rem = _find_digit(histc_v, rem, lane)

    def cand_pass(src_v, dst_v, n_src, s_byte, bsel):
        _zero_hist(hist_v)
        trips = jnp.max(n_src)

        def body(j, carry):
            s, off = carry
            v = plsc.load_gather(src_v, [lanecpl + j])
            valid = j < n_src
            u = _ukey(v)
            d = _byte(u, s_byte)
            gt = jnp.logical_and(valid, d > bsel)
            eq = jnp.logical_and(valid, d == bsel)
            s = s + jnp.where(gt, jnp.exp(v), jnp.float32(0.0))
            plsc.addupdate_scatter(hist_v, [_byte(u, s_byte - 8) + laneoff],
                                   ones_i, mask=eq)
            plsc.store_scatter(dst_v, [lanecpl + off], v, mask=eq)
            return s, off + jnp.where(eq, 1, 0)

        s_add, n_dst = lax.fori_loop(0, trips, body, (zf, zi))
        _collapse(hist_v, histc_v, lane)
        return s_add, n_dst

    s3, n2 = cand_pass(candB_v, candA_v, n1, 16, b2)
    s_gt = s_gt + s3
    b3, rem = _find_digit(histc_v, rem, lane)

    s4, n3 = cand_pass(candA_v, candB_v, n2, 8, b3)
    s_gt = s_gt + s4
    b4, rem = _find_digit(histc_v, rem, lane)

    trips3 = jnp.max(n3)

    def p5(j, s):
        v = plsc.load_gather(candB_v, [lanecpl + j])
        valid = j < n3
        d = _byte(_ukey(v), 0)
        gt = jnp.logical_and(valid, d > b4)
        return s + jnp.where(gt, jnp.exp(v), jnp.float32(0.0))

    s_gt = s_gt + lax.fori_loop(0, trips3, p5, zf)
    sum_gt = jnp.sum(s_gt)

    t_u = jnp.bitwise_or(
        jnp.left_shift(
            jnp.bitwise_or(
                jnp.left_shift(
                    jnp.bitwise_or(jnp.left_shift(b1, 8), b2), 8),
                b3), 8),
        b4)
    tvec = jnp.full((16,), t_u, jnp.int32)
    bt = jnp.where(tvec < 0, tvec ^ jnp.int32(SIGN),
                   jnp.bitwise_xor(tvec, jnp.int32(-1)))
    exp_t = jnp.max(jnp.exp(plsc.bitcast(bt, jnp.float32)))

    top = sum_gt + rem.astype(jnp.float32) * exp_t
    return total - top


def _sc_body(y_hbm, out_hbm, row_v, candA_v, candB_v, hist_v, histc_v,
             ng_v, sem):
    wid = lax.axis_index("s") * NC + lax.axis_index("c")
    lane = lax.iota(jnp.int32, 16)
    laneoff = lane * 256
    lanecpl = lane * CPL

    ngvec0 = jnp.ones((16,), jnp.float32)
    pltpu.sync_copy(y_hbm.at[wid * RPW], row_v)

    def rbody(j, ngvec):
        state = _row_phase_a(row_v, candA_v, hist_v, histc_v, lane,
                             laneoff, lanecpl)
        nxt = wid * RPW + jnp.minimum(j + 1, RPW - 1)
        cp = pltpu.async_copy(y_hbm.at[nxt], row_v, sem)
        ng = _row_phase_b(state, candA_v, candB_v, hist_v, histc_v, lane,
                          laneoff, lanecpl)
        cp.wait()
        return jnp.where(lane == j, ng, ngvec)

    ngvec = lax.fori_loop(0, RPW, rbody, ngvec0)
    ng_v[...] = ngvec
    pltpu.sync_copy(ng_v, out_hbm.at[wid])


def _finish_kernel(ng_ref, y_ref, out_ref):
    ng = ng_ref[...]
    y = y_ref[...]
    col = lax.broadcasted_iota(jnp.int32, y.shape, 1)
    pos_sum = jnp.sum(jnp.where(col == 0, y, 0.0))
    out_ref[0, 0] = (jnp.sum(jnp.log(ng)) - pos_sum) * (1.0 / ROWS)


@jax.jit
def kernel(y_pred):
    mesh = plsc.VectorSubcoreMesh(core_axis_name="c", subcore_axis_name="s")
    sc = pl.kernel(
        _sc_body,
        out_type=jax.ShapeDtypeStruct((NW, 16), jnp.float32),
        mesh=mesh,
        compiler_params=pltpu.CompilerParams(needs_layout_passes=False),
        scratch_types=[
            pltpu.VMEM((COLS,), jnp.float32),
            pltpu.VMEM((COLS,), jnp.float32),
            pltpu.VMEM((COLS,), jnp.float32),
            pltpu.VMEM((16 * 256,), jnp.int32),
            pltpu.VMEM((256,), jnp.int32),
            pltpu.VMEM((16,), jnp.float32),
            pltpu.SemaphoreType.DMA,
        ],
    )
    ng = sc(y_pred)

    out = pl.pallas_call(
        _finish_kernel,
        grid=(1,),
        in_specs=[
            pl.BlockSpec((NW, 16), lambda i: (0, 0)),
            pl.BlockSpec((ROWS, 128), lambda i: (0, 0)),
        ],
        out_specs=pl.BlockSpec((1, 1), lambda i: (0, 0),
                               memory_space=pltpu.SMEM),
        out_shape=jax.ShapeDtypeStruct((1, 1), jnp.float32),
    )(ng, y_pred)
    return out[0, 0]

# --- scband reference (transcript-rebuilt; emitter-appended) ---
"""Pipeline reference for scband-doro-loss-84731114816030 (READ-ONLY COPY).

The authoritative reference and input builder live on the scoring server;
editing this copy changes nothing except your own understanding.
"""

import jax, jax.numpy as jnp
import numpy as np

TEMPERATURE = 1.0
CHOOSE_NUM = 64


def setup_inputs(seed: int = 0) -> dict:
    key = jax.random.key(seed)
    y_pred = jax.random.normal(key, (128, 32768), dtype=jnp.float32)
    return {"y_pred": y_pred}


def reference(y_pred):
    pos_logits = jnp.exp(y_pred[:, 0] / TEMPERATURE)
    neg_logits = jnp.exp(y_pred[:, 1:] / TEMPERATURE)
    # argsort descending, drop the top `CHOOSE_NUM` negatives
    rk = jnp.argsort(-neg_logits, axis=1)[:, CHOOSE_NUM:]
    Ng = jnp.take_along_axis(neg_logits, rk, axis=1).sum(axis=-1)
    loss = -jnp.log(pos_logits / Ng)
    return loss.mean()

if __name__ == "__main__":
    import jax
    _d = setup_inputs()
    print(jax.jit(kernel)(*tuple(_d.values())))

</pallas_src>

<mosaic_0001>
#map = affine_map<(d0, d1) -> (0, 0)>
module attributes {stable_mosaic.version = 14 : i64} {
  func.func @_sc_body(%arg0: i32, %arg1: i32, %arg2: memref<128x32768xf32, #tpu.memory_space<hbm>>, %arg3: memref<32x16xf32, #tpu.memory_space<hbm>>, %arg4: memref<32768xf32, #tpu.memory_space<vmem>>, %arg5: memref<32768xf32, #tpu.memory_space<vmem>>, %arg6: memref<32768xf32, #tpu.memory_space<vmem>>, %arg7: memref<4096xi32, #tpu.memory_space<vmem>>, %arg8: memref<256xi32, #tpu.memory_space<vmem>>, %arg9: memref<16xf32, #tpu.memory_space<vmem>>, %arg10: memref<!tpu.dma_semaphore, #tpu.memory_space<semaphore_mem>>) attributes {dimension_semantics = [#tpu.dimension_semantics<core_parallel>, #tpu.dimension_semantics<subcore_parallel>], iteration_bounds = array<i64: 2, 16>, scalar_prefetch = 0 : i64, scratch_operands = 7 : i64, tpu.core_type = #tpu.core_type<sc_vector_subcore>, window_params = [{transform_indices = #map}, {transform_indices = #map}]} {
    %mul3A = arith.constant 2 : i32
    %mul3A_0 = arith.muli %arg1, %mul3A : i32
    %add3A = arith.addi %mul3A_0, %arg0 : i32
    %iota3A = tpu.iota {dimensions = array<i32: 0>} : vector<16xi32>
    %mul3A_1 = arith.constant 256 : i32
    %mul3A_2 = vector.broadcast %mul3A_1 : i32 to vector<16xi32>
    %mul3A_3 = arith.muli %iota3A, %mul3A_2 : vector<16xi32>
    %mul3A_4 = arith.constant 2048 : i32
    %mul3A_5 = vector.broadcast %mul3A_4 : i32 to vector<16xi32>
    %mul3A_6 = arith.muli %iota3A, %mul3A_5 : vector<16xi32>
    %broadcast_in_dim3A = arith.constant 1.000000e+00 : f32
    %broadcast_in_dim3A_7 = vector.broadcast %broadcast_in_dim3A : f32 to vector<16xf32>
    %mul3A_8 = arith.constant 4 : i32
    %mul3A_9 = arith.muli %add3A, %mul3A_8 : i32
    "tpu.region"() ({
      %run_scoped3A = tpu.sem_alloc : memref<!tpu.dma_semaphore, #tpu.memory_space<semaphore_mem>>
      %dma_start3A = arith.constant 0 : i32
      %dma_start3A_16 = tpu.memref_slice %arg2[%mul3A_9, %dma_start3A] : memref<128x32768xf32, #tpu.memory_space<hbm>> -> memref<1x32768xf32, #tpu.memory_space<hbm>>
      %dma_start3A_17 = tpu.memref_squeeze %dma_start3A_16 : memref<1x32768xf32, #tpu.memory_space<hbm>> -> memref<32768xf32, #tpu.memory_space<hbm>>
      %dma_start3A_18 = arith.constant 0 : i32
      %dma_start3A_19 = tpu.memref_slice %arg2[%mul3A_9, %dma_start3A_18] : memref<128x32768xf32, #tpu.memory_space<hbm>> -> memref<1x32768xf32, #tpu.memory_space<hbm>>
      %dma_start3A_20 = tpu.memref_squeeze %dma_start3A_19 : memref<1x32768xf32, #tpu.memory_space<hbm>> -> memref<32768xf32, #tpu.memory_space<hbm>>
      tpu.enqueue_dma source(%dma_start3A_20 : memref<32768xf32, #tpu.memory_space<hbm>>) target(%arg4 : memref<32768xf32, #tpu.memory_space<vmem>>) target_semaphore(%run_scoped3A : memref<!tpu.dma_semaphore, #tpu.memory_space<semaphore_mem>>)
      %dma_wait3A = arith.constant 0 : i32
      %dma_wait3A_21 = tpu.memref_slice %arg2[%mul3A_9, %dma_wait3A] : memref<128x32768xf32, #tpu.memory_space<hbm>> -> memref<1x32768xf32, #tpu.memory_space<hbm>>
      %dma_wait3A_22 = tpu.memref_squeeze %dma_wait3A_21 : memref<1x32768xf32, #tpu.memory_space<hbm>> -> memref<32768xf32, #tpu.memory_space<hbm>>
      %dma_wait3A_23 = arith.constant 0 : i32
      %dma_wait3A_24 = tpu.memref_slice %arg2[%mul3A_9, %dma_wait3A_23] : memref<128x32768xf32, #tpu.memory_space<hbm>> -> memref<1x32768xf32, #tpu.memory_space<hbm>>
      %dma_wait3A_25 = tpu.memref_squeeze %dma_wait3A_24 : memref<1x32768xf32, #tpu.memory_space<hbm>> -> memref<32768xf32, #tpu.memory_space<hbm>>
      tpu.wait_dma2 semaphore(%run_scoped3A : memref<!tpu.dma_semaphore, #tpu.memory_space<semaphore_mem>>) src(%dma_wait3A_25 : memref<32768xf32, #tpu.memory_space<hbm>>) dst(%arg4 : memref<32768xf32, #tpu.memory_space<vmem>>)
      tpu.yield
    }) : () -> ()
    %scan3A = arith.constant 0 : i32
    %scan3A_10 = arith.constant 4 : i32
    %scan3A_11 = arith.addi %scan3A, %scan3A_10 : i32
    %scan3A_12 = arith.constant 1 : i32
    %scan3A_13 = scf.for %scan3A_16 = %scan3A to %scan3A_11 step %scan3A_12 iter_args(%scan3A_17 = %broadcast_in_dim3A_7) -> (vector<16xf32>)  : i32 {
      %broadcast_in_dim3A_18 = arith.constant 1 : i32
      %broadcast_in_dim3A_19 = vector.broadcast %broadcast_in_dim3A_18 : i32 to vector<16xi32>
      %ge3A = arith.constant 1 : i32
      %ge3A_20 = vector.broadcast %ge3A : i32 to vector<16xi32>
      %ge3A_21 = arith.cmpi sge, %iota3A, %ge3A_20 : vector<16xi32>
      %broadcast_in_dim3A_22 = arith.constant 0 : i32
      %broadcast_in_dim3A_23 = vector.broadcast %broadcast_in_dim3A_22 : i32 to vector<16xi32>
      %parallel_loop3A = arith.constant 0 : i32
      %parallel_loop3A_24 = arith.constant 4096 : i32
      %parallel_loop3A_25 = arith.constant 16 : i32
      scf.for %parallel_loop3A_702 = %parallel_loop3A to %parallel_loop3A_24 step %parallel_loop3A_25  : i32 {
        %parallel_loop3A_703 = arith.index_cast %parallel_loop3A_702 : i32 to index
        %parallel_loop3A_704 = tpu.vector_load %arg7[%parallel_loop3A_703] {strides = array<i32>} : memref<4096xi32, #tpu.memory_space<vmem>>, vector<16xi32>,
        tpu.vector_store %arg7[%parallel_loop3A_703], %broadcast_in_dim3A_23 {strides = array<i32>} : memref<4096xi32, #tpu.memory_space<vmem>>, vector<16xi32>,
      } {sc.loop_unroll_factor = 8 : i64, sc.parallel_access}
      %get3A = arith.constant 0 : index
      %get3A_26 = tpu.vector_load %arg4[%get3A] {strides = array<i32>} : memref<32768xf32, #tpu.memory_space<vmem>>, vector<16xf32>,
      %bitcast3A = vector.bitcast %get3A_26 : vector<16xf32> to vector<16xi32>
      %broadcast_in_dim3A_27 = arith.constant 31 : i32
      %broadcast_in_dim3A_28 = vector.broadcast %broadcast_in_dim3A_27 : i32 to vector<16xi32>
      %shift_right_arithmetic3A = arith.shrsi %bitcast3A, %broadcast_in_dim3A_28 : vector<16xi32>
      %or3A = arith.constant -2147483648 : i32
      %or3A_29 = vector.broadcast %or3A : i32 to vector<16xi32>
      %or3A_30 = arith.ori %shift_right_arithmetic3A, %or3A_29 : vector<16xi32>
      %xor3A = arith.xori %bitcast3A, %or3A_30 : vector<16xi32>
      %exp3A = math.exp %get3A_26 : vector<16xf32>
      %jit3A = arith.constant 0.000000e+00 : f32
      %broadcast_in_dim3A_31 = vector.broadcast %jit3A : f32 to vector<16xf32>
      %select_n3A = arith.select %ge3A_21, %exp3A, %broadcast_in_dim3A_31 : vector<16xi1>, vector<16xf32>
      %broadcast_in_dim3A_32 = arith.constant 24 : i32
      %broadcast_in_dim3A_33 = vector.broadcast %broadcast_in_dim3A_32 : i32 to vector<16xi32>
      %shift_right_logical3A = arith.shrui %xor3A, %broadcast_in_dim3A_33 : vector<16xi32>
      %add3A_34 = arith.addi %shift_right_logical3A, %mul3A_3 : vector<16xi32>
      tpu.vector_store_idx %arg7[%add3A_34], %broadcast_in_dim3A_19 masked %ge3A_21 {add = true} : memref<4096xi32, #tpu.memory_space<vmem>>[vector<16xi32>], vector<16xi32>, vector<16xi1>
      %parallel_loop3A_35 = arith.constant 16 : i32
      %parallel_loop3A_36 = arith.constant 32768 : i32
      %parallel_loop3A_37 = arith.constant 16 : i32
      %parallel_loop3A_38 = scf.for %parallel_loop3A_702 = %parallel_loop3A_35 to %parallel_loop3A_36 step %parallel_loop3A_37 iter_args(%parallel_loop3A_703 = %select_n3A) -> (vector<16xf32>)  : i32 {
        %parallel_loop3A_704 = arith.index_cast %parallel_loop3A_702 : i32 to index
        %parallel_loop3A_705 = tpu.vector_load %arg4[%parallel_loop3A_704] {strides = array<i32>} : memref<32768xf32, #tpu.memory_space<vmem>>, vector<16xf32>,
        %parallel_loop3A_706 = vector.bitcast %parallel_loop3A_705 : vector<16xf32> to vector<16xi32>
        %parallel_loop3A_707 = arith.constant 31 : i32
        %parallel_loop3A_708 = vector.broadcast %parallel_loop3A_707 : i32 to vector<16xi32>
        %parallel_loop3A_709 = arith.shrsi %parallel_loop3A_706, %parallel_loop3A_708 : vector<16xi32>
        %parallel_loop3A_710 = arith.constant -2147483648 : i32
        %parallel_loop3A_711 = vector.broadcast %parallel_loop3A_710 : i32 to vector<16xi32>
        %parallel_loop3A_712 = arith.ori %parallel_loop3A_709, %parallel_loop3A_711 : vector<16xi32>
        %parallel_loop3A_713 = arith.xori %parallel_loop3A_706, %parallel_loop3A_712 : vector<16xi32>
        %parallel_loop3A_714 = arith.constant 24 : i32
        %parallel_loop3A_715 = vector.broadcast %parallel_loop3A_714 : i32 to vector<16xi32>
        %parallel_loop3A_716 = arith.shrui %parallel_loop3A_713, %parallel_loop3A_715 : vector<16xi32>
        %parallel_loop3A_717 = arith.addi %parallel_loop3A_716, %mul3A_3 : vector<16xi32>
        tpu.vector_store_idx %arg7[%parallel_loop3A_717], %broadcast_in_dim3A_19 {add = true} : memref<4096xi32, #tpu.memory_space<vmem>>[vector<16xi32>], vector<16xi32>,
        %parallel_loop3A_718 = math.exp %parallel_loop3A_705 : vector<16xf32>
        %parallel_loop3A_719 = arith.addf %parallel_loop3A_703, %parallel_loop3A_718 : vector<16xf32>
        scf.yield %parallel_loop3A_719 : vector<16xf32>
      } {sc.loop_unroll_factor = 8 : i64, sc.parallel_access}
      %reduce_sum3A = arith.constant true
      %reduce_sum3A_39 = vector.broadcast %reduce_sum3A : i1 to vector<16xi1>
      %reduce_sum3A_40 = tpu.scan <sum>, %parallel_loop3A_38 masked %reduce_sum3A_39 : vector<16xf32>, vector<16xi1> -> vector<16xf32>
      %reduce_sum3A_41 = vector.extract %reduce_sum3A_40[15] : f32 from vector<16xf32>
      %parallel_loop3A_42 = arith.constant 0 : i32
      %parallel_loop3A_43 = arith.constant 256 : i32
      %parallel_loop3A_44 = arith.constant 16 : i32
      scf.for %parallel_loop3A_702 = %parallel_loop3A_42 to %parallel_loop3A_43 step %parallel_loop3A_44  : i32 {
        %parallel_loop3A_703 = arith.index_cast %parallel_loop3A_702 : i32 to index
        %parallel_loop3A_704 = tpu.vector_load %arg7[%parallel_loop3A_703] {strides = array<i32>} : memref<4096xi32, #tpu.memory_space<vmem>>, vector<16xi32>,
        %parallel_loop3A_705 = arith.constant 256 : i32
        %parallel_loop3A_706 = arith.addi %parallel_loop3A_705, %parallel_loop3A_702 : i32
        %parallel_loop3A_707 = arith.index_cast %parallel_loop3A_706 : i32 to index
        %parallel_loop3A_708 = tpu.vector_load %arg7[%parallel_loop3A_707] {strides = array<i32>} : memref<4096xi32, #tpu.memory_space<vmem>>, vector<16xi32>,
        %parallel_loop3A_709 = arith.addi %parallel_loop3A_704, %parallel_loop3A_708 : vector<16xi32>
        %parallel_loop3A_710 = arith.constant 512 : i32
        %parallel_loop3A_711 = arith.addi %parallel_loop3A_710, %parallel_loop3A_702 : i32
        %parallel_loop3A_712 = arith.index_cast %parallel_loop3A_711 : i32 to index
        %parallel_loop3A_713 = tpu.vector_load %arg7[%parallel_loop3A_712] {strides = array<i32>} : memref<4096xi32, #tpu.memory_space<vmem>>, vector<16xi32>,
        %parallel_loop3A_714 = arith.addi %parallel_loop3A_709, %parallel_loop3A_713 : vector<16xi32>
        %parallel_loop3A_715 = arith.constant 768 : i32
        %parallel_loop3A_716 = arith.addi %parallel_loop3A_715, %parallel_loop3A_702 : i32
        %parallel_loop3A_717 = arith.index_cast %parallel_loop3A_716 : i32 to index
        %parallel_loop3A_718 = tpu.vector_load %arg7[%parallel_loop3A_717] {strides = array<i32>} : memref<4096xi32, #tpu.memory_space<vmem>>, vector<16xi32>,
        %parallel_loop3A_719 = arith.addi %parallel_loop3A_714, %parallel_loop3A_718 : vector<16xi32>
        %parallel_loop3A_720 = arith.constant 1024 : i32
        %parallel_loop3A_721 = arith.addi %parallel_loop3A_720, %parallel_loop3A_702 : i32
        %parallel_loop3A_722 = arith.index_cast %parallel_loop3A_721 : i32 to index
        %parallel_loop3A_723 = tpu.vector_load %arg7[%parallel_loop3A_722] {strides = array<i32>} : memref<4096xi32, #tpu.memory_space<vmem>>, vector<16xi32>,
        %parallel_loop3A_724 = arith.addi %parallel_loop3A_719, %parallel_loop3A_723 : vector<16xi32>
        %parallel_loop3A_725 = arith.constant 1280 : i32
        %parallel_loop3A_726 = arith.addi %parallel_loop3A_725, %parallel_loop3A_702 : i32
        %parallel_loop3A_727 = arith.index_cast %parallel_loop3A_726 : i32 to index
        %parallel_loop3A_728 = tpu.vector_load %arg7[%parallel_loop3A_727] {strides = array<i32>} : memref<4096xi32, #tpu.memory_space<vmem>>, vector<16xi32>,
        %parallel_loop3A_729 = arith.addi %parallel_loop3A_724, %parallel_loop3A_728 : vector<16xi32>
        %parallel_loop3A_730 = arith.constant 1536 : i32
        %parallel_loop3A_731 = arith.addi %parallel_loop3A_730, %parallel_loop3A_702 : i32
        %parallel_loop3A_732 = arith.index_cast %parallel_loop3A_731 : i32 to index
        %parallel_loop3A_733 = tpu.vector_load %arg7[%parallel_loop3A_732] {strides = array<i32>} : memref<4096xi32, #tpu.memory_space<vmem>>, vector<16xi32>,
        %parallel_loop3A_734 = arith.addi %parallel_loop3A_729, %parallel_loop3A_733 : vector<16xi32>
        %parallel_loop3A_735 = arith.constant 1792 : i32
        %parallel_loop3A_736 = arith.addi %parallel_loop3A_735, %parallel_loop3A_702 : i32
        %parallel_loop3A_737 = arith.index_cast %parallel_loop3A_736 : i32 to index
        %parallel_loop3A_738 = tpu.vector_load %arg7[%parallel_loop3A_737] {strides = array<i32>} : memref<4096xi32, #tpu.memory_space<vmem>>, vector<16xi32>,
        %parallel_loop3A_739 = arith.addi %parallel_loop3A_734, %parallel_loop3A_738 : vector<16xi32>
        %parallel_loop3A_740 = arith.constant 2048 : i32
        %parallel_loop3A_741 = arith.addi %parallel_loop3A_740, %parallel_loop3A_702 : i32
        %parallel_loop3A_742 = arith.index_cast %parallel_loop3A_741 : i32 to index
        %parallel_loop3A_743 = tpu.vector_load %arg7[%parallel_loop3A_742] {strides = array<i32>} : memref<4096xi32, #tpu.memory_space<vmem>>, vector<16xi32>,
        %parallel_loop3A_744 = arith.addi %parallel_loop3A_739, %parallel_loop3A_743 : vector<16xi32>
        %parallel_loop3A_745 = arith.constant 2304 : i32
        %parallel_loop3A_746 = arith.addi %parallel_loop3A_745, %parallel_loop3A_702 : i32
        %parallel_loop3A_747 = arith.index_cast %parallel_loop3A_746 : i32 to index
        %parallel_loop3A_748 = tpu.vector_load %arg7[%parallel_loop3A_747] {strides = array<i32>} : memref<4096xi32, #tpu.memory_space<vmem>>, vector<16xi32>,
        %parallel_loop3A_749 = arith.addi %parallel_loop3A_744, %parallel_loop3A_748 : vector<16xi32>
        %parallel_loop3A_750 = arith.constant 2560 : i32
        %parallel_loop3A_751 = arith.addi %parallel_loop3A_750, %parallel_loop3A_702 : i32
        %parallel_loop3A_752 = arith.index_cast %parallel_loop3A_751 : i32 to index
        %parallel_loop3A_753 = tpu.vector_load %arg7[%parallel_loop3A_752] {strides = array<i32>} : memref<4096xi32, #tpu.memory_space<vmem>>, vector<16xi32>,
        %parallel_loop3A_754 = arith.addi %parallel_loop3A_749, %parallel_loop3A_753 : vector<16xi32>
        %parallel_loop3A_755 = arith.constant 2816 : i32
        %parallel_loop3A_756 = arith.addi %parallel_loop3A_755, %parallel_loop3A_702 : i32
        %parallel_loop3A_757 = arith.index_cast %parallel_loop3A_756 : i32 to index
        %parallel_loop3A_758 = tpu.vector_load %arg7[%parallel_loop3A_757] {strides = array<i32>} : memref<4096xi32, #tpu.memory_space<vmem>>, vector<16xi32>,
        %parallel_loop3A_759 = arith.addi %parallel_loop3A_754, %parallel_loop3A_758 : vector<16xi32>
        %parallel_loop3A_760 = arith.constant 3072 : i32
        %parallel_loop3A_761 = arith.addi %parallel_loop3A_760, %parallel_loop3A_702 : i32
        %parallel_loop3A_762 = arith.index_cast %parallel_loop3A_761 : i32 to index
        %parallel_loop3A_763 = tpu.vector_load %arg7[%parallel_loop3A_762] {strides = array<i32>} : memref<4096xi32, #tpu.memory_space<vmem>>, vector<16xi32>,
        %parallel_loop3A_764 = arith.addi %parallel_loop3A_759, %parallel_loop3A_763 : vector<16xi32>
        %parallel_loop3A_765 = arith.constant 3328 : i32
        %parallel_loop3A_766 = arith.addi %parallel_loop3A_765, %parallel_loop3A_702 : i32
        %parallel_loop3A_767 = arith.index_cast %parallel_loop3A_766 : i32 to index
        %parallel_loop3A_768 = tpu.vector_load %arg7[%parallel_loop3A_767] {strides = array<i32>} : memref<4096xi32, #tpu.memory_space<vmem>>, vector<16xi32>,
        %parallel_loop3A_769 = arith.addi %parallel_loop3A_764, %parallel_loop3A_768 : vector<16xi32>
        %parallel_loop3A_770 = arith.constant 3584 : i32
        %parallel_loop3A_771 = arith.addi %parallel_loop3A_770, %parallel_loop3A_702 : i32
        %parallel_loop3A_772 = arith.index_cast %parallel_loop3A_771 : i32 to index
        %parallel_loop3A_773 = tpu.vector_load %arg7[%parallel_loop3A_772] {strides = array<i32>} : memref<4096xi32, #tpu.memory_space<vmem>>, vector<16xi32>,
        %parallel_loop3A_774 = arith.addi %parallel_loop3A_769, %parallel_loop3A_773 : vector<16xi32>
        %parallel_loop3A_775 = arith.constant 3840 : i32
        %parallel_loop3A_776 = arith.addi %parallel_loop3A_775, %parallel_loop3A_702 : i32
        %parallel_loop3A_777 = arith.index_cast %parallel_loop3A_776 : i32 to index
        %parallel_loop3A_778 = tpu.vector_load %arg7[%parallel_loop3A_777] {strides = array<i32>} : memref<4096xi32, #tpu.memory_space<vmem>>, vector<16xi32>,
        %parallel_loop3A_779 = arith.addi %parallel_loop3A_774, %parallel_loop3A_778 : vector<16xi32>
        %parallel_loop3A_780 = arith.constant 16 : i32
        %parallel_loop3A_781 = vector.broadcast %parallel_loop3A_780 : i32 to vector<16xi32>
        %parallel_loop3A_782 = arith.muli %iota3A, %parallel_loop3A_781 : vector<16xi32>
        %parallel_loop3A_783 = arith.constant 4 : i32
        %parallel_loop3A_784 = arith.shrsi %parallel_loop3A_702, %parallel_loop3A_783 : i32
        %parallel_loop3A_785 = vector.broadcast %parallel_loop3A_784 : i32 to vector<16xi32>
        %parallel_loop3A_786 = arith.addi %parallel_loop3A_782, %parallel_loop3A_785 : vector<16xi32>
        tpu.vector_store_idx %arg8[%parallel_loop3A_786], %parallel_loop3A_779 : memref<256xi32, #tpu.memory_space<vmem>>[vector<16xi32>], vector<16xi32>,
      } {sc.loop_unroll_factor = 1 : i64, sc.parallel_access}
      %get3A_45 = arith.constant 0 : index
      %get3A_46 = tpu.vector_load %arg8[%get3A_45] {strides = array<i32>} : memref<256xi32, #tpu.memory_space<vmem>>, vector<16xi32>,
      %get3A_47 = arith.constant 16 : index
      %get3A_48 = tpu.vector_load %arg8[%get3A_47] {strides = array<i32>} : memref<256xi32, #tpu.memory_space<vmem>>, vector<16xi32>,
      %add3A_49 = arith.addi %get3A_46, %get3A_48 : vector<16xi32>
      %get3A_50 = arith.constant 32 : index
      %get3A_51 = tpu.vector_load %arg8[%get3A_50] {strides = array<i32>} : memref<256xi32, #tpu.memory_space<vmem>>, vector<16xi32>,
      %add3A_52 = arith.addi %add3A_49, %get3A_51 : vector<16xi32>
      %get3A_53 = arith.constant 48 : index
      %get3A_54 = tpu.vector_load %arg8[%get3A_53] {strides = array<i32>} : memref<256xi32, #tpu.memory_space<vmem>>, vector<16xi32>,
      %add3A_55 = arith.addi %add3A_52, %get3A_54 : vector<16xi32>
      %get3A_56 = arith.constant 64 : index
      %get3A_57 = tpu.vector_load %arg8[%get3A_56] {strides = array<i32>} : memref<256xi32, #tpu.memory_space<vmem>>, vector<16xi32>,
      %add3A_58 = arith.addi %add3A_55, %get3A_57 : vector<16xi32>
      %get3A_59 = arith.constant 80 : index
      %get3A_60 = tpu.vector_load %arg8[%get3A_59] {strides = array<i32>} : memref<256xi32, #tpu.memory_space<vmem>>, vector<16xi32>,
      %add3A_61 = arith.addi %add3A_58, %get3A_60 : vector<16xi32>
      %get3A_62 = arith.constant 96 : index
      %get3A_63 = tpu.vector_load %arg8[%get3A_62] {strides = array<i32>} : memref<256xi32, #tpu.memory_space<vmem>>, vector<16xi32>,
      %add3A_64 = arith.addi %add3A_61, %get3A_63 : vector<16xi32>
      %get3A_65 = arith.constant 112 : index
      %get3A_66 = tpu.vector_load %arg8[%get3A_65] {strides = array<i32>} : memref<256xi32, #tpu.memory_space<vmem>>, vector<16xi32>,
      %add3A_67 = arith.addi %add3A_64, %get3A_66 : vector<16xi32>
      %get3A_68 = arith.constant 128 : index
      %get3A_69 = tpu.vector_load %arg8[%get3A_68] {strides = array<i32>} : memref<256xi32, #tpu.memory_space<vmem>>, vector<16xi32>,
      %add3A_70 = arith.addi %add3A_67, %get3A_69 : vector<16xi32>
      %get3A_71 = arith.constant 144 : index
      %get3A_72 = tpu.vector_load %arg8[%get3A_71] {strides = array<i32>} : memref<256xi32, #tpu.memory_space<vmem>>, vector<16xi32>,
      %add3A_73 = arith.addi %add3A_70, %get3A_72 : vector<16xi32>
      %get3A_74 = arith.constant 160 : index
      %get3A_75 = tpu.vector_load %arg8[%get3A_74] {strides = array<i32>} : memref<256xi32, #tpu.memory_space<vmem>>, vector<16xi32>,
      %add3A_76 = arith.addi %add3A_73, %get3A_75 : vector<16xi32>
      %get3A_77 = arith.constant 176 : index
      %get3A_78 = tpu.vector_load %arg8[%get3A_77] {strides = array<i32>} : memref<256xi32, #tpu.memory_space<vmem>>, vector<16xi32>,
      %add3A_79 = arith.addi %add3A_76, %get3A_78 : vector<16xi32>
      %get3A_80 = arith.constant 192 : index
      %get3A_81 = tpu.vector_load %arg8[%get3A_80] {strides = array<i32>} : memref<256xi32, #tpu.memory_space<vmem>>, vector<16xi32>,
      %add3A_82 = arith.addi %add3A_79, %get3A_81 : vector<16xi32>
      %get3A_83 = arith.constant 208 : index
      %get3A_84 = tpu.vector_load %arg8[%get3A_83] {strides = array<i32>} : memref<256xi32, #tpu.memory_space<vmem>>, vector<16xi32>,
      %add3A_85 = arith.addi %add3A_82, %get3A_84 : vector<16xi32>
      %get3A_86 = arith.constant 224 : index
      %get3A_87 = tpu.vector_load %arg8[%get3A_86] {strides = array<i32>} : memref<256xi32, #tpu.memory_space<vmem>>, vector<16xi32>,
      %add3A_88 = arith.addi %add3A_85, %get3A_87 : vector<16xi32>
      %get3A_89 = arith.constant 240 : index
      %get3A_90 = tpu.vector_load %arg8[%get3A_89] {strides = array<i32>} : memref<256xi32, #tpu.memory_space<vmem>>, vector<16xi32>,
      %add3A_91 = arith.addi %add3A_88, %get3A_90 : vector<16xi32>
      %rev3A = arith.constant 15 : i32
      %rev3A_92 = vector.broadcast %rev3A : i32 to vector<16xi32>
      %rev3A_93 = tpu.iota {dimensions = array<i32: 0>} : vector<16xi32>
      %rev3A_94 = arith.subi %rev3A_92, %rev3A_93 : vector<16xi32>
      %rev3A_95 = tpu.dynamic_gather %add3A_91[%rev3A_94] in [0] : vector<16xi32>, vector<16xi32> -> vector<16xi32>
      %cumsum3A = arith.constant true
      %cumsum3A_96 = vector.broadcast %cumsum3A : i1 to vector<16xi1>
      %cumsum3A_97 = tpu.scan <sum>, %rev3A_95 masked %cumsum3A_96 : vector<16xi32>, vector<16xi1> -> vector<16xi32>
      %ge3A_98 = arith.constant 64 : i32
      %ge3A_99 = vector.broadcast %ge3A_98 : i32 to vector<16xi32>
      %ge3A_100 = arith.cmpi sge, %cumsum3A_97, %ge3A_99 : vector<16xi32>
      %all_reduce_ffs3A = tpu.all_reduce %ge3A_100 {dim = 0 : i64, kind = #tpu.reduction_kind<find_first_set>} : vector<16xi1> -> vector<16xi32>
      %reduce_max3A = arith.constant true
      %reduce_max3A_101 = vector.broadcast %reduce_max3A : i1 to vector<16xi1>
      %reduce_max3A_102 = arith.constant -2147483648 : i32
      %reduce_max3A_103 = vector.broadcast %reduce_max3A_102 : i32 to vector<16xi32>
      %reduce_max3A_104 = arith.xori %all_reduce_ffs3A, %reduce_max3A_103 : vector<16xi32>
      %reduce_max3A_105 = tpu.scan <max>, %reduce_max3A_104 masked %reduce_max3A_101 : vector<16xi32>, vector<16xi1> -> vector<16xi32>
      %reduce_max3A_106 = arith.xori %reduce_max3A_105, %reduce_max3A_103 : vector<16xi32>
      %reduce_max3A_107 = vector.extract %reduce_max3A_106[15] : i32 from vector<16xi32>
      %sub3A = arith.constant 15 : i32
      %sub3A_108 = arith.subi %sub3A, %reduce_max3A_107 : i32
      %eq3A = vector.broadcast %reduce_max3A_107 : i32 to vector<16xi32>
      %eq3A_109 = arith.cmpi eq, %iota3A, %eq3A : vector<16xi32>
      %sub3A_110 = arith.subi %cumsum3A_97, %rev3A_95 : vector<16xi32>
      %jit3A_111 = arith.constant 0 : i32
      %broadcast_in_dim3A_112 = vector.broadcast %jit3A_111 : i32 to vector<16xi32>
      %select_n3A_113 = arith.select %eq3A_109, %sub3A_110, %broadcast_in_dim3A_112 : vector<16xi1>, vector<16xi32>
      %reduce_sum3A_114 = arith.constant true
      %reduce_sum3A_115 = vector.broadcast %reduce_sum3A_114 : i1 to vector<16xi1>
      %reduce_sum3A_116 = tpu.scan <sum>, %select_n3A_113 masked %reduce_sum3A_115 : vector<16xi32>, vector<16xi1> -> vector<16xi32>
      %reduce_sum3A_117 = vector.extract %reduce_sum3A_116[15] : i32 from vector<16xi32>
      %mul3A_118 = arith.constant 16 : i32
      %mul3A_119 = vector.broadcast %mul3A_118 : i32 to vector<16xi32>
      %mul3A_120 = arith.muli %iota3A, %mul3A_119 : vector<16xi32>
      %add3A_121 = vector.broadcast %sub3A_108 : i32 to vector<16xi32>
      %add3A_122 = arith.addi %mul3A_120, %add3A_121 : vector<16xi32>
      %gather3A = tpu.vector_load_idx %arg8[%add3A_122] : memref<256xi32, #tpu.memory_space<vmem>>[vector<16xi32>], vector<16xi32>,
      %rev3A_123 = arith.constant 15 : i32
      %rev3A_124 = vector.broadcast %rev3A_123 : i32 to vector<16xi32>
      %rev3A_125 = tpu.iota {dimensions = array<i32: 0>} : vector<16xi32>
      %rev3A_126 = arith.subi %rev3A_124, %rev3A_125 : vector<16xi32>
      %rev3A_127 = tpu.dynamic_gather %gather3A[%rev3A_126] in [0] : vector<16xi32>, vector<16xi32> -> vector<16xi32>
      %cumsum3A_128 = arith.constant true
      %cumsum3A_129 = vector.broadcast %cumsum3A_128 : i1 to vector<16xi1>
      %cumsum3A_130 = tpu.scan <sum>, %rev3A_127 masked %cumsum3A_129 : vector<16xi32>, vector<16xi1> -> vector<16xi32>
      %add3A_131 = vector.broadcast %reduce_sum3A_117 : i32 to vector<16xi32>
      %add3A_132 = arith.addi %add3A_131, %cumsum3A_130 : vector<16xi32>
      %ge3A_133 = arith.constant 64 : i32
      %ge3A_134 = vector.broadcast %ge3A_133 : i32 to vector<16xi32>
      %ge3A_135 = arith.cmpi sge, %add3A_132, %ge3A_134 : vector<16xi32>
      %all_reduce_ffs3A_136 = tpu.all_reduce %ge3A_135 {dim = 0 : i64, kind = #tpu.reduction_kind<find_first_set>} : vector<16xi1> -> vector<16xi32>
      %reduce_max3A_137 = arith.constant true
      %reduce_max3A_138 = vector.broadcast %reduce_max3A_137 : i1 to vector<16xi1>
      %reduce_max3A_139 = arith.constant -2147483648 : i32
      %reduce_max3A_140 = vector.broadcast %reduce_max3A_139 : i32 to vector<16xi32>
      %reduce_max3A_141 = arith.xori %all_reduce_ffs3A_136, %reduce_max3A_140 : vector<16xi32>
      %reduce_max3A_142 = tpu.scan <max>, %reduce_max3A_141 masked %reduce_max3A_138 : vector<16xi32>, vector<16xi1> -> vector<16xi32>
      %reduce_max3A_143 = arith.xori %reduce_max3A_142, %reduce_max3A_140 : vector<16xi32>
      %reduce_max3A_144 = vector.extract %reduce_max3A_143[15] : i32 from vector<16xi32>
      %mul3A_145 = arith.constant 16 : i32
      %mul3A_146 = arith.muli %sub3A_108, %mul3A_145 : i32
      %add3A_147 = arith.constant 15 : i32
      %add3A_148 = arith.addi %mul3A_146, %add3A_147 : i32
      %sub3A_149 = arith.subi %add3A_148, %reduce_max3A_144 : i32
      %eq3A_150 = vector.broadcast %reduce_max3A_144 : i32 to vector<16xi32>
      %eq3A_151 = arith.cmpi eq, %iota3A, %eq3A_150 : vector<16xi32>
      %sub3A_152 = arith.subi %cumsum3A_130, %rev3A_127 : vector<16xi32>
      %jit3A_153 = arith.constant 0 : i32
      %broadcast_in_dim3A_154 = vector.broadcast %jit3A_153 : i32 to vector<16xi32>
      %select_n3A_155 = arith.select %eq3A_151, %sub3A_152, %broadcast_in_dim3A_154 : vector<16xi1>, vector<16xi32>
      %reduce_sum3A_156 = arith.constant true
      %reduce_sum3A_157 = vector.broadcast %reduce_sum3A_156 : i1 to vector<16xi1>
      %reduce_sum3A_158 = tpu.scan <sum>, %select_n3A_155 masked %reduce_sum3A_157 : vector<16xi32>, vector<16xi1> -> vector<16xi32>
      %reduce_sum3A_159 = vector.extract %reduce_sum3A_158[15] : i32 from vector<16xi32>
      %add3A_160 = arith.addi %reduce_sum3A_117, %reduce_sum3A_159 : i32
      %sub3A_161 = arith.constant 64 : i32
      %sub3A_162 = arith.subi %sub3A_161, %add3A_160 : i32
      %broadcast_in_dim3A_163 = arith.constant 24 : i32
      %broadcast_in_dim3A_164 = vector.broadcast %broadcast_in_dim3A_163 : i32 to vector<16xi32>
      %shift_right_logical3A_165 = arith.shrui %xor3A, %broadcast_in_dim3A_164 : vector<16xi32>
      %ge3A_166 = vector.broadcast %sub3A_149 : i32 to vector<16xi32>
      %ge3A_167 = arith.cmpi sge, %shift_right_logical3A_165, %ge3A_166 : vector<16xi32>
      %and3A = arith.andi %ge3A_167, %ge3A_21 : vector<16xi1>
      tpu.vector_store_idx %arg5[%mul3A_6], %get3A_26 masked %and3A : memref<32768xf32, #tpu.memory_space<vmem>>[vector<16xi32>], vector<16xf32>, vector<16xi1>
      %jit3A_168 = arith.constant 1 : i32
      %jit3A_169 = arith.constant 0 : i32
      %broadcast_in_dim3A_170 = vector.broadcast %jit3A_168 : i32 to vector<16xi32>
      %broadcast_in_dim3A_171 = vector.broadcast %jit3A_169 : i32 to vector<16xi32>
      %select_n3A_172 = arith.select %and3A, %broadcast_in_dim3A_170, %broadcast_in_dim3A_171 : vector<16xi1>, vector<16xi32>
      %parallel_loop3A_173 = arith.constant 16 : i32
      %parallel_loop3A_174 = arith.constant 32768 : i32
      %parallel_loop3A_175 = arith.constant 16 : i32
      %parallel_loop3A_176 = scf.for %parallel_loop3A_702 = %parallel_loop3A_173 to %parallel_loop3A_174 step %parallel_loop3A_175 iter_args(%parallel_loop3A_703 = %select_n3A_172) -> (vector<16xi32>)  : i32 {
        %parallel_loop3A_704 = arith.index_cast %parallel_loop3A_702 : i32 to index
        %parallel_loop3A_705 = tpu.vector_load %arg4[%parallel_loop3A_704] {strides = array<i32>} : memref<32768xf32, #tpu.memory_space<vmem>>, vector<16xf32>,
        %parallel_loop3A_706 = vector.bitcast %parallel_loop3A_705 : vector<16xf32> to vector<16xi32>
        %parallel_loop3A_707 = arith.constant 31 : i32
        %parallel_loop3A_708 = vector.broadcast %parallel_loop3A_707 : i32 to vector<16xi32>
        %parallel_loop3A_709 = arith.shrsi %parallel_loop3A_706, %parallel_loop3A_708 : vector<16xi32>
        %parallel_loop3A_710 = arith.constant -2147483648 : i32
        %parallel_loop3A_711 = vector.broadcast %parallel_loop3A_710 : i32 to vector<16xi32>
        %parallel_loop3A_712 = arith.ori %parallel_loop3A_709, %parallel_loop3A_711 : vector<16xi32>
        %parallel_loop3A_713 = arith.xori %parallel_loop3A_706, %parallel_loop3A_712 : vector<16xi32>
        %parallel_loop3A_714 = arith.constant 24 : i32
        %parallel_loop3A_715 = vector.broadcast %parallel_loop3A_714 : i32 to vector<16xi32>
        %parallel_loop3A_716 = arith.shrui %parallel_loop3A_713, %parallel_loop3A_715 : vector<16xi32>
        %parallel_loop3A_717 = vector.broadcast %sub3A_149 : i32 to vector<16xi32>
        %parallel_loop3A_718 = arith.cmpi sge, %parallel_loop3A_716, %parallel_loop3A_717 : vector<16xi32>
        %parallel_loop3A_719 = arith.addi %mul3A_6, %parallel_loop3A_703 : vector<16xi32>
        tpu.vector_store_idx %arg5[%parallel_loop3A_719], %parallel_loop3A_705 masked %parallel_loop3A_718 : memref<32768xf32, #tpu.memory_space<vmem>>[vector<16xi32>], vector<16xf32>, vector<16xi1>
        %parallel_loop3A_720 = arith.constant 1 : i32
        %parallel_loop3A_721 = arith.constant 0 : i32
        %parallel_loop3A_722 = vector.broadcast %parallel_loop3A_720 : i32 to vector<16xi32>
        %parallel_loop3A_723 = vector.broadcast %parallel_loop3A_721 : i32 to vector<16xi32>
        %parallel_loop3A_724 = arith.select %parallel_loop3A_718, %parallel_loop3A_722, %parallel_loop3A_723 : vector<16xi1>, vector<16xi32>
        %parallel_loop3A_725 = arith.addi %parallel_loop3A_703, %parallel_loop3A_724 : vector<16xi32>
        scf.yield %parallel_loop3A_725 : vector<16xi32>
      } {sc.loop_unroll_factor = 8 : i64, sc.parallel_access}
      %mul3A_177 = arith.constant 4 : i32
      %mul3A_178 = arith.muli %add3A, %mul3A_177 : i32
      %add3A_179 = arith.constant 1 : i32
      %add3A_180 = arith.addi %scan3A_16, %add3A_179 : i32
      %min3A = arith.constant 3 : i32
      %min3A_181 = arith.minsi %add3A_180, %min3A : i32
      %add3A_182 = arith.addi %mul3A_178, %min3A_181 : i32
      %dma_start3A = arith.constant 0 : i32
      %dma_start3A_183 = tpu.memref_slice %arg2[%add3A_182, %dma_start3A] : memref<128x32768xf32, #tpu.memory_space<hbm>> -> memref<1x32768xf32, #tpu.memory_space<hbm>>
      %dma_start3A_184 = tpu.memref_squeeze %dma_start3A_183 : memref<1x32768xf32, #tpu.memory_space<hbm>> -> memref<32768xf32, #tpu.memory_space<hbm>>
      %dma_start3A_185 = arith.constant 0 : i32
      %dma_start3A_186 = tpu.memref_slice %arg2[%add3A_182, %dma_start3A_185] : memref<128x32768xf32, #tpu.memory_space<hbm>> -> memref<1x32768xf32, #tpu.memory_space<hbm>>
      %dma_start3A_187 = tpu.memref_squeeze %dma_start3A_186 : memref<1x32768xf32, #tpu.memory_space<hbm>> -> memref<32768xf32, #tpu.memory_space<hbm>>
      tpu.enqueue_dma source(%dma_start3A_187 : memref<32768xf32, #tpu.memory_space<hbm>>) target(%arg4 : memref<32768xf32, #tpu.memory_space<vmem>>) target_semaphore(%arg10 : memref<!tpu.dma_semaphore, #tpu.memory_space<semaphore_mem>>)
      %broadcast_in_dim3A_188 = arith.constant 1 : i32
      %broadcast_in_dim3A_189 = vector.broadcast %broadcast_in_dim3A_188 : i32 to vector<16xi32>
      %broadcast_in_dim3A_190 = arith.constant 0.000000e+00 : f32
      %broadcast_in_dim3A_191 = vector.broadcast %broadcast_in_dim3A_190 : f32 to vector<16xf32>
      %broadcast_in_dim3A_192 = arith.constant 0 : i32
      %broadcast_in_dim3A_193 = vector.broadcast %broadcast_in_dim3A_192 : i32 to vector<16xi32>
      %broadcast_in_dim3A_194 = arith.constant 0 : i32
      %broadcast_in_dim3A_195 = vector.broadcast %broadcast_in_dim3A_194 : i32 to vector<16xi32>
      %parallel_loop3A_196 = arith.constant 0 : i32
      %parallel_loop3A_197 = arith.constant 4096 : i32
      %parallel_loop3A_198 = arith.constant 16 : i32
      scf.for %parallel_loop3A_702 = %parallel_loop3A_196 to %parallel_loop3A_197 step %parallel_loop3A_198  : i32 {
        %parallel_loop3A_703 = arith.index_cast %parallel_loop3A_702 : i32 to index
        %parallel_loop3A_704 = tpu.vector_load %arg7[%parallel_loop3A_703] {strides = array<i32>} : memref<4096xi32, #tpu.memory_space<vmem>>, vector<16xi32>,
        tpu.vector_store %arg7[%parallel_loop3A_703], %broadcast_in_dim3A_195 {strides = array<i32>} : memref<4096xi32, #tpu.memory_space<vmem>>, vector<16xi32>,
      } {sc.loop_unroll_factor = 8 : i64, sc.parallel_access}
      %reduce_max3A_199 = arith.constant true
      %reduce_max3A_200 = vector.broadcast %reduce_max3A_199 : i1 to vector<16xi1>
      %reduce_max3A_201 = arith.constant -2147483648 : i32
      %reduce_max3A_202 = vector.broadcast %reduce_max3A_201 : i32 to vector<16xi32>
      %reduce_max3A_203 = arith.xori %parallel_loop3A_176, %reduce_max3A_202 : vector<16xi32>
      %reduce_max3A_204 = tpu.scan <max>, %reduce_max3A_203 masked %reduce_max3A_200 : vector<16xi32>, vector<16xi1> -> vector<16xi32>
      %reduce_max3A_205 = arith.xori %reduce_max3A_204, %reduce_max3A_202 : vector<16xi32>
      %reduce_max3A_206 = vector.extract %reduce_max3A_205[15] : i32 from vector<16xi32>
      %while3A = arith.constant 0 : i32
      %while3A_207 = arith.subi %reduce_max3A_206, %while3A : i32
      %while3A_208 = arith.addi %while3A, %while3A_207 : i32
      %while3A_209 = arith.constant 1 : i32
      %while3A_210 = arith.divsi %while3A_207, %while3A_209 : i32
      %while3A_211 = arith.muli %while3A_210, %while3A_209 : i32
      %while3A_212 = arith.addi %while3A, %while3A_211 : i32
      %while3A_213 = arith.constant 1 : i32
      %while3A_214:2 = scf.for %while3A_702 = %while3A to %while3A_212 step %while3A_213 iter_args(%while3A_703 = %broadcast_in_dim3A_191, %while3A_704 = %broadcast_in_dim3A_193) -> (vector<16xf32>, vector<16xi32>)  : i32 {
        %add3A_705 = vector.broadcast %while3A_702 : i32 to vector<16xi32>
        %add3A_706 = arith.addi %mul3A_6, %add3A_705 : vector<16xi32>
        %gather3A_707 = tpu.vector_load_idx %arg5[%add3A_706] : memref<32768xf32, #tpu.memory_space<vmem>>[vector<16xi32>], vector<16xf32>,
        %lt3A_708 = vector.broadcast %while3A_702 : i32 to vector<16xi32>
        %lt3A_709 = arith.cmpi slt, %lt3A_708, %parallel_loop3A_176 : vector<16xi32>
        %bitcast3A_710 = vector.bitcast %gather3A_707 : vector<16xf32> to vector<16xi32>
        %broadcast_in_dim3A_711 = arith.constant 31 : i32
        %broadcast_in_dim3A_712 = vector.broadcast %broadcast_in_dim3A_711 : i32 to vector<16xi32>
        %shift_right_arithmetic3A_713 = arith.shrsi %bitcast3A_710, %broadcast_in_dim3A_712 : vector<16xi32>
        %or3A_714 = arith.constant -2147483648 : i32
        %or3A_715 = vector.broadcast %or3A_714 : i32 to vector<16xi32>
        %or3A_716 = arith.ori %shift_right_arithmetic3A_713, %or3A_715 : vector<16xi32>
        %xor3A_717 = arith.xori %bitcast3A_710, %or3A_716 : vector<16xi32>
        %broadcast_in_dim3A_718 = arith.constant 24 : i32
        %broadcast_in_dim3A_719 = vector.broadcast %broadcast_in_dim3A_718 : i32 to vector<16xi32>
        %shift_right_logical3A_720 = arith.shrui %xor3A_717, %broadcast_in_dim3A_719 : vector<16xi32>
        %gt3A = vector.broadcast %sub3A_149 : i32 to vector<16xi32>
        %gt3A_721 = arith.cmpi sgt, %shift_right_logical3A_720, %gt3A : vector<16xi32>
        %and3A_722 = arith.andi %lt3A_709, %gt3A_721 : vector<16xi1>
        %eq3A_723 = vector.broadcast %sub3A_149 : i32 to vector<16xi32>
        %eq3A_724 = arith.cmpi eq, %shift_right_logical3A_720, %eq3A_723 : vector<16xi32>
        %and3A_725 = arith.andi %lt3A_709, %eq3A_724 : vector<16xi1>
        %exp3A_726 = math.exp %gather3A_707 : vector<16xf32>
        %jit3A_727 = arith.constant 0.000000e+00 : f32
        %broadcast_in_dim3A_728 = vector.broadcast %jit3A_727 : f32 to vector<16xf32>
        %select_n3A_729 = arith.select %and3A_722, %exp3A_726, %broadcast_in_dim3A_728 : vector<16xi1>, vector<16xf32>
        %add3A_730 = arith.addf %while3A_703, %select_n3A_729 : vector<16xf32>
        %broadcast_in_dim3A_731 = arith.constant 16 : i32
        %broadcast_in_dim3A_732 = vector.broadcast %broadcast_in_dim3A_731 : i32 to vector<16xi32>
        %shift_right_logical3A_733 = arith.shrui %xor3A_717, %broadcast_in_dim3A_732 : vector<16xi32>
        %and3A_734 = arith.constant 255 : i32
        %and3A_735 = vector.broadcast %and3A_734 : i32 to vector<16xi32>
        %and3A_736 = arith.andi %shift_right_logical3A_733, %and3A_735 : vector<16xi32>
        %add3A_737 = arith.addi %and3A_736, %mul3A_3 : vector<16xi32>
        tpu.vector_store_idx %arg7[%add3A_737], %broadcast_in_dim3A_189 masked %and3A_725 {add = true} : memref<4096xi32, #tpu.memory_space<vmem>>[vector<16xi32>], vector<16xi32>, vector<16xi1>
        %add3A_738 = arith.addi %mul3A_6, %while3A_704 : vector<16xi32>
        tpu.vector_store_idx %arg6[%add3A_738], %gather3A_707 masked %and3A_725 : memref<32768xf32, #tpu.memory_space<vmem>>[vector<16xi32>], vector<16xf32>, vector<16xi1>
        %jit3A_739 = arith.constant 1 : i32
        %jit3A_740 = arith.constant 0 : i32
        %broadcast_in_dim3A_741 = vector.broadcast %jit3A_739 : i32 to vector<16xi32>
        %broadcast_in_dim3A_742 = vector.broadcast %jit3A_740 : i32 to vector<16xi32>
        %select_n3A_743 = arith.select %and3A_725, %broadcast_in_dim3A_741, %broadcast_in_dim3A_742 : vector<16xi1>, vector<16xi32>
        %add3A_744 = arith.addi %while3A_704, %select_n3A_743 : vector<16xi32>
        scf.yield %add3A_730, %add3A_744 : vector<16xf32>, vector<16xi32>
      }
      %while3A_215 = arith.constant 1 : i32
      %while3A_216:2 = scf.for %while3A_702 = %while3A_212 to %while3A_208 step %while3A_215 iter_args(%while3A_703 = %while3A_214#0, %while3A_704 = %while3A_214#1) -> (vector<16xf32>, vector<16xi32>)  : i32 {
        %add3A_705 = vector.broadcast %while3A_702 : i32 to vector<16xi32>
        %add3A_706 = arith.addi %mul3A_6, %add3A_705 : vector<16xi32>
        %gather3A_707 = tpu.vector_load_idx %arg5[%add3A_706] : memref<32768xf32, #tpu.memory_space<vmem>>[vector<16xi32>], vector<16xf32>,
        %lt3A_708 = vector.broadcast %while3A_702 : i32 to vector<16xi32>
        %lt3A_709 = arith.cmpi slt, %lt3A_708, %parallel_loop3A_176 : vector<16xi32>
        %bitcast3A_710 = vector.bitcast %gather3A_707 : vector<16xf32> to vector<16xi32>
        %broadcast_in_dim3A_711 = arith.constant 31 : i32
        %broadcast_in_dim3A_712 = vector.broadcast %broadcast_in_dim3A_711 : i32 to vector<16xi32>
        %shift_right_arithmetic3A_713 = arith.shrsi %bitcast3A_710, %broadcast_in_dim3A_712 : vector<16xi32>
        %or3A_714 = arith.constant -2147483648 : i32
        %or3A_715 = vector.broadcast %or3A_714 : i32 to vector<16xi32>
        %or3A_716 = arith.ori %shift_right_arithmetic3A_713, %or3A_715 : vector<16xi32>
        %xor3A_717 = arith.xori %bitcast3A_710, %or3A_716 : vector<16xi32>
        %broadcast_in_dim3A_718 = arith.constant 24 : i32
        %broadcast_in_dim3A_719 = vector.broadcast %broadcast_in_dim3A_718 : i32 to vector<16xi32>
        %shift_right_logical3A_720 = arith.shrui %xor3A_717, %broadcast_in_dim3A_719 : vector<16xi32>
        %gt3A = vector.broadcast %sub3A_149 : i32 to vector<16xi32>
        %gt3A_721 = arith.cmpi sgt, %shift_right_logical3A_720, %gt3A : vector<16xi32>
        %and3A_722 = arith.andi %lt3A_709, %gt3A_721 : vector<16xi1>
        %eq3A_723 = vector.broadcast %sub3A_149 : i32 to vector<16xi32>
        %eq3A_724 = arith.cmpi eq, %shift_right_logical3A_720, %eq3A_723 : vector<16xi32>
        %and3A_725 = arith.andi %lt3A_709, %eq3A_724 : vector<16xi1>
        %exp3A_726 = math.exp %gather3A_707 : vector<16xf32>
        %jit3A_727 = arith.constant 0.000000e+00 : f32
        %broadcast_in_dim3A_728 = vector.broadcast %jit3A_727 : f32 to vector<16xf32>
        %select_n3A_729 = arith.select %and3A_722, %exp3A_726, %broadcast_in_dim3A_728 : vector<16xi1>, vector<16xf32>
        %add3A_730 = arith.addf %while3A_703, %select_n3A_729 : vector<16xf32>
        %broadcast_in_dim3A_731 = arith.constant 16 : i32
        %broadcast_in_dim3A_732 = vector.broadcast %broadcast_in_dim3A_731 : i32 to vector<16xi32>
        %shift_right_logical3A_733 = arith.shrui %xor3A_717, %broadcast_in_dim3A_732 : vector<16xi32>
        %and3A_734 = arith.constant 255 : i32
        %and3A_735 = vector.broadcast %and3A_734 : i32 to vector<16xi32>
        %and3A_736 = arith.andi %shift_right_logical3A_733, %and3A_735 : vector<16xi32>
        %add3A_737 = arith.addi %and3A_736, %mul3A_3 : vector<16xi32>
        tpu.vector_store_idx %arg7[%add3A_737], %broadcast_in_dim3A_189 masked %and3A_725 {add = true} : memref<4096xi32, #tpu.memory_space<vmem>>[vector<16xi32>], vector<16xi32>, vector<16xi1>
        %add3A_738 = arith.addi %mul3A_6, %while3A_704 : vector<16xi32>
        tpu.vector_store_idx %arg6[%add3A_738], %gather3A_707 masked %and3A_725 : memref<32768xf32, #tpu.memory_space<vmem>>[vector<16xi32>], vector<16xf32>, vector<16xi1>
        %jit3A_739 = arith.constant 1 : i32
        %jit3A_740 = arith.constant 0 : i32
        %broadcast_in_dim3A_741 = vector.broadcast %jit3A_739 : i32 to vector<16xi32>
        %broadcast_in_dim3A_742 = vector.broadcast %jit3A_740 : i32 to vector<16xi32>
        %select_n3A_743 = arith.select %and3A_725, %broadcast_in_dim3A_741, %broadcast_in_dim3A_742 : vector<16xi1>, vector<16xi32>
        %add3A_744 = arith.addi %while3A_704, %select_n3A_743 : vector<16xi32>
        scf.yield %add3A_730, %add3A_744 : vector<16xf32>, vector<16xi32>
      }
      %parallel_loop3A_217 = arith.constant 0 : i32
      %parallel_loop3A_218 = arith.constant 256 : i32
      %parallel_loop3A_219 = arith.constant 16 : i32
      scf.for %parallel_loop3A_702 = %parallel_loop3A_217 to %parallel_loop3A_218 step %parallel_loop3A_219  : i32 {
        %parallel_loop3A_703 = arith.index_cast %parallel_loop3A_702 : i32 to index
        %parallel_loop3A_704 = tpu.vector_load %arg7[%parallel_loop3A_703] {strides = array<i32>} : memref<4096xi32, #tpu.memory_space<vmem>>, vector<16xi32>,
        %parallel_loop3A_705 = arith.constant 256 : i32
        %parallel_loop3A_706 = arith.addi %parallel_loop3A_705, %parallel_loop3A_702 : i32
        %parallel_loop3A_707 = arith.index_cast %parallel_loop3A_706 : i32 to index
        %parallel_loop3A_708 = tpu.vector_load %arg7[%parallel_loop3A_707] {strides = array<i32>} : memref<4096xi32, #tpu.memory_space<vmem>>, vector<16xi32>,
        %parallel_loop3A_709 = arith.addi %parallel_loop3A_704, %parallel_loop3A_708 : vector<16xi32>
        %parallel_loop3A_710 = arith.constant 512 : i32
        %parallel_loop3A_711 = arith.addi %parallel_loop3A_710, %parallel_loop3A_702 : i32
        %parallel_loop3A_712 = arith.index_cast %parallel_loop3A_711 : i32 to index
        %parallel_loop3A_713 = tpu.vector_load %arg7[%parallel_loop3A_712] {strides = array<i32>} : memref<4096xi32, #tpu.memory_space<vmem>>, vector<16xi32>,
        %parallel_loop3A_714 = arith.addi %parallel_loop3A_709, %parallel_loop3A_713 : vector<16xi32>
        %parallel_loop3A_715 = arith.constant 768 : i32
        %parallel_loop3A_716 = arith.addi %parallel_loop3A_715, %parallel_loop3A_702 : i32
        %parallel_loop3A_717 = arith.index_cast %parallel_loop3A_716 : i32 to index
        %parallel_loop3A_718 = tpu.vector_load %arg7[%parallel_loop3A_717] {strides = array<i32>} : memref<4096xi32, #tpu.memory_space<vmem>>, vector<16xi32>,
        %parallel_loop3A_719 = arith.addi %parallel_loop3A_714, %parallel_loop3A_718 : vector<16xi32>
        %parallel_loop3A_720 = arith.constant 1024 : i32
        %parallel_loop3A_721 = arith.addi %parallel_loop3A_720, %parallel_loop3A_702 : i32
        %parallel_loop3A_722 = arith.index_cast %parallel_loop3A_721 : i32 to index
        %parallel_loop3A_723 = tpu.vector_load %arg7[%parallel_loop3A_722] {strides = array<i32>} : memref<4096xi32, #tpu.memory_space<vmem>>, vector<16xi32>,
        %parallel_loop3A_724 = arith.addi %parallel_loop3A_719, %parallel_loop3A_723 : vector<16xi32>
        %parallel_loop3A_725 = arith.constant 1280 : i32
        %parallel_loop3A_726 = arith.addi %parallel_loop3A_725, %parallel_loop3A_702 : i32
        %parallel_loop3A_727 = arith.index_cast %parallel_loop3A_726 : i32 to index
        %parallel_loop3A_728 = tpu.vector_load %arg7[%parallel_loop3A_727] {strides = array<i32>} : memref<4096xi32, #tpu.memory_space<vmem>>, vector<16xi32>,
        %parallel_loop3A_729 = arith.addi %parallel_loop3A_724, %parallel_loop3A_728 : vector<16xi32>
        %parallel_loop3A_730 = arith.constant 1536 : i32
        %parallel_loop3A_731 = arith.addi %parallel_loop3A_730, %parallel_loop3A_702 : i32
        %parallel_loop3A_732 = arith.index_cast %parallel_loop3A_731 : i32 to index
        %parallel_loop3A_733 = tpu.vector_load %arg7[%parallel_loop3A_732] {strides = array<i32>} : memref<4096xi32, #tpu.memory_space<vmem>>, vector<16xi32>,
        %parallel_loop3A_734 = arith.addi %parallel_loop3A_729, %parallel_loop3A_733 : vector<16xi32>
        %parallel_loop3A_735 = arith.constant 1792 : i32
        %parallel_loop3A_736 = arith.addi %parallel_loop3A_735, %parallel_loop3A_702 : i32
        %parallel_loop3A_737 = arith.index_cast %parallel_loop3A_736 : i32 to index
        %parallel_loop3A_738 = tpu.vector_load %arg7[%parallel_loop3A_737] {strides = array<i32>} : memref<4096xi32, #tpu.memory_space<vmem>>, vector<16xi32>,
        %parallel_loop3A_739 = arith.addi %parallel_loop3A_734, %parallel_loop3A_738 : vector<16xi32>
        %parallel_loop3A_740 = arith.constant 2048 : i32
        %parallel_loop3A_741 = arith.addi %parallel_loop3A_740, %parallel_loop3A_702 : i32
        %parallel_loop3A_742 = arith.index_cast %parallel_loop3A_741 : i32 to index
        %parallel_loop3A_743 = tpu.vector_load %arg7[%parallel_loop3A_742] {strides = array<i32>} : memref<4096xi32, #tpu.memory_space<vmem>>, vector<16xi32>,
        %parallel_loop3A_744 = arith.addi %parallel_loop3A_739, %parallel_loop3A_743 : vector<16xi32>
        %parallel_loop3A_745 = arith.constant 2304 : i32
        %parallel_loop3A_746 = arith.addi %parallel_loop3A_745, %parallel_loop3A_702 : i32
        %parallel_loop3A_747 = arith.index_cast %parallel_loop3A_746 : i32 to index
        %parallel_loop3A_748 = tpu.vector_load %arg7[%parallel_loop3A_747] {strides = array<i32>} : memref<4096xi32, #tpu.memory_space<vmem>>, vector<16xi32>,
        %parallel_loop3A_749 = arith.addi %parallel_loop3A_744, %parallel_loop3A_748 : vector<16xi32>
        %parallel_loop3A_750 = arith.constant 2560 : i32
        %parallel_loop3A_751 = arith.addi %parallel_loop3A_750, %parallel_loop3A_702 : i32
        %parallel_loop3A_752 = arith.index_cast %parallel_loop3A_751 : i32 to index
        %parallel_loop3A_753 = tpu.vector_load %arg7[%parallel_loop3A_752] {strides = array<i32>} : memref<4096xi32, #tpu.memory_space<vmem>>, vector<16xi32>,
        %parallel_loop3A_754 = arith.addi %parallel_loop3A_749, %parallel_loop3A_753 : vector<16xi32>
        %parallel_loop3A_755 = arith.constant 2816 : i32
        %parallel_loop3A_756 = arith.addi %parallel_loop3A_755, %parallel_loop3A_702 : i32
        %parallel_loop3A_757 = arith.index_cast %parallel_loop3A_756 : i32 to index
        %parallel_loop3A_758 = tpu.vector_load %arg7[%parallel_loop3A_757] {strides = array<i32>} : memref<4096xi32, #tpu.memory_space<vmem>>, vector<16xi32>,
        %parallel_loop3A_759 = arith.addi %parallel_loop3A_754, %parallel_loop3A_758 : vector<16xi32>
        %parallel_loop3A_760 = arith.constant 3072 : i32
        %parallel_loop3A_761 = arith.addi %parallel_loop3A_760, %parallel_loop3A_702 : i32
        %parallel_loop3A_762 = arith.index_cast %parallel_loop3A_761 : i32 to index
        %parallel_loop3A_763 = tpu.vector_load %arg7[%parallel_loop3A_762] {strides = array<i32>} : memref<4096xi32, #tpu.memory_space<vmem>>, vector<16xi32>,
        %parallel_loop3A_764 = arith.addi %parallel_loop3A_759, %parallel_loop3A_763 : vector<16xi32>
        %parallel_loop3A_765 = arith.constant 3328 : i32
        %parallel_loop3A_766 = arith.addi %parallel_loop3A_765, %parallel_loop3A_702 : i32
        %parallel_loop3A_767 = arith.index_cast %parallel_loop3A_766 : i32 to index
        %parallel_loop3A_768 = tpu.vector_load %arg7[%parallel_loop3A_767] {strides = array<i32>} : memref<4096xi32, #tpu.memory_space<vmem>>, vector<16xi32>,
        %parallel_loop3A_769 = arith.addi %parallel_loop3A_764, %parallel_loop3A_768 : vector<16xi32>
        %parallel_loop3A_770 = arith.constant 3584 : i32
        %parallel_loop3A_771 = arith.addi %parallel_loop3A_770, %parallel_loop3A_702 : i32
        %parallel_loop3A_772 = arith.index_cast %parallel_loop3A_771 : i32 to index
        %parallel_loop3A_773 = tpu.vector_load %arg7[%parallel_loop3A_772] {strides = array<i32>} : memref<4096xi32, #tpu.memory_space<vmem>>, vector<16xi32>,
        %parallel_loop3A_774 = arith.addi %parallel_loop3A_769, %parallel_loop3A_773 : vector<16xi32>
        %parallel_loop3A_775 = arith.constant 3840 : i32
        %parallel_loop3A_776 = arith.addi %parallel_loop3A_775, %parallel_loop3A_702 : i32
        %parallel_loop3A_777 = arith.index_cast %parallel_loop3A_776 : i32 to index
        %parallel_loop3A_778 = tpu.vector_load %arg7[%parallel_loop3A_777] {strides = array<i32>} : memref<4096xi32, #tpu.memory_space<vmem>>, vector<16xi32>,
        %parallel_loop3A_779 = arith.addi %parallel_loop3A_774, %parallel_loop3A_778 : vector<16xi32>
        %parallel_loop3A_780 = arith.constant 16 : i32
        %parallel_loop3A_781 = vector.broadcast %parallel_loop3A_780 : i32 to vector<16xi32>
        %parallel_loop3A_782 = arith.muli %iota3A, %parallel_loop3A_781 : vector<16xi32>
        %parallel_loop3A_783 = arith.constant 4 : i32
        %parallel_loop3A_784 = arith.shrsi %parallel_loop3A_702, %parallel_loop3A_783 : i32
        %parallel_loop3A_785 = vector.broadcast %parallel_loop3A_784 : i32 to vector<16xi32>
        %parallel_loop3A_786 = arith.addi %parallel_loop3A_782, %parallel_loop3A_785 : vector<16xi32>
        tpu.vector_store_idx %arg8[%parallel_loop3A_786], %parallel_loop3A_779 : memref<256xi32, #tpu.memory_space<vmem>>[vector<16xi32>], vector<16xi32>,
      } {sc.loop_unroll_factor = 1 : i64, sc.parallel_access}
      %get3A_220 = arith.constant 0 : index
      %get3A_221 = tpu.vector_load %arg8[%get3A_220] {strides = array<i32>} : memref<256xi32, #tpu.memory_space<vmem>>, vector<16xi32>,
      %get3A_222 = arith.constant 16 : index
      %get3A_223 = tpu.vector_load %arg8[%get3A_222] {strides = array<i32>} : memref<256xi32, #tpu.memory_space<vmem>>, vector<16xi32>,
      %add3A_224 = arith.addi %get3A_221, %get3A_223 : vector<16xi32>
      %get3A_225 = arith.constant 32 : index
      %get3A_226 = tpu.vector_load %arg8[%get3A_225] {strides = array<i32>} : memref<256xi32, #tpu.memory_space<vmem>>, vector<16xi32>,
      %add3A_227 = arith.addi %add3A_224, %get3A_226 : vector<16xi32>
      %get3A_228 = arith.constant 48 : index
      %get3A_229 = tpu.vector_load %arg8[%get3A_228] {strides = array<i32>} : memref<256xi32, #tpu.memory_space<vmem>>, vector<16xi32>,
      %add3A_230 = arith.addi %add3A_227, %get3A_229 : vector<16xi32>
      %get3A_231 = arith.constant 64 : index
      %get3A_232 = tpu.vector_load %arg8[%get3A_231] {strides = array<i32>} : memref<256xi32, #tpu.memory_space<vmem>>, vector<16xi32>,
      %add3A_233 = arith.addi %add3A_230, %get3A_232 : vector<16xi32>
      %get3A_234 = arith.constant 80 : index
      %get3A_235 = tpu.vector_load %arg8[%get3A_234] {strides = array<i32>} : memref<256xi32, #tpu.memory_space<vmem>>, vector<16xi32>,
      %add3A_236 = arith.addi %add3A_233, %get3A_235 : vector<16xi32>
      %get3A_237 = arith.constant 96 : index
      %get3A_238 = tpu.vector_load %arg8[%get3A_237] {strides = array<i32>} : memref<256xi32, #tpu.memory_space<vmem>>, vector<16xi32>,
      %add3A_239 = arith.addi %add3A_236, %get3A_238 : vector<16xi32>
      %get3A_240 = arith.constant 112 : index
      %get3A_241 = tpu.vector_load %arg8[%get3A_240] {strides = array<i32>} : memref<256xi32, #tpu.memory_space<vmem>>, vector<16xi32>,
      %add3A_242 = arith.addi %add3A_239, %get3A_241 : vector<16xi32>
      %get3A_243 = arith.constant 128 : index
      %get3A_244 = tpu.vector_load %arg8[%get3A_243] {strides = array<i32>} : memref<256xi32, #tpu.memory_space<vmem>>, vector<16xi32>,
      %add3A_245 = arith.addi %add3A_242, %get3A_244 : vector<16xi32>
      %get3A_246 = arith.constant 144 : index
      %get3A_247 = tpu.vector_load %arg8[%get3A_246] {strides = array<i32>} : memref<256xi32, #tpu.memory_space<vmem>>, vector<16xi32>,
      %add3A_248 = arith.addi %add3A_245, %get3A_247 : vector<16xi32>
      %get3A_249 = arith.constant 160 : index
      %get3A_250 = tpu.vector_load %arg8[%get3A_249] {strides = array<i32>} : memref<256xi32, #tpu.memory_space<vmem>>, vector<16xi32>,
      %add3A_251 = arith.addi %add3A_248, %get3A_250 : vector<16xi32>
      %get3A_252 = arith.constant 176 : index
      %get3A_253 = tpu.vector_load %arg8[%get3A_252] {strides = array<i32>} : memref<256xi32, #tpu.memory_space<vmem>>, vector<16xi32>,
      %add3A_254 = arith.addi %add3A_251, %get3A_253 : vector<16xi32>
      %get3A_255 = arith.constant 192 : index
      %get3A_256 = tpu.vector_load %arg8[%get3A_255] {strides = array<i32>} : memref<256xi32, #tpu.memory_space<vmem>>, vector<16xi32>,
      %add3A_257 = arith.addi %add3A_254, %get3A_256 : vector<16xi32>
      %get3A_258 = arith.constant 208 : index
      %get3A_259 = tpu.vector_load %arg8[%get3A_258] {strides = array<i32>} : memref<256xi32, #tpu.memory_space<vmem>>, vector<16xi32>,
      %add3A_260 = arith.addi %add3A_257, %get3A_259 : vector<16xi32>
      %get3A_261 = arith.constant 224 : index
      %get3A_262 = tpu.vector_load %arg8[%get3A_261] {strides = array<i32>} : memref<256xi32, #tpu.memory_space<vmem>>, vector<16xi32>,
      %add3A_263 = arith.addi %add3A_260, %get3A_262 : vector<16xi32>
      %get3A_264 = arith.constant 240 : index
      %get3A_265 = tpu.vector_load %arg8[%get3A_264] {strides = array<i32>} : memref<256xi32, #tpu.memory_space<vmem>>, vector<16xi32>,
      %add3A_266 = arith.addi %add3A_263, %get3A_265 : vector<16xi32>
      %rev3A_267 = arith.constant 15 : i32
      %rev3A_268 = vector.broadcast %rev3A_267 : i32 to vector<16xi32>
      %rev3A_269 = tpu.iota {dimensions = array<i32: 0>} : vector<16xi32>
      %rev3A_270 = arith.subi %rev3A_268, %rev3A_269 : vector<16xi32>
      %rev3A_271 = tpu.dynamic_gather %add3A_266[%rev3A_270] in [0] : vector<16xi32>, vector<16xi32> -> vector<16xi32>
      %cumsum3A_272 = arith.constant true
      %cumsum3A_273 = vector.broadcast %cumsum3A_272 : i1 to vector<16xi1>
      %cumsum3A_274 = tpu.scan <sum>, %rev3A_271 masked %cumsum3A_273 : vector<16xi32>, vector<16xi1> -> vector<16xi32>
      %ge3A_275 = vector.broadcast %sub3A_162 : i32 to vector<16xi32>
      %ge3A_276 = arith.cmpi sge, %cumsum3A_274, %ge3A_275 : vector<16xi32>
      %all_reduce_ffs3A_277 = tpu.all_reduce %ge3A_276 {dim = 0 : i64, kind = #tpu.reduction_kind<find_first_set>} : vector<16xi1> -> vector<16xi32>
      %reduce_max3A_278 = arith.constant true
      %reduce_max3A_279 = vector.broadcast %reduce_max3A_278 : i1 to vector<16xi1>
      %reduce_max3A_280 = arith.constant -2147483648 : i32
      %reduce_max3A_281 = vector.broadcast %reduce_max3A_280 : i32 to vector<16xi32>
      %reduce_max3A_282 = arith.xori %all_reduce_ffs3A_277, %reduce_max3A_281 : vector<16xi32>
      %reduce_max3A_283 = tpu.scan <max>, %reduce_max3A_282 masked %reduce_max3A_279 : vector<16xi32>, vector<16xi1> -> vector<16xi32>
      %reduce_max3A_284 = arith.xori %reduce_max3A_283, %reduce_max3A_281 : vector<16xi32>
      %reduce_max3A_285 = vector.extract %reduce_max3A_284[15] : i32 from vector<16xi32>
      %sub3A_286 = arith.constant 15 : i32
      %sub3A_287 = arith.subi %sub3A_286, %reduce_max3A_285 : i32
      %eq3A_288 = vector.broadcast %reduce_max3A_285 : i32 to vector<16xi32>
      %eq3A_289 = arith.cmpi eq, %iota3A, %eq3A_288 : vector<16xi32>
      %sub3A_290 = arith.subi %cumsum3A_274, %rev3A_271 : vector<16xi32>
      %jit3A_291 = arith.constant 0 : i32
      %broadcast_in_dim3A_292 = vector.broadcast %jit3A_291 : i32 to vector<16xi32>
      %select_n3A_293 = arith.select %eq3A_289, %sub3A_290, %broadcast_in_dim3A_292 : vector<16xi1>, vector<16xi32>
      %reduce_sum3A_294 = arith.constant true
      %reduce_sum3A_295 = vector.broadcast %reduce_sum3A_294 : i1 to vector<16xi1>
      %reduce_sum3A_296 = tpu.scan <sum>, %select_n3A_293 masked %reduce_sum3A_295 : vector<16xi32>, vector<16xi1> -> vector<16xi32>
      %reduce_sum3A_297 = vector.extract %reduce_sum3A_296[15] : i32 from vector<16xi32>
      %mul3A_298 = arith.constant 16 : i32
      %mul3A_299 = vector.broadcast %mul3A_298 : i32 to vector<16xi32>
      %mul3A_300 = arith.muli %iota3A, %mul3A_299 : vector<16xi32>
      %add3A_301 = vector.broadcast %sub3A_287 : i32 to vector<16xi32>
      %add3A_302 = arith.addi %mul3A_300, %add3A_301 : vector<16xi32>
      %gather3A_303 = tpu.vector_load_idx %arg8[%add3A_302] : memref<256xi32, #tpu.memory_space<vmem>>[vector<16xi32>], vector<16xi32>,
      %rev3A_304 = arith.constant 15 : i32
      %rev3A_305 = vector.broadcast %rev3A_304 : i32 to vector<16xi32>
      %rev3A_306 = tpu.iota {dimensions = array<i32: 0>} : vector<16xi32>
      %rev3A_307 = arith.subi %rev3A_305, %rev3A_306 : vector<16xi32>
      %rev3A_308 = tpu.dynamic_gather %gather3A_303[%rev3A_307] in [0] : vector<16xi32>, vector<16xi32> -> vector<16xi32>
      %cumsum3A_309 = arith.constant true
      %cumsum3A_310 = vector.broadcast %cumsum3A_309 : i1 to vector<16xi1>
      %cumsum3A_311 = tpu.scan <sum>, %rev3A_308 masked %cumsum3A_310 : vector<16xi32>, vector<16xi1> -> vector<16xi32>
      %add3A_312 = vector.broadcast %reduce_sum3A_297 : i32 to vector<16xi32>
      %add3A_313 = arith.addi %add3A_312, %cumsum3A_311 : vector<16xi32>
      %ge3A_314 = vector.broadcast %sub3A_162 : i32 to vector<16xi32>
      %ge3A_315 = arith.cmpi sge, %add3A_313, %ge3A_314 : vector<16xi32>
      %all_reduce_ffs3A_316 = tpu.all_reduce %ge3A_315 {dim = 0 : i64, kind = #tpu.reduction_kind<find_first_set>} : vector<16xi1> -> vector<16xi32>
      %reduce_max3A_317 = arith.constant true
      %reduce_max3A_318 = vector.broadcast %reduce_max3A_317 : i1 to vector<16xi1>
      %reduce_max3A_319 = arith.constant -2147483648 : i32
      %reduce_max3A_320 = vector.broadcast %reduce_max3A_319 : i32 to vector<16xi32>
      %reduce_max3A_321 = arith.xori %all_reduce_ffs3A_316, %reduce_max3A_320 : vector<16xi32>
      %reduce_max3A_322 = tpu.scan <max>, %reduce_max3A_321 masked %reduce_max3A_318 : vector<16xi32>, vector<16xi1> -> vector<16xi32>
      %reduce_max3A_323 = arith.xori %reduce_max3A_322, %reduce_max3A_320 : vector<16xi32>
      %reduce_max3A_324 = vector.extract %reduce_max3A_323[15] : i32 from vector<16xi32>
      %mul3A_325 = arith.constant 16 : i32
      %mul3A_326 = arith.muli %sub3A_287, %mul3A_325 : i32
      %add3A_327 = arith.constant 15 : i32
      %add3A_328 = arith.addi %mul3A_326, %add3A_327 : i32
      %sub3A_329 = arith.subi %add3A_328, %reduce_max3A_324 : i32
      %eq3A_330 = vector.broadcast %reduce_max3A_324 : i32 to vector<16xi32>
      %eq3A_331 = arith.cmpi eq, %iota3A, %eq3A_330 : vector<16xi32>
      %sub3A_332 = arith.subi %cumsum3A_311, %rev3A_308 : vector<16xi32>
      %jit3A_333 = arith.constant 0 : i32
      %broadcast_in_dim3A_334 = vector.broadcast %jit3A_333 : i32 to vector<16xi32>
      %select_n3A_335 = arith.select %eq3A_331, %sub3A_332, %broadcast_in_dim3A_334 : vector<16xi1>, vector<16xi32>
      %reduce_sum3A_336 = arith.constant true
      %reduce_sum3A_337 = vector.broadcast %reduce_sum3A_336 : i1 to vector<16xi1>
      %reduce_sum3A_338 = tpu.scan <sum>, %select_n3A_335 masked %reduce_sum3A_337 : vector<16xi32>, vector<16xi1> -> vector<16xi32>
      %reduce_sum3A_339 = vector.extract %reduce_sum3A_338[15] : i32 from vector<16xi32>
      %add3A_340 = arith.addi %reduce_sum3A_297, %reduce_sum3A_339 : i32
      %sub3A_341 = arith.subi %sub3A_162, %add3A_340 : i32
      %broadcast_in_dim3A_342 = arith.constant 0 : i32
      %broadcast_in_dim3A_343 = vector.broadcast %broadcast_in_dim3A_342 : i32 to vector<16xi32>
      %parallel_loop3A_344 = arith.constant 0 : i32
      %parallel_loop3A_345 = arith.constant 4096 : i32
      %parallel_loop3A_346 = arith.constant 16 : i32
      scf.for %parallel_loop3A_702 = %parallel_loop3A_344 to %parallel_loop3A_345 step %parallel_loop3A_346  : i32 {
        %parallel_loop3A_703 = arith.index_cast %parallel_loop3A_702 : i32 to index
        %parallel_loop3A_704 = tpu.vector_load %arg7[%parallel_loop3A_703] {strides = array<i32>} : memref<4096xi32, #tpu.memory_space<vmem>>, vector<16xi32>,
        tpu.vector_store %arg7[%parallel_loop3A_703], %broadcast_in_dim3A_343 {strides = array<i32>} : memref<4096xi32, #tpu.memory_space<vmem>>, vector<16xi32>,
      } {sc.loop_unroll_factor = 8 : i64, sc.parallel_access}
      %reduce_max3A_347 = arith.constant true
      %reduce_max3A_348 = vector.broadcast %reduce_max3A_347 : i1 to vector<16xi1>
      %reduce_max3A_349 = arith.constant -2147483648 : i32
      %reduce_max3A_350 = vector.broadcast %reduce_max3A_349 : i32 to vector<16xi32>
      %reduce_max3A_351 = arith.xori %while3A_216#1, %reduce_max3A_350 : vector<16xi32>
      %reduce_max3A_352 = tpu.scan <max>, %reduce_max3A_351 masked %reduce_max3A_348 : vector<16xi32>, vector<16xi1> -> vector<16xi32>
      %reduce_max3A_353 = arith.xori %reduce_max3A_352, %reduce_max3A_350 : vector<16xi32>
      %reduce_max3A_354 = vector.extract %reduce_max3A_353[15] : i32 from vector<16xi32>
      %while3A_355 = arith.constant 0 : i32
      %while3A_356 = arith.subi %reduce_max3A_354, %while3A_355 : i32
      %while3A_357 = arith.addi %while3A_355, %while3A_356 : i32
      %while3A_358 = arith.constant 1 : i32
      %while3A_359 = arith.divsi %while3A_356, %while3A_358 : i32
      %while3A_360 = arith.muli %while3A_359, %while3A_358 : i32
      %while3A_361 = arith.addi %while3A_355, %while3A_360 : i32
      %while3A_362 = arith.constant 1 : i32
      %while3A_363:2 = scf.for %while3A_702 = %while3A_355 to %while3A_361 step %while3A_362 iter_args(%while3A_703 = %broadcast_in_dim3A_191, %while3A_704 = %broadcast_in_dim3A_193) -> (vector<16xf32>, vector<16xi32>)  : i32 {
        %add3A_705 = vector.broadcast %while3A_702 : i32 to vector<16xi32>
        %add3A_706 = arith.addi %mul3A_6, %add3A_705 : vector<16xi32>
        %gather3A_707 = tpu.vector_load_idx %arg6[%add3A_706] : memref<32768xf32, #tpu.memory_space<vmem>>[vector<16xi32>], vector<16xf32>,
        %lt3A_708 = vector.broadcast %while3A_702 : i32 to vector<16xi32>
        %lt3A_709 = arith.cmpi slt, %lt3A_708, %while3A_216#1 : vector<16xi32>
        %bitcast3A_710 = vector.bitcast %gather3A_707 : vector<16xf32> to vector<16xi32>
        %broadcast_in_dim3A_711 = arith.constant 31 : i32
        %broadcast_in_dim3A_712 = vector.broadcast %broadcast_in_dim3A_711 : i32 to vector<16xi32>
        %shift_right_arithmetic3A_713 = arith.shrsi %bitcast3A_710, %broadcast_in_dim3A_712 : vector<16xi32>
        %or3A_714 = arith.constant -2147483648 : i32
        %or3A_715 = vector.broadcast %or3A_714 : i32 to vector<16xi32>
        %or3A_716 = arith.ori %shift_right_arithmetic3A_713, %or3A_715 : vector<16xi32>
        %xor3A_717 = arith.xori %bitcast3A_710, %or3A_716 : vector<16xi32>
        %broadcast_in_dim3A_718 = arith.constant 16 : i32
        %broadcast_in_dim3A_719 = vector.broadcast %broadcast_in_dim3A_718 : i32 to vector<16xi32>
        %shift_right_logical3A_720 = arith.shrui %xor3A_717, %broadcast_in_dim3A_719 : vector<16xi32>
        %and3A_721 = arith.constant 255 : i32
        %and3A_722 = vector.broadcast %and3A_721 : i32 to vector<16xi32>
        %and3A_723 = arith.andi %shift_right_logical3A_720, %and3A_722 : vector<16xi32>
        %gt3A = vector.broadcast %sub3A_329 : i32 to vector<16xi32>
        %gt3A_724 = arith.cmpi sgt, %and3A_723, %gt3A : vector<16xi32>
        %and3A_725 = arith.andi %lt3A_709, %gt3A_724 : vector<16xi1>
        %eq3A_726 = vector.broadcast %sub3A_329 : i32 to vector<16xi32>
        %eq3A_727 = arith.cmpi eq, %and3A_723, %eq3A_726 : vector<16xi32>
        %and3A_728 = arith.andi %lt3A_709, %eq3A_727 : vector<16xi1>
        %exp3A_729 = math.exp %gather3A_707 : vector<16xf32>
        %jit3A_730 = arith.constant 0.000000e+00 : f32
        %broadcast_in_dim3A_731 = vector.broadcast %jit3A_730 : f32 to vector<16xf32>
        %select_n3A_732 = arith.select %and3A_725, %exp3A_729, %broadcast_in_dim3A_731 : vector<16xi1>, vector<16xf32>
        %add3A_733 = arith.addf %while3A_703, %select_n3A_732 : vector<16xf32>
        %broadcast_in_dim3A_734 = arith.constant 8 : i32
        %broadcast_in_dim3A_735 = vector.broadcast %broadcast_in_dim3A_734 : i32 to vector<16xi32>
        %shift_right_logical3A_736 = arith.shrui %xor3A_717, %broadcast_in_dim3A_735 : vector<16xi32>
        %and3A_737 = arith.constant 255 : i32
        %and3A_738 = vector.broadcast %and3A_737 : i32 to vector<16xi32>
        %and3A_739 = arith.andi %shift_right_logical3A_736, %and3A_738 : vector<16xi32>
        %add3A_740 = arith.addi %and3A_739, %mul3A_3 : vector<16xi32>
        tpu.vector_store_idx %arg7[%add3A_740], %broadcast_in_dim3A_189 masked %and3A_728 {add = true} : memref<4096xi32, #tpu.memory_space<vmem>>[vector<16xi32>], vector<16xi32>, vector<16xi1>
        %add3A_741 = arith.addi %mul3A_6, %while3A_704 : vector<16xi32>
        tpu.vector_store_idx %arg5[%add3A_741], %gather3A_707 masked %and3A_728 : memref<32768xf32, #tpu.memory_space<vmem>>[vector<16xi32>], vector<16xf32>, vector<16xi1>
        %jit3A_742 = arith.constant 1 : i32
        %jit3A_743 = arith.constant 0 : i32
        %broadcast_in_dim3A_744 = vector.broadcast %jit3A_742 : i32 to vector<16xi32>
        %broadcast_in_dim3A_745 = vector.broadcast %jit3A_743 : i32 to vector<16xi32>
        %select_n3A_746 = arith.select %and3A_728, %broadcast_in_dim3A_744, %broadcast_in_dim3A_745 : vector<16xi1>, vector<16xi32>
        %add3A_747 = arith.addi %while3A_704, %select_n3A_746 : vector<16xi32>
        scf.yield %add3A_733, %add3A_747 : vector<16xf32>, vector<16xi32>
      }
      %while3A_364 = arith.constant 1 : i32
      %while3A_365:2 = scf.for %while3A_702 = %while3A_361 to %while3A_357 step %while3A_364 iter_args(%while3A_703 = %while3A_363#0, %while3A_704 = %while3A_363#1) -> (vector<16xf32>, vector<16xi32>)  : i32 {
        %add3A_705 = vector.broadcast %while3A_702 : i32 to vector<16xi32>
        %add3A_706 = arith.addi %mul3A_6, %add3A_705 : vector<16xi32>
        %gather3A_707 = tpu.vector_load_idx %arg6[%add3A_706] : memref<32768xf32, #tpu.memory_space<vmem>>[vector<16xi32>], vector<16xf32>,
        %lt3A_708 = vector.broadcast %while3A_702 : i32 to vector<16xi32>
        %lt3A_709 = arith.cmpi slt, %lt3A_708, %while3A_216#1 : vector<16xi32>
        %bitcast3A_710 = vector.bitcast %gather3A_707 : vector<16xf32> to vector<16xi32>
        %broadcast_in_dim3A_711 = arith.constant 31 : i32
        %broadcast_in_dim3A_712 = vector.broadcast %broadcast_in_dim3A_711 : i32 to vector<16xi32>
        %shift_right_arithmetic3A_713 = arith.shrsi %bitcast3A_710, %broadcast_in_dim3A_712 : vector<16xi32>
        %or3A_714 = arith.constant -2147483648 : i32
        %or3A_715 = vector.broadcast %or3A_714 : i32 to vector<16xi32>
        %or3A_716 = arith.ori %shift_right_arithmetic3A_713, %or3A_715 : vector<16xi32>
        %xor3A_717 = arith.xori %bitcast3A_710, %or3A_716 : vector<16xi32>
        %broadcast_in_dim3A_718 = arith.constant 16 : i32
        %broadcast_in_dim3A_719 = vector.broadcast %broadcast_in_dim3A_718 : i32 to vector<16xi32>
        %shift_right_logical3A_720 = arith.shrui %xor3A_717, %broadcast_in_dim3A_719 : vector<16xi32>
        %and3A_721 = arith.constant 255 : i32
        %and3A_722 = vector.broadcast %and3A_721 : i32 to vector<16xi32>
        %and3A_723 = arith.andi %shift_right_logical3A_720, %and3A_722 : vector<16xi32>
        %gt3A = vector.broadcast %sub3A_329 : i32 to vector<16xi32>
        %gt3A_724 = arith.cmpi sgt, %and3A_723, %gt3A : vector<16xi32>
        %and3A_725 = arith.andi %lt3A_709, %gt3A_724 : vector<16xi1>
        %eq3A_726 = vector.broadcast %sub3A_329 : i32 to vector<16xi32>
        %eq3A_727 = arith.cmpi eq, %and3A_723, %eq3A_726 : vector<16xi32>
        %and3A_728 = arith.andi %lt3A_709, %eq3A_727 : vector<16xi1>
        %exp3A_729 = math.exp %gather3A_707 : vector<16xf32>
        %jit3A_730 = arith.constant 0.000000e+00 : f32
        %broadcast_in_dim3A_731 = vector.broadcast %jit3A_730 : f32 to vector<16xf32>
        %select_n3A_732 = arith.select %and3A_725, %exp3A_729, %broadcast_in_dim3A_731 : vector<16xi1>, vector<16xf32>
        %add3A_733 = arith.addf %while3A_703, %select_n3A_732 : vector<16xf32>
        %broadcast_in_dim3A_734 = arith.constant 8 : i32
        %broadcast_in_dim3A_735 = vector.broadcast %broadcast_in_dim3A_734 : i32 to vector<16xi32>
        %shift_right_logical3A_736 = arith.shrui %xor3A_717, %broadcast_in_dim3A_735 : vector<16xi32>
        %and3A_737 = arith.constant 255 : i32
        %and3A_738 = vector.broadcast %and3A_737 : i32 to vector<16xi32>
        %and3A_739 = arith.andi %shift_right_logical3A_736, %and3A_738 : vector<16xi32>
        %add3A_740 = arith.addi %and3A_739, %mul3A_3 : vector<16xi32>
        tpu.vector_store_idx %arg7[%add3A_740], %broadcast_in_dim3A_189 masked %and3A_728 {add = true} : memref<4096xi32, #tpu.memory_space<vmem>>[vector<16xi32>], vector<16xi32>, vector<16xi1>
        %add3A_741 = arith.addi %mul3A_6, %while3A_704 : vector<16xi32>
        tpu.vector_store_idx %arg5[%add3A_741], %gather3A_707 masked %and3A_728 : memref<32768xf32, #tpu.memory_space<vmem>>[vector<16xi32>], vector<16xf32>, vector<16xi1>
        %jit3A_742 = arith.constant 1 : i32
        %jit3A_743 = arith.constant 0 : i32
        %broadcast_in_dim3A_744 = vector.broadcast %jit3A_742 : i32 to vector<16xi32>
        %broadcast_in_dim3A_745 = vector.broadcast %jit3A_743 : i32 to vector<16xi32>
        %select_n3A_746 = arith.select %and3A_728, %broadcast_in_dim3A_744, %broadcast_in_dim3A_745 : vector<16xi1>, vector<16xi32>
        %add3A_747 = arith.addi %while3A_704, %select_n3A_746 : vector<16xi32>
        scf.yield %add3A_733, %add3A_747 : vector<16xf32>, vector<16xi32>
      }
      %parallel_loop3A_366 = arith.constant 0 : i32
      %parallel_loop3A_367 = arith.constant 256 : i32
      %parallel_loop3A_368 = arith.constant 16 : i32
      scf.for %parallel_loop3A_702 = %parallel_loop3A_366 to %parallel_loop3A_367 step %parallel_loop3A_368  : i32 {
        %parallel_loop3A_703 = arith.index_cast %parallel_loop3A_702 : i32 to index
        %parallel_loop3A_704 = tpu.vector_load %arg7[%parallel_loop3A_703] {strides = array<i32>} : memref<4096xi32, #tpu.memory_space<vmem>>, vector<16xi32>,
        %parallel_loop3A_705 = arith.constant 256 : i32
        %parallel_loop3A_706 = arith.addi %parallel_loop3A_705, %parallel_loop3A_702 : i32
        %parallel_loop3A_707 = arith.index_cast %parallel_loop3A_706 : i32 to index
        %parallel_loop3A_708 = tpu.vector_load %arg7[%parallel_loop3A_707] {strides = array<i32>} : memref<4096xi32, #tpu.memory_space<vmem>>, vector<16xi32>,
        %parallel_loop3A_709 = arith.addi %parallel_loop3A_704, %parallel_loop3A_708 : vector<16xi32>
        %parallel_loop3A_710 = arith.constant 512 : i32
        %parallel_loop3A_711 = arith.addi %parallel_loop3A_710, %parallel_loop3A_702 : i32
        %parallel_loop3A_712 = arith.index_cast %parallel_loop3A_711 : i32 to index
        %parallel_loop3A_713 = tpu.vector_load %arg7[%parallel_loop3A_712] {strides = array<i32>} : memref<4096xi32, #tpu.memory_space<vmem>>, vector<16xi32>,
        %parallel_loop3A_714 = arith.addi %parallel_loop3A_709, %parallel_loop3A_713 : vector<16xi32>
        %parallel_loop3A_715 = arith.constant 768 : i32
        %parallel_loop3A_716 = arith.addi %parallel_loop3A_715, %parallel_loop3A_702 : i32
        %parallel_loop3A_717 = arith.index_cast %parallel_loop3A_716 : i32 to index
        %parallel_loop3A_718 = tpu.vector_load %arg7[%parallel_loop3A_717] {strides = array<i32>} : memref<4096xi32, #tpu.memory_space<vmem>>, vector<16xi32>,
        %parallel_loop3A_719 = arith.addi %parallel_loop3A_714, %parallel_loop3A_718 : vector<16xi32>
        %parallel_loop3A_720 = arith.constant 1024 : i32
        %parallel_loop3A_721 = arith.addi %parallel_loop3A_720, %parallel_loop3A_702 : i32
        %parallel_loop3A_722 = arith.index_cast %parallel_loop3A_721 : i32 to index
        %parallel_loop3A_723 = tpu.vector_load %arg7[%parallel_loop3A_722] {strides = array<i32>} : memref<4096xi32, #tpu.memory_space<vmem>>, vector<16xi32>,
        %parallel_loop3A_724 = arith.addi %parallel_loop3A_719, %parallel_loop3A_723 : vector<16xi32>
        %parallel_loop3A_725 = arith.constant 1280 : i32
        %parallel_loop3A_726 = arith.addi %parallel_loop3A_725, %parallel_loop3A_702 : i32
        %parallel_loop3A_727 = arith.index_cast %parallel_loop3A_726 : i32 to index
        %parallel_loop3A_728 = tpu.vector_load %arg7[%parallel_loop3A_727] {strides = array<i32>} : memref<4096xi32, #tpu.memory_space<vmem>>, vector<16xi32>,
        %parallel_loop3A_729 = arith.addi %parallel_loop3A_724, %parallel_loop3A_728 : vector<16xi32>
        %parallel_loop3A_730 = arith.constant 1536 : i32
        %parallel_loop3A_731 = arith.addi %parallel_loop3A_730, %parallel_loop3A_702 : i32
        %parallel_loop3A_732 = arith.index_cast %parallel_loop3A_731 : i32 to index
        %parallel_loop3A_733 = tpu.vector_load %arg7[%parallel_loop3A_732] {strides = array<i32>} : memref<4096xi32, #tpu.memory_space<vmem>>, vector<16xi32>,
        %parallel_loop3A_734 = arith.addi %parallel_loop3A_729, %parallel_loop3A_733 : vector<16xi32>
        %parallel_loop3A_735 = arith.constant 1792 : i32
        %parallel_loop3A_736 = arith.addi %parallel_loop3A_735, %parallel_loop3A_702 : i32
        %parallel_loop3A_737 = arith.index_cast %parallel_loop3A_736 : i32 to index
        %parallel_loop3A_738 = tpu.vector_load %arg7[%parallel_loop3A_737] {strides = array<i32>} : memref<4096xi32, #tpu.memory_space<vmem>>, vector<16xi32>,
        %parallel_loop3A_739 = arith.addi %parallel_loop3A_734, %parallel_loop3A_738 : vector<16xi32>
        %parallel_loop3A_740 = arith.constant 2048 : i32
        %parallel_loop3A_741 = arith.addi %parallel_loop3A_740, %parallel_loop3A_702 : i32
        %parallel_loop3A_742 = arith.index_cast %parallel_loop3A_741 : i32 to index
        %parallel_loop3A_743 = tpu.vector_load %arg7[%parallel_loop3A_742] {strides = array<i32>} : memref<4096xi32, #tpu.memory_space<vmem>>, vector<16xi32>,
        %parallel_loop3A_744 = arith.addi %parallel_loop3A_739, %parallel_loop3A_743 : vector<16xi32>
        %parallel_loop3A_745 = arith.constant 2304 : i32
        %parallel_loop3A_746 = arith.addi %parallel_loop3A_745, %parallel_loop3A_702 : i32
        %parallel_loop3A_747 = arith.index_cast %parallel_loop3A_746 : i32 to index
        %parallel_loop3A_748 = tpu.vector_load %arg7[%parallel_loop3A_747] {strides = array<i32>} : memref<4096xi32, #tpu.memory_space<vmem>>, vector<16xi32>,
        %parallel_loop3A_749 = arith.addi %parallel_loop3A_744, %parallel_loop3A_748 : vector<16xi32>
        %parallel_loop3A_750 = arith.constant 2560 : i32
        %parallel_loop3A_751 = arith.addi %parallel_loop3A_750, %parallel_loop3A_702 : i32
        %parallel_loop3A_752 = arith.index_cast %parallel_loop3A_751 : i32 to index
        %parallel_loop3A_753 = tpu.vector_load %arg7[%parallel_loop3A_752] {strides = array<i32>} : memref<4096xi32, #tpu.memory_space<vmem>>, vector<16xi32>,
        %parallel_loop3A_754 = arith.addi %parallel_loop3A_749, %parallel_loop3A_753 : vector<16xi32>
        %parallel_loop3A_755 = arith.constant 2816 : i32
        %parallel_loop3A_756 = arith.addi %parallel_loop3A_755, %parallel_loop3A_702 : i32
        %parallel_loop3A_757 = arith.index_cast %parallel_loop3A_756 : i32 to index
        %parallel_loop3A_758 = tpu.vector_load %arg7[%parallel_loop3A_757] {strides = array<i32>} : memref<4096xi32, #tpu.memory_space<vmem>>, vector<16xi32>,
        %parallel_loop3A_759 = arith.addi %parallel_loop3A_754, %parallel_loop3A_758 : vector<16xi32>
        %parallel_loop3A_760 = arith.constant 3072 : i32
        %parallel_loop3A_761 = arith.addi %parallel_loop3A_760, %parallel_loop3A_702 : i32
        %parallel_loop3A_762 = arith.index_cast %parallel_loop3A_761 : i32 to index
        %parallel_loop3A_763 = tpu.vector_load %arg7[%parallel_loop3A_762] {strides = array<i32>} : memref<4096xi32, #tpu.memory_space<vmem>>, vector<16xi32>,
        %parallel_loop3A_764 = arith.addi %parallel_loop3A_759, %parallel_loop3A_763 : vector<16xi32>
        %parallel_loop3A_765 = arith.constant 3328 : i32
        %parallel_loop3A_766 = arith.addi %parallel_loop3A_765, %parallel_loop3A_702 : i32
        %parallel_loop3A_767 = arith.index_cast %parallel_loop3A_766 : i32 to index
        %parallel_loop3A_768 = tpu.vector_load %arg7[%parallel_loop3A_767] {strides = array<i32>} : memref<4096xi32, #tpu.memory_space<vmem>>, vector<16xi32>,
        %parallel_loop3A_769 = arith.addi %parallel_loop3A_764, %parallel_loop3A_768 : vector<16xi32>
        %parallel_loop3A_770 = arith.constant 3584 : i32
        %parallel_loop3A_771 = arith.addi %parallel_loop3A_770, %parallel_loop3A_702 : i32
        %parallel_loop3A_772 = arith.index_cast %parallel_loop3A_771 : i32 to index
        %parallel_loop3A_773 = tpu.vector_load %arg7[%parallel_loop3A_772] {strides = array<i32>} : memref<4096xi32, #tpu.memory_space<vmem>>, vector<16xi32>,
        %parallel_loop3A_774 = arith.addi %parallel_loop3A_769, %parallel_loop3A_773 : vector<16xi32>
        %parallel_loop3A_775 = arith.constant 3840 : i32
        %parallel_loop3A_776 = arith.addi %parallel_loop3A_775, %parallel_loop3A_702 : i32
        %parallel_loop3A_777 = arith.index_cast %parallel_loop3A_776 : i32 to index
        %parallel_loop3A_778 = tpu.vector_load %arg7[%parallel_loop3A_777] {strides = array<i32>} : memref<4096xi32, #tpu.memory_space<vmem>>, vector<16xi32>,
        %parallel_loop3A_779 = arith.addi %parallel_loop3A_774, %parallel_loop3A_778 : vector<16xi32>
        %parallel_loop3A_780 = arith.constant 16 : i32
        %parallel_loop3A_781 = vector.broadcast %parallel_loop3A_780 : i32 to vector<16xi32>
        %parallel_loop3A_782 = arith.muli %iota3A, %parallel_loop3A_781 : vector<16xi32>
        %parallel_loop3A_783 = arith.constant 4 : i32
        %parallel_loop3A_784 = arith.shrsi %parallel_loop3A_702, %parallel_loop3A_783 : i32
        %parallel_loop3A_785 = vector.broadcast %parallel_loop3A_784 : i32 to vector<16xi32>
        %parallel_loop3A_786 = arith.addi %parallel_loop3A_782, %parallel_loop3A_785 : vector<16xi32>
        tpu.vector_store_idx %arg8[%parallel_loop3A_786], %parallel_loop3A_779 : memref<256xi32, #tpu.memory_space<vmem>>[vector<16xi32>], vector<16xi32>,
      } {sc.loop_unroll_factor = 1 : i64, sc.parallel_access}
      %add3A_369 = arith.addf %while3A_216#0, %while3A_365#0 : vector<16xf32>
      %get3A_370 = arith.constant 0 : index
      %get3A_371 = tpu.vector_load %arg8[%get3A_370] {strides = array<i32>} : memref<256xi32, #tpu.memory_space<vmem>>, vector<16xi32>,
      %get3A_372 = arith.constant 16 : index
      %get3A_373 = tpu.vector_load %arg8[%get3A_372] {strides = array<i32>} : memref<256xi32, #tpu.memory_space<vmem>>, vector<16xi32>,
      %add3A_374 = arith.addi %get3A_371, %get3A_373 : vector<16xi32>
      %get3A_375 = arith.constant 32 : index
      %get3A_376 = tpu.vector_load %arg8[%get3A_375] {strides = array<i32>} : memref<256xi32, #tpu.memory_space<vmem>>, vector<16xi32>,
      %add3A_377 = arith.addi %add3A_374, %get3A_376 : vector<16xi32>
      %get3A_378 = arith.constant 48 : index
      %get3A_379 = tpu.vector_load %arg8[%get3A_378] {strides = array<i32>} : memref<256xi32, #tpu.memory_space<vmem>>, vector<16xi32>,
      %add3A_380 = arith.addi %add3A_377, %get3A_379 : vector<16xi32>
      %get3A_381 = arith.constant 64 : index
      %get3A_382 = tpu.vector_load %arg8[%get3A_381] {strides = array<i32>} : memref<256xi32, #tpu.memory_space<vmem>>, vector<16xi32>,
      %add3A_383 = arith.addi %add3A_380, %get3A_382 : vector<16xi32>
      %get3A_384 = arith.constant 80 : index
      %get3A_385 = tpu.vector_load %arg8[%get3A_384] {strides = array<i32>} : memref<256xi32, #tpu.memory_space<vmem>>, vector<16xi32>,
      %add3A_386 = arith.addi %add3A_383, %get3A_385 : vector<16xi32>
      %get3A_387 = arith.constant 96 : index
      %get3A_388 = tpu.vector_load %arg8[%get3A_387] {strides = array<i32>} : memref<256xi32, #tpu.memory_space<vmem>>, vector<16xi32>,
      %add3A_389 = arith.addi %add3A_386, %get3A_388 : vector<16xi32>
      %get3A_390 = arith.constant 112 : index
      %get3A_391 = tpu.vector_load %arg8[%get3A_390] {strides = array<i32>} : memref<256xi32, #tpu.memory_space<vmem>>, vector<16xi32>,
      %add3A_392 = arith.addi %add3A_389, %get3A_391 : vector<16xi32>
      %get3A_393 = arith.constant 128 : index
      %get3A_394 = tpu.vector_load %arg8[%get3A_393] {strides = array<i32>} : memref<256xi32, #tpu.memory_space<vmem>>, vector<16xi32>,
      %add3A_395 = arith.addi %add3A_392, %get3A_394 : vector<16xi32>
      %get3A_396 = arith.constant 144 : index
      %get3A_397 = tpu.vector_load %arg8[%get3A_396] {strides = array<i32>} : memref<256xi32, #tpu.memory_space<vmem>>, vector<16xi32>,
      %add3A_398 = arith.addi %add3A_395, %get3A_397 : vector<16xi32>
      %get3A_399 = arith.constant 160 : index
      %get3A_400 = tpu.vector_load %arg8[%get3A_399] {strides = array<i32>} : memref<256xi32, #tpu.memory_space<vmem>>, vector<16xi32>,
      %add3A_401 = arith.addi %add3A_398, %get3A_400 : vector<16xi32>
      %get3A_402 = arith.constant 176 : index
      %get3A_403 = tpu.vector_load %arg8[%get3A_402] {strides = array<i32>} : memref<256xi32, #tpu.memory_space<vmem>>, vector<16xi32>,
      %add3A_404 = arith.addi %add3A_401, %get3A_403 : vector<16xi32>
      %get3A_405 = arith.constant 192 : index
      %get3A_406 = tpu.vector_load %arg8[%get3A_405] {strides = array<i32>} : memref<256xi32, #tpu.memory_space<vmem>>, vector<16xi32>,
      %add3A_407 = arith.addi %add3A_404, %get3A_406 : vector<16xi32>
      %get3A_408 = arith.constant 208 : index
      %get3A_409 = tpu.vector_load %arg8[%get3A_408] {strides = array<i32>} : memref<256xi32, #tpu.memory_space<vmem>>, vector<16xi32>,
      %add3A_410 = arith.addi %add3A_407, %get3A_409 : vector<16xi32>
      %get3A_411 = arith.constant 224 : index
      %get3A_412 = tpu.vector_load %arg8[%get3A_411] {strides = array<i32>} : memref<256xi32, #tpu.memory_space<vmem>>, vector<16xi32>,
      %add3A_413 = arith.addi %add3A_410, %get3A_412 : vector<16xi32>
      %get3A_414 = arith.constant 240 : index
      %get3A_415 = tpu.vector_load %arg8[%get3A_414] {strides = array<i32>} : memref<256xi32, #tpu.memory_space<vmem>>, vector<16xi32>,
      %add3A_416 = arith.addi %add3A_413, %get3A_415 : vector<16xi32>
      %rev3A_417 = arith.constant 15 : i32
      %rev3A_418 = vector.broadcast %rev3A_417 : i32 to vector<16xi32>
      %rev3A_419 = tpu.iota {dimensions = array<i32: 0>} : vector<16xi32>
      %rev3A_420 = arith.subi %rev3A_418, %rev3A_419 : vector<16xi32>
      %rev3A_421 = tpu.dynamic_gather %add3A_416[%rev3A_420] in [0] : vector<16xi32>, vector<16xi32> -> vector<16xi32>
      %cumsum3A_422 = arith.constant true
      %cumsum3A_423 = vector.broadcast %cumsum3A_422 : i1 to vector<16xi1>
      %cumsum3A_424 = tpu.scan <sum>, %rev3A_421 masked %cumsum3A_423 : vector<16xi32>, vector<16xi1> -> vector<16xi32>
      %ge3A_425 = vector.broadcast %sub3A_341 : i32 to vector<16xi32>
      %ge3A_426 = arith.cmpi sge, %cumsum3A_424, %ge3A_425 : vector<16xi32>
      %all_reduce_ffs3A_427 = tpu.all_reduce %ge3A_426 {dim = 0 : i64, kind = #tpu.reduction_kind<find_first_set>} : vector<16xi1> -> vector<16xi32>
      %reduce_max3A_428 = arith.constant true
      %reduce_max3A_429 = vector.broadcast %reduce_max3A_428 : i1 to vector<16xi1>
      %reduce_max3A_430 = arith.constant -2147483648 : i32
      %reduce_max3A_431 = vector.broadcast %reduce_max3A_430 : i32 to vector<16xi32>
      %reduce_max3A_432 = arith.xori %all_reduce_ffs3A_427, %reduce_max3A_431 : vector<16xi32>
      %reduce_max3A_433 = tpu.scan <max>, %reduce_max3A_432 masked %reduce_max3A_429 : vector<16xi32>, vector<16xi1> -> vector<16xi32>
      %reduce_max3A_434 = arith.xori %reduce_max3A_433, %reduce_max3A_431 : vector<16xi32>
      %reduce_max3A_435 = vector.extract %reduce_max3A_434[15] : i32 from vector<16xi32>
      %sub3A_436 = arith.constant 15 : i32
      %sub3A_437 = arith.subi %sub3A_436, %reduce_max3A_435 : i32
      %eq3A_438 = vector.broadcast %reduce_max3A_435 : i32 to vector<16xi32>
      %eq3A_439 = arith.cmpi eq, %iota3A, %eq3A_438 : vector<16xi32>
      %sub3A_440 = arith.subi %cumsum3A_424, %rev3A_421 : vector<16xi32>
      %jit3A_441 = arith.constant 0 : i32
      %broadcast_in_dim3A_442 = vector.broadcast %jit3A_441 : i32 to vector<16xi32>
      %select_n3A_443 = arith.select %eq3A_439, %sub3A_440, %broadcast_in_dim3A_442 : vector<16xi1>, vector<16xi32>
      %reduce_sum3A_444 = arith.constant true
      %reduce_sum3A_445 = vector.broadcast %reduce_sum3A_444 : i1 to vector<16xi1>
      %reduce_sum3A_446 = tpu.scan <sum>, %select_n3A_443 masked %reduce_sum3A_445 : vector<16xi32>, vector<16xi1> -> vector<16xi32>
      %reduce_sum3A_447 = vector.extract %reduce_sum3A_446[15] : i32 from vector<16xi32>
      %mul3A_448 = arith.constant 16 : i32
      %mul3A_449 = vector.broadcast %mul3A_448 : i32 to vector<16xi32>
      %mul3A_450 = arith.muli %iota3A, %mul3A_449 : vector<16xi32>
      %add3A_451 = vector.broadcast %sub3A_437 : i32 to vector<16xi32>
      %add3A_452 = arith.addi %mul3A_450, %add3A_451 : vector<16xi32>
      %gather3A_453 = tpu.vector_load_idx %arg8[%add3A_452] : memref<256xi32, #tpu.memory_space<vmem>>[vector<16xi32>], vector<16xi32>,
      %rev3A_454 = arith.constant 15 : i32
      %rev3A_455 = vector.broadcast %rev3A_454 : i32 to vector<16xi32>
      %rev3A_456 = tpu.iota {dimensions = array<i32: 0>} : vector<16xi32>
      %rev3A_457 = arith.subi %rev3A_455, %rev3A_456 : vector<16xi32>
      %rev3A_458 = tpu.dynamic_gather %gather3A_453[%rev3A_457] in [0] : vector<16xi32>, vector<16xi32> -> vector<16xi32>
      %cumsum3A_459 = arith.constant true
      %cumsum3A_460 = vector.broadcast %cumsum3A_459 : i1 to vector<16xi1>
      %cumsum3A_461 = tpu.scan <sum>, %rev3A_458 masked %cumsum3A_460 : vector<16xi32>, vector<16xi1> -> vector<16xi32>
      %add3A_462 = vector.broadcast %reduce_sum3A_447 : i32 to vector<16xi32>
      %add3A_463 = arith.addi %add3A_462, %cumsum3A_461 : vector<16xi32>
      %ge3A_464 = vector.broadcast %sub3A_341 : i32 to vector<16xi32>
      %ge3A_465 = arith.cmpi sge, %add3A_463, %ge3A_464 : vector<16xi32>
      %all_reduce_ffs3A_466 = tpu.all_reduce %ge3A_465 {dim = 0 : i64, kind = #tpu.reduction_kind<find_first_set>} : vector<16xi1> -> vector<16xi32>
      %reduce_max3A_467 = arith.constant true
      %reduce_max3A_468 = vector.broadcast %reduce_max3A_467 : i1 to vector<16xi1>
      %reduce_max3A_469 = arith.constant -2147483648 : i32
      %reduce_max3A_470 = vector.broadcast %reduce_max3A_469 : i32 to vector<16xi32>
      %reduce_max3A_471 = arith.xori %all_reduce_ffs3A_466, %reduce_max3A_470 : vector<16xi32>
      %reduce_max3A_472 = tpu.scan <max>, %reduce_max3A_471 masked %reduce_max3A_468 : vector<16xi32>, vector<16xi1> -> vector<16xi32>
      %reduce_max3A_473 = arith.xori %reduce_max3A_472, %reduce_max3A_470 : vector<16xi32>
      %reduce_max3A_474 = vector.extract %reduce_max3A_473[15] : i32 from vector<16xi32>
      %mul3A_475 = arith.constant 16 : i32
      %mul3A_476 = arith.muli %sub3A_437, %mul3A_475 : i32
      %add3A_477 = arith.constant 15 : i32
      %add3A_478 = arith.addi %mul3A_476, %add3A_477 : i32
      %sub3A_479 = arith.subi %add3A_478, %reduce_max3A_474 : i32
      %eq3A_480 = vector.broadcast %reduce_max3A_474 : i32 to vector<16xi32>
      %eq3A_481 = arith.cmpi eq, %iota3A, %eq3A_480 : vector<16xi32>
      %sub3A_482 = arith.subi %cumsum3A_461, %rev3A_458 : vector<16xi32>
      %jit3A_483 = arith.constant 0 : i32
      %broadcast_in_dim3A_484 = vector.broadcast %jit3A_483 : i32 to vector<16xi32>
      %select_n3A_485 = arith.select %eq3A_481, %sub3A_482, %broadcast_in_dim3A_484 : vector<16xi1>, vector<16xi32>
      %reduce_sum3A_486 = arith.constant true
      %reduce_sum3A_487 = vector.broadcast %reduce_sum3A_486 : i1 to vector<16xi1>
      %reduce_sum3A_488 = tpu.scan <sum>, %select_n3A_485 masked %reduce_sum3A_487 : vector<16xi32>, vector<16xi1> -> vector<16xi32>
      %reduce_sum3A_489 = vector.extract %reduce_sum3A_488[15] : i32 from vector<16xi32>
      %add3A_490 = arith.addi %reduce_sum3A_447, %reduce_sum3A_489 : i32
      %sub3A_491 = arith.subi %sub3A_341, %add3A_490 : i32
      %broadcast_in_dim3A_492 = arith.constant 0 : i32
      %broadcast_in_dim3A_493 = vector.broadcast %broadcast_in_dim3A_492 : i32 to vector<16xi32>
      %parallel_loop3A_494 = arith.constant 0 : i32
      %parallel_loop3A_495 = arith.constant 4096 : i32
      %parallel_loop3A_496 = arith.constant 16 : i32
      scf.for %parallel_loop3A_702 = %parallel_loop3A_494 to %parallel_loop3A_495 step %parallel_loop3A_496  : i32 {
        %parallel_loop3A_703 = arith.index_cast %parallel_loop3A_702 : i32 to index
        %parallel_loop3A_704 = tpu.vector_load %arg7[%parallel_loop3A_703] {strides = array<i32>} : memref<4096xi32, #tpu.memory_space<vmem>>, vector<16xi32>,
        tpu.vector_store %arg7[%parallel_loop3A_703], %broadcast_in_dim3A_493 {strides = array<i32>} : memref<4096xi32, #tpu.memory_space<vmem>>, vector<16xi32>,
      } {sc.loop_unroll_factor = 8 : i64, sc.parallel_access}
      %reduce_max3A_497 = arith.constant true
      %reduce_max3A_498 = vector.broadcast %reduce_max3A_497 : i1 to vector<16xi1>
      %reduce_max3A_499 = arith.constant -2147483648 : i32
      %reduce_max3A_500 = vector.broadcast %reduce_max3A_499 : i32 to vector<16xi32>
      %reduce_max3A_501 = arith.xori %while3A_365#1, %reduce_max3A_500 : vector<16xi32>
      %reduce_max3A_502 = tpu.scan <max>, %reduce_max3A_501 masked %reduce_max3A_498 : vector<16xi32>, vector<16xi1> -> vector<16xi32>
      %reduce_max3A_503 = arith.xori %reduce_max3A_502, %reduce_max3A_500 : vector<16xi32>
      %reduce_max3A_504 = vector.extract %reduce_max3A_503[15] : i32 from vector<16xi32>
      %while3A_505 = arith.constant 0 : i32
      %while3A_506 = arith.subi %reduce_max3A_504, %while3A_505 : i32
      %while3A_507 = arith.addi %while3A_505, %while3A_506 : i32
      %while3A_508 = arith.constant 1 : i32
      %while3A_509 = arith.divsi %while3A_506, %while3A_508 : i32
      %while3A_510 = arith.muli %while3A_509, %while3A_508 : i32
      %while3A_511 = arith.addi %while3A_505, %while3A_510 : i32
      %while3A_512 = arith.constant 1 : i32
      %while3A_513:2 = scf.for %while3A_702 = %while3A_505 to %while3A_511 step %while3A_512 iter_args(%while3A_703 = %broadcast_in_dim3A_191, %while3A_704 = %broadcast_in_dim3A_193) -> (vector<16xf32>, vector<16xi32>)  : i32 {
        %add3A_705 = vector.broadcast %while3A_702 : i32 to vector<16xi32>
        %add3A_706 = arith.addi %mul3A_6, %add3A_705 : vector<16xi32>
        %gather3A_707 = tpu.vector_load_idx %arg5[%add3A_706] : memref<32768xf32, #tpu.memory_space<vmem>>[vector<16xi32>], vector<16xf32>,
        %lt3A_708 = vector.broadcast %while3A_702 : i32 to vector<16xi32>
        %lt3A_709 = arith.cmpi slt, %lt3A_708, %while3A_365#1 : vector<16xi32>
        %bitcast3A_710 = vector.bitcast %gather3A_707 : vector<16xf32> to vector<16xi32>
        %broadcast_in_dim3A_711 = arith.constant 31 : i32
        %broadcast_in_dim3A_712 = vector.broadcast %broadcast_in_dim3A_711 : i32 to vector<16xi32>
        %shift_right_arithmetic3A_713 = arith.shrsi %bitcast3A_710, %broadcast_in_dim3A_712 : vector<16xi32>
        %or3A_714 = arith.constant -2147483648 : i32
        %or3A_715 = vector.broadcast %or3A_714 : i32 to vector<16xi32>
        %or3A_716 = arith.ori %shift_right_arithmetic3A_713, %or3A_715 : vector<16xi32>
        %xor3A_717 = arith.xori %bitcast3A_710, %or3A_716 : vector<16xi32>
        %broadcast_in_dim3A_718 = arith.constant 8 : i32
        %broadcast_in_dim3A_719 = vector.broadcast %broadcast_in_dim3A_718 : i32 to vector<16xi32>
        %shift_right_logical3A_720 = arith.shrui %xor3A_717, %broadcast_in_dim3A_719 : vector<16xi32>
        %and3A_721 = arith.constant 255 : i32
        %and3A_722 = vector.broadcast %and3A_721 : i32 to vector<16xi32>
        %and3A_723 = arith.andi %shift_right_logical3A_720, %and3A_722 : vector<16xi32>
        %gt3A = vector.broadcast %sub3A_479 : i32 to vector<16xi32>
        %gt3A_724 = arith.cmpi sgt, %and3A_723, %gt3A : vector<16xi32>
        %and3A_725 = arith.andi %lt3A_709, %gt3A_724 : vector<16xi1>
        %eq3A_726 = vector.broadcast %sub3A_479 : i32 to vector<16xi32>
        %eq3A_727 = arith.cmpi eq, %and3A_723, %eq3A_726 : vector<16xi32>
        %and3A_728 = arith.andi %lt3A_709, %eq3A_727 : vector<16xi1>
        %exp3A_729 = math.exp %gather3A_707 : vector<16xf32>
        %jit3A_730 = arith.constant 0.000000e+00 : f32
        %broadcast_in_dim3A_731 = vector.broadcast %jit3A_730 : f32 to vector<16xf32>
        %select_n3A_732 = arith.select %and3A_725, %exp3A_729, %broadcast_in_dim3A_731 : vector<16xi1>, vector<16xf32>
        %add3A_733 = arith.addf %while3A_703, %select_n3A_732 : vector<16xf32>
        %broadcast_in_dim3A_734 = arith.constant 0 : i32
        %broadcast_in_dim3A_735 = vector.broadcast %broadcast_in_dim3A_734 : i32 to vector<16xi32>
        %shift_right_logical3A_736 = arith.shrui %xor3A_717, %broadcast_in_dim3A_735 : vector<16xi32>
        %and3A_737 = arith.constant 255 : i32
        %and3A_738 = vector.broadcast %and3A_737 : i32 to vector<16xi32>
        %and3A_739 = arith.andi %shift_right_logical3A_736, %and3A_738 : vector<16xi32>
        %add3A_740 = arith.addi %and3A_739, %mul3A_3 : vector<16xi32>
        tpu.vector_store_idx %arg7[%add3A_740], %broadcast_in_dim3A_189 masked %and3A_728 {add = true} : memref<4096xi32, #tpu.memory_space<vmem>>[vector<16xi32>], vector<16xi32>, vector<16xi1>
        %add3A_741 = arith.addi %mul3A_6, %while3A_704 : vector<16xi32>
        tpu.vector_store_idx %arg6[%add3A_741], %gather3A_707 masked %and3A_728 : memref<32768xf32, #tpu.memory_space<vmem>>[vector<16xi32>], vector<16xf32>, vector<16xi1>
        %jit3A_742 = arith.constant 1 : i32
        %jit3A_743 = arith.constant 0 : i32
        %broadcast_in_dim3A_744 = vector.broadcast %jit3A_742 : i32 to vector<16xi32>
        %broadcast_in_dim3A_745 = vector.broadcast %jit3A_743 : i32 to vector<16xi32>
        %select_n3A_746 = arith.select %and3A_728, %broadcast_in_dim3A_744, %broadcast_in_dim3A_745 : vector<16xi1>, vector<16xi32>
        %add3A_747 = arith.addi %while3A_704, %select_n3A_746 : vector<16xi32>
        scf.yield %add3A_733, %add3A_747 : vector<16xf32>, vector<16xi32>
      }
      %while3A_514 = arith.constant 1 : i32
      %while3A_515:2 = scf.for %while3A_702 = %while3A_511 to %while3A_507 step %while3A_514 iter_args(%while3A_703 = %while3A_513#0, %while3A_704 = %while3A_513#1) -> (vector<16xf32>, vector<16xi32>)  : i32 {
        %add3A_705 = vector.broadcast %while3A_702 : i32 to vector<16xi32>
        %add3A_706 = arith.addi %mul3A_6, %add3A_705 : vector<16xi32>
        %gather3A_707 = tpu.vector_load_idx %arg5[%add3A_706] : memref<32768xf32, #tpu.memory_space<vmem>>[vector<16xi32>], vector<16xf32>,
        %lt3A_708 = vector.broadcast %while3A_702 : i32 to vector<16xi32>
        %lt3A_709 = arith.cmpi slt, %lt3A_708, %while3A_365#1 : vector<16xi32>
        %bitcast3A_710 = vector.bitcast %gather3A_707 : vector<16xf32> to vector<16xi32>
        %broadcast_in_dim3A_711 = arith.constant 31 : i32
        %broadcast_in_dim3A_712 = vector.broadcast %broadcast_in_dim3A_711 : i32 to vector<16xi32>
        %shift_right_arithmetic3A_713 = arith.shrsi %bitcast3A_710, %broadcast_in_dim3A_712 : vector<16xi32>
        %or3A_714 = arith.constant -2147483648 : i32
        %or3A_715 = vector.broadcast %or3A_714 : i32 to vector<16xi32>
        %or3A_716 = arith.ori %shift_right_arithmetic3A_713, %or3A_715 : vector<16xi32>
        %xor3A_717 = arith.xori %bitcast3A_710, %or3A_716 : vector<16xi32>
        %broadcast_in_dim3A_718 = arith.constant 8 : i32
        %broadcast_in_dim3A_719 = vector.broadcast %broadcast_in_dim3A_718 : i32 to vector<16xi32>
        %shift_right_logical3A_720 = arith.shrui %xor3A_717, %broadcast_in_dim3A_719 : vector<16xi32>
        %and3A_721 = arith.constant 255 : i32
        %and3A_722 = vector.broadcast %and3A_721 : i32 to vector<16xi32>
        %and3A_723 = arith.andi %shift_right_logical3A_720, %and3A_722 : vector<16xi32>
        %gt3A = vector.broadcast %sub3A_479 : i32 to vector<16xi32>
        %gt3A_724 = arith.cmpi sgt, %and3A_723, %gt3A : vector<16xi32>
        %and3A_725 = arith.andi %lt3A_709, %gt3A_724 : vector<16xi1>
        %eq3A_726 = vector.broadcast %sub3A_479 : i32 to vector<16xi32>
        %eq3A_727 = arith.cmpi eq, %and3A_723, %eq3A_726 : vector<16xi32>
        %and3A_728 = arith.andi %lt3A_709, %eq3A_727 : vector<16xi1>
        %exp3A_729 = math.exp %gather3A_707 : vector<16xf32>
        %jit3A_730 = arith.constant 0.000000e+00 : f32
        %broadcast_in_dim3A_731 = vector.broadcast %jit3A_730 : f32 to vector<16xf32>
        %select_n3A_732 = arith.select %and3A_725, %exp3A_729, %broadcast_in_dim3A_731 : vector<16xi1>, vector<16xf32>
        %add3A_733 = arith.addf %while3A_703, %select_n3A_732 : vector<16xf32>
        %broadcast_in_dim3A_734 = arith.constant 0 : i32
        %broadcast_in_dim3A_735 = vector.broadcast %broadcast_in_dim3A_734 : i32 to vector<16xi32>
        %shift_right_logical3A_736 = arith.shrui %xor3A_717, %broadcast_in_dim3A_735 : vector<16xi32>
        %and3A_737 = arith.constant 255 : i32
        %and3A_738 = vector.broadcast %and3A_737 : i32 to vector<16xi32>
        %and3A_739 = arith.andi %shift_right_logical3A_736, %and3A_738 : vector<16xi32>
        %add3A_740 = arith.addi %and3A_739, %mul3A_3 : vector<16xi32>
        tpu.vector_store_idx %arg7[%add3A_740], %broadcast_in_dim3A_189 masked %and3A_728 {add = true} : memref<4096xi32, #tpu.memory_space<vmem>>[vector<16xi32>], vector<16xi32>, vector<16xi1>
        %add3A_741 = arith.addi %mul3A_6, %while3A_704 : vector<16xi32>
        tpu.vector_store_idx %arg6[%add3A_741], %gather3A_707 masked %and3A_728 : memref<32768xf32, #tpu.memory_space<vmem>>[vector<16xi32>], vector<16xf32>, vector<16xi1>
        %jit3A_742 = arith.constant 1 : i32
        %jit3A_743 = arith.constant 0 : i32
        %broadcast_in_dim3A_744 = vector.broadcast %jit3A_742 : i32 to vector<16xi32>
        %broadcast_in_dim3A_745 = vector.broadcast %jit3A_743 : i32 to vector<16xi32>
        %select_n3A_746 = arith.select %and3A_728, %broadcast_in_dim3A_744, %broadcast_in_dim3A_745 : vector<16xi1>, vector<16xi32>
        %add3A_747 = arith.addi %while3A_704, %select_n3A_746 : vector<16xi32>
        scf.yield %add3A_733, %add3A_747 : vector<16xf32>, vector<16xi32>
      }
      %parallel_loop3A_516 = arith.constant 0 : i32
      %parallel_loop3A_517 = arith.constant 256 : i32
      %parallel_loop3A_518 = arith.constant 16 : i32
      scf.for %parallel_loop3A_702 = %parallel_loop3A_516 to %parallel_loop3A_517 step %parallel_loop3A_518  : i32 {
        %parallel_loop3A_703 = arith.index_cast %parallel_loop3A_702 : i32 to index
        %parallel_loop3A_704 = tpu.vector_load %arg7[%parallel_loop3A_703] {strides = array<i32>} : memref<4096xi32, #tpu.memory_space<vmem>>, vector<16xi32>,
        %parallel_loop3A_705 = arith.constant 256 : i32
        %parallel_loop3A_706 = arith.addi %parallel_loop3A_705, %parallel_loop3A_702 : i32
        %parallel_loop3A_707 = arith.index_cast %parallel_loop3A_706 : i32 to index
        %parallel_loop3A_708 = tpu.vector_load %arg7[%parallel_loop3A_707] {strides = array<i32>} : memref<4096xi32, #tpu.memory_space<vmem>>, vector<16xi32>,
        %parallel_loop3A_709 = arith.addi %parallel_loop3A_704, %parallel_loop3A_708 : vector<16xi32>
        %parallel_loop3A_710 = arith.constant 512 : i32
        %parallel_loop3A_711 = arith.addi %parallel_loop3A_710, %parallel_loop3A_702 : i32
        %parallel_loop3A_712 = arith.index_cast %parallel_loop3A_711 : i32 to index
        %parallel_loop3A_713 = tpu.vector_load %arg7[%parallel_loop3A_712] {strides = array<i32>} : memref<4096xi32, #tpu.memory_space<vmem>>, vector<16xi32>,
        %parallel_loop3A_714 = arith.addi %parallel_loop3A_709, %parallel_loop3A_713 : vector<16xi32>
        %parallel_loop3A_715 = arith.constant 768 : i32
        %parallel_loop3A_716 = arith.addi %parallel_loop3A_715, %parallel_loop3A_702 : i32
        %parallel_loop3A_717 = arith.index_cast %parallel_loop3A_716 : i32 to index
        %parallel_loop3A_718 = tpu.vector_load %arg7[%parallel_loop3A_717] {strides = array<i32>} : memref<4096xi32, #tpu.memory_space<vmem>>, vector<16xi32>,
        %parallel_loop3A_719 = arith.addi %parallel_loop3A_714, %parallel_loop3A_718 : vector<16xi32>
        %parallel_loop3A_720 = arith.constant 1024 : i32
        %parallel_loop3A_721 = arith.addi %parallel_loop3A_720, %parallel_loop3A_702 : i32
        %parallel_loop3A_722 = arith.index_cast %parallel_loop3A_721 : i32 to index
        %parallel_loop3A_723 = tpu.vector_load %arg7[%parallel_loop3A_722] {strides = array<i32>} : memref<4096xi32, #tpu.memory_space<vmem>>, vector<16xi32>,
        %parallel_loop3A_724 = arith.addi %parallel_loop3A_719, %parallel_loop3A_723 : vector<16xi32>
        %parallel_loop3A_725 = arith.constant 1280 : i32
        %parallel_loop3A_726 = arith.addi %parallel_loop3A_725, %parallel_loop3A_702 : i32
        %parallel_loop3A_727 = arith.index_cast %parallel_loop3A_726 : i32 to index
        %parallel_loop3A_728 = tpu.vector_load %arg7[%parallel_loop3A_727] {strides = array<i32>} : memref<4096xi32, #tpu.memory_space<vmem>>, vector<16xi32>,
        %parallel_loop3A_729 = arith.addi %parallel_loop3A_724, %parallel_loop3A_728 : vector<16xi32>
        %parallel_loop3A_730 = arith.constant 1536 : i32
        %parallel_loop3A_731 = arith.addi %parallel_loop3A_730, %parallel_loop3A_702 : i32
        %parallel_loop3A_732 = arith.index_cast %parallel_loop3A_731 : i32 to index
        %parallel_loop3A_733 = tpu.vector_load %arg7[%parallel_loop3A_732] {strides = array<i32>} : memref<4096xi32, #tpu.memory_space<vmem>>, vector<16xi32>,
        %parallel_loop3A_734 = arith.addi %parallel_loop3A_729, %parallel_loop3A_733 : vector<16xi32>
        %parallel_loop3A_735 = arith.constant 1792 : i32
        %parallel_loop3A_736 = arith.addi %parallel_loop3A_735, %parallel_loop3A_702 : i32
        %parallel_loop3A_737 = arith.index_cast %parallel_loop3A_736 : i32 to index
        %parallel_loop3A_738 = tpu.vector_load %arg7[%parallel_loop3A_737] {strides = array<i32>} : memref<4096xi32, #tpu.memory_space<vmem>>, vector<16xi32>,
        %parallel_loop3A_739 = arith.addi %parallel_loop3A_734, %parallel_loop3A_738 : vector<16xi32>
        %parallel_loop3A_740 = arith.constant 2048 : i32
        %parallel_loop3A_741 = arith.addi %parallel_loop3A_740, %parallel_loop3A_702 : i32
        %parallel_loop3A_742 = arith.index_cast %parallel_loop3A_741 : i32 to index
        %parallel_loop3A_743 = tpu.vector_load %arg7[%parallel_loop3A_742] {strides = array<i32>} : memref<4096xi32, #tpu.memory_space<vmem>>, vector<16xi32>,
        %parallel_loop3A_744 = arith.addi %parallel_loop3A_739, %parallel_loop3A_743 : vector<16xi32>
        %parallel_loop3A_745 = arith.constant 2304 : i32
        %parallel_loop3A_746 = arith.addi %parallel_loop3A_745, %parallel_loop3A_702 : i32
        %parallel_loop3A_747 = arith.index_cast %parallel_loop3A_746 : i32 to index
        %parallel_loop3A_748 = tpu.vector_load %arg7[%parallel_loop3A_747] {strides = array<i32>} : memref<4096xi32, #tpu.memory_space<vmem>>, vector<16xi32>,
        %parallel_loop3A_749 = arith.addi %parallel_loop3A_744, %parallel_loop3A_748 : vector<16xi32>
        %parallel_loop3A_750 = arith.constant 2560 : i32
        %parallel_loop3A_751 = arith.addi %parallel_loop3A_750, %parallel_loop3A_702 : i32
        %parallel_loop3A_752 = arith.index_cast %parallel_loop3A_751 : i32 to index
        %parallel_loop3A_753 = tpu.vector_load %arg7[%parallel_loop3A_752] {strides = array<i32>} : memref<4096xi32, #tpu.memory_space<vmem>>, vector<16xi32>,
        %parallel_loop3A_754 = arith.addi %parallel_loop3A_749, %parallel_loop3A_753 : vector<16xi32>
        %parallel_loop3A_755 = arith.constant 2816 : i32
        %parallel_loop3A_756 = arith.addi %parallel_loop3A_755, %parallel_loop3A_702 : i32
        %parallel_loop3A_757 = arith.index_cast %parallel_loop3A_756 : i32 to index
        %parallel_loop3A_758 = tpu.vector_load %arg7[%parallel_loop3A_757] {strides = array<i32>} : memref<4096xi32, #tpu.memory_space<vmem>>, vector<16xi32>,
        %parallel_loop3A_759 = arith.addi %parallel_loop3A_754, %parallel_loop3A_758 : vector<16xi32>
        %parallel_loop3A_760 = arith.constant 3072 : i32
        %parallel_loop3A_761 = arith.addi %parallel_loop3A_760, %parallel_loop3A_702 : i32
        %parallel_loop3A_762 = arith.index_cast %parallel_loop3A_761 : i32 to index
        %parallel_loop3A_763 = tpu.vector_load %arg7[%parallel_loop3A_762] {strides = array<i32>} : memref<4096xi32, #tpu.memory_space<vmem>>, vector<16xi32>,
        %parallel_loop3A_764 = arith.addi %parallel_loop3A_759, %parallel_loop3A_763 : vector<16xi32>
        %parallel_loop3A_765 = arith.constant 3328 : i32
        %parallel_loop3A_766 = arith.addi %parallel_loop3A_765, %parallel_loop3A_702 : i32
        %parallel_loop3A_767 = arith.index_cast %parallel_loop3A_766 : i32 to index
        %parallel_loop3A_768 = tpu.vector_load %arg7[%parallel_loop3A_767] {strides = array<i32>} : memref<4096xi32, #tpu.memory_space<vmem>>, vector<16xi32>,
        %parallel_loop3A_769 = arith.addi %parallel_loop3A_764, %parallel_loop3A_768 : vector<16xi32>
        %parallel_loop3A_770 = arith.constant 3584 : i32
        %parallel_loop3A_771 = arith.addi %parallel_loop3A_770, %parallel_loop3A_702 : i32
        %parallel_loop3A_772 = arith.index_cast %parallel_loop3A_771 : i32 to index
        %parallel_loop3A_773 = tpu.vector_load %arg7[%parallel_loop3A_772] {strides = array<i32>} : memref<4096xi32, #tpu.memory_space<vmem>>, vector<16xi32>,
        %parallel_loop3A_774 = arith.addi %parallel_loop3A_769, %parallel_loop3A_773 : vector<16xi32>
        %parallel_loop3A_775 = arith.constant 3840 : i32
        %parallel_loop3A_776 = arith.addi %parallel_loop3A_775, %parallel_loop3A_702 : i32
        %parallel_loop3A_777 = arith.index_cast %parallel_loop3A_776 : i32 to index
        %parallel_loop3A_778 = tpu.vector_load %arg7[%parallel_loop3A_777] {strides = array<i32>} : memref<4096xi32, #tpu.memory_space<vmem>>, vector<16xi32>,
        %parallel_loop3A_779 = arith.addi %parallel_loop3A_774, %parallel_loop3A_778 : vector<16xi32>
        %parallel_loop3A_780 = arith.constant 16 : i32
        %parallel_loop3A_781 = vector.broadcast %parallel_loop3A_780 : i32 to vector<16xi32>
        %parallel_loop3A_782 = arith.muli %iota3A, %parallel_loop3A_781 : vector<16xi32>
        %parallel_loop3A_783 = arith.constant 4 : i32
        %parallel_loop3A_784 = arith.shrsi %parallel_loop3A_702, %parallel_loop3A_783 : i32
        %parallel_loop3A_785 = vector.broadcast %parallel_loop3A_784 : i32 to vector<16xi32>
        %parallel_loop3A_786 = arith.addi %parallel_loop3A_782, %parallel_loop3A_785 : vector<16xi32>
        tpu.vector_store_idx %arg8[%parallel_loop3A_786], %parallel_loop3A_779 : memref<256xi32, #tpu.memory_space<vmem>>[vector<16xi32>], vector<16xi32>,
      } {sc.loop_unroll_factor = 1 : i64, sc.parallel_access}
      %add3A_519 = arith.addf %add3A_369, %while3A_515#0 : vector<16xf32>
      %get3A_520 = arith.constant 0 : index
      %get3A_521 = tpu.vector_load %arg8[%get3A_520] {strides = array<i32>} : memref<256xi32, #tpu.memory_space<vmem>>, vector<16xi32>,
      %get3A_522 = arith.constant 16 : index
      %get3A_523 = tpu.vector_load %arg8[%get3A_522] {strides = array<i32>} : memref<256xi32, #tpu.memory_space<vmem>>, vector<16xi32>,
      %add3A_524 = arith.addi %get3A_521, %get3A_523 : vector<16xi32>
      %get3A_525 = arith.constant 32 : index
      %get3A_526 = tpu.vector_load %arg8[%get3A_525] {strides = array<i32>} : memref<256xi32, #tpu.memory_space<vmem>>, vector<16xi32>,
      %add3A_527 = arith.addi %add3A_524, %get3A_526 : vector<16xi32>
      %get3A_528 = arith.constant 48 : index
      %get3A_529 = tpu.vector_load %arg8[%get3A_528] {strides = array<i32>} : memref<256xi32, #tpu.memory_space<vmem>>, vector<16xi32>,
      %add3A_530 = arith.addi %add3A_527, %get3A_529 : vector<16xi32>
      %get3A_531 = arith.constant 64 : index
      %get3A_532 = tpu.vector_load %arg8[%get3A_531] {strides = array<i32>} : memref<256xi32, #tpu.memory_space<vmem>>, vector<16xi32>,
      %add3A_533 = arith.addi %add3A_530, %get3A_532 : vector<16xi32>
      %get3A_534 = arith.constant 80 : index
      %get3A_535 = tpu.vector_load %arg8[%get3A_534] {strides = array<i32>} : memref<256xi32, #tpu.memory_space<vmem>>, vector<16xi32>,
      %add3A_536 = arith.addi %add3A_533, %get3A_535 : vector<16xi32>
      %get3A_537 = arith.constant 96 : index
      %get3A_538 = tpu.vector_load %arg8[%get3A_537] {strides = array<i32>} : memref<256xi32, #tpu.memory_space<vmem>>, vector<16xi32>,
      %add3A_539 = arith.addi %add3A_536, %get3A_538 : vector<16xi32>
      %get3A_540 = arith.constant 112 : index
      %get3A_541 = tpu.vector_load %arg8[%get3A_540] {strides = array<i32>} : memref<256xi32, #tpu.memory_space<vmem>>, vector<16xi32>,
      %add3A_542 = arith.addi %add3A_539, %get3A_541 : vector<16xi32>
      %get3A_543 = arith.constant 128 : index
      %get3A_544 = tpu.vector_load %arg8[%get3A_543] {strides = array<i32>} : memref<256xi32, #tpu.memory_space<vmem>>, vector<16xi32>,
      %add3A_545 = arith.addi %add3A_542, %get3A_544 : vector<16xi32>
      %get3A_546 = arith.constant 144 : index
      %get3A_547 = tpu.vector_load %arg8[%get3A_546] {strides = array<i32>} : memref<256xi32, #tpu.memory_space<vmem>>, vector<16xi32>,
      %add3A_548 = arith.addi %add3A_545, %get3A_547 : vector<16xi32>
      %get3A_549 = arith.constant 160 : index
      %get3A_550 = tpu.vector_load %arg8[%get3A_549] {strides = array<i32>} : memref<256xi32, #tpu.memory_space<vmem>>, vector<16xi32>,
      %add3A_551 = arith.addi %add3A_548, %get3A_550 : vector<16xi32>
      %get3A_552 = arith.constant 176 : index
      %get3A_553 = tpu.vector_load %arg8[%get3A_552] {strides = array<i32>} : memref<256xi32, #tpu.memory_space<vmem>>, vector<16xi32>,
      %add3A_554 = arith.addi %add3A_551, %get3A_553 : vector<16xi32>
      %get3A_555 = arith.constant 192 : index
      %get3A_556 = tpu.vector_load %arg8[%get3A_555] {strides = array<i32>} : memref<256xi32, #tpu.memory_space<vmem>>, vector<16xi32>,
      %add3A_557 = arith.addi %add3A_554, %get3A_556 : vector<16xi32>
      %get3A_558 = arith.constant 208 : index
      %get3A_559 = tpu.vector_load %arg8[%get3A_558] {strides = array<i32>} : memref<256xi32, #tpu.memory_space<vmem>>, vector<16xi32>,
      %add3A_560 = arith.addi %add3A_557, %get3A_559 : vector<16xi32>
      %get3A_561 = arith.constant 224 : index
      %get3A_562 = tpu.vector_load %arg8[%get3A_561] {strides = array<i32>} : memref<256xi32, #tpu.memory_space<vmem>>, vector<16xi32>,
      %add3A_563 = arith.addi %add3A_560, %get3A_562 : vector<16xi32>
      %get3A_564 = arith.constant 240 : index
      %get3A_565 = tpu.vector_load %arg8[%get3A_564] {strides = array<i32>} : memref<256xi32, #tpu.memory_space<vmem>>, vector<16xi32>,
      %add3A_566 = arith.addi %add3A_563, %get3A_565 : vector<16xi32>
      %rev3A_567 = arith.constant 15 : i32
      %rev3A_568 = vector.broadcast %rev3A_567 : i32 to vector<16xi32>
      %rev3A_569 = tpu.iota {dimensions = array<i32: 0>} : vector<16xi32>
      %rev3A_570 = arith.subi %rev3A_568, %rev3A_569 : vector<16xi32>
      %rev3A_571 = tpu.dynamic_gather %add3A_566[%rev3A_570] in [0] : vector<16xi32>, vector<16xi32> -> vector<16xi32>
      %cumsum3A_572 = arith.constant true
      %cumsum3A_573 = vector.broadcast %cumsum3A_572 : i1 to vector<16xi1>
      %cumsum3A_574 = tpu.scan <sum>, %rev3A_571 masked %cumsum3A_573 : vector<16xi32>, vector<16xi1> -> vector<16xi32>
      %ge3A_575 = vector.broadcast %sub3A_491 : i32 to vector<16xi32>
      %ge3A_576 = arith.cmpi sge, %cumsum3A_574, %ge3A_575 : vector<16xi32>
      %all_reduce_ffs3A_577 = tpu.all_reduce %ge3A_576 {dim = 0 : i64, kind = #tpu.reduction_kind<find_first_set>} : vector<16xi1> -> vector<16xi32>
      %reduce_max3A_578 = arith.constant true
      %reduce_max3A_579 = vector.broadcast %reduce_max3A_578 : i1 to vector<16xi1>
      %reduce_max3A_580 = arith.constant -2147483648 : i32
      %reduce_max3A_581 = vector.broadcast %reduce_max3A_580 : i32 to vector<16xi32>
      %reduce_max3A_582 = arith.xori %all_reduce_ffs3A_577, %reduce_max3A_581 : vector<16xi32>
      %reduce_max3A_583 = tpu.scan <max>, %reduce_max3A_582 masked %reduce_max3A_579 : vector<16xi32>, vector<16xi1> -> vector<16xi32>
      %reduce_max3A_584 = arith.xori %reduce_max3A_583, %reduce_max3A_581 : vector<16xi32>
      %reduce_max3A_585 = vector.extract %reduce_max3A_584[15] : i32 from vector<16xi32>
      %sub3A_586 = arith.constant 15 : i32
      %sub3A_587 = arith.subi %sub3A_586, %reduce_max3A_585 : i32
      %eq3A_588 = vector.broadcast %reduce_max3A_585 : i32 to vector<16xi32>
      %eq3A_589 = arith.cmpi eq, %iota3A, %eq3A_588 : vector<16xi32>
      %sub3A_590 = arith.subi %cumsum3A_574, %rev3A_571 : vector<16xi32>
      %jit3A_591 = arith.constant 0 : i32
      %broadcast_in_dim3A_592 = vector.broadcast %jit3A_591 : i32 to vector<16xi32>
      %select_n3A_593 = arith.select %eq3A_589, %sub3A_590, %broadcast_in_dim3A_592 : vector<16xi1>, vector<16xi32>
      %reduce_sum3A_594 = arith.constant true
      %reduce_sum3A_595 = vector.broadcast %reduce_sum3A_594 : i1 to vector<16xi1>
      %reduce_sum3A_596 = tpu.scan <sum>, %select_n3A_593 masked %reduce_sum3A_595 : vector<16xi32>, vector<16xi1> -> vector<16xi32>
      %reduce_sum3A_597 = vector.extract %reduce_sum3A_596[15] : i32 from vector<16xi32>
      %mul3A_598 = arith.constant 16 : i32
      %mul3A_599 = vector.broadcast %mul3A_598 : i32 to vector<16xi32>
      %mul3A_600 = arith.muli %iota3A, %mul3A_599 : vector<16xi32>
      %add3A_601 = vector.broadcast %sub3A_587 : i32 to vector<16xi32>
      %add3A_602 = arith.addi %mul3A_600, %add3A_601 : vector<16xi32>
      %gather3A_603 = tpu.vector_load_idx %arg8[%add3A_602] : memref<256xi32, #tpu.memory_space<vmem>>[vector<16xi32>], vector<16xi32>,
      %rev3A_604 = arith.constant 15 : i32
      %rev3A_605 = vector.broadcast %rev3A_604 : i32 to vector<16xi32>
      %rev3A_606 = tpu.iota {dimensions = array<i32: 0>} : vector<16xi32>
      %rev3A_607 = arith.subi %rev3A_605, %rev3A_606 : vector<16xi32>
      %rev3A_608 = tpu.dynamic_gather %gather3A_603[%rev3A_607] in [0] : vector<16xi32>, vector<16xi32> -> vector<16xi32>
      %cumsum3A_609 = arith.constant true
      %cumsum3A_610 = vector.broadcast %cumsum3A_609 : i1 to vector<16xi1>
      %cumsum3A_611 = tpu.scan <sum>, %rev3A_608 masked %cumsum3A_610 : vector<16xi32>, vector<16xi1> -> vector<16xi32>
      %add3A_612 = vector.broadcast %reduce_sum3A_597 : i32 to vector<16xi32>
      %add3A_613 = arith.addi %add3A_612, %cumsum3A_611 : vector<16xi32>
      %ge3A_614 = vector.broadcast %sub3A_491 : i32 to vector<16xi32>
      %ge3A_615 = arith.cmpi sge, %add3A_613, %ge3A_614 : vector<16xi32>
      %all_reduce_ffs3A_616 = tpu.all_reduce %ge3A_615 {dim = 0 : i64, kind = #tpu.reduction_kind<find_first_set>} : vector<16xi1> -> vector<16xi32>
      %reduce_max3A_617 = arith.constant true
      %reduce_max3A_618 = vector.broadcast %reduce_max3A_617 : i1 to vector<16xi1>
      %reduce_max3A_619 = arith.constant -2147483648 : i32
      %reduce_max3A_620 = vector.broadcast %reduce_max3A_619 : i32 to vector<16xi32>
      %reduce_max3A_621 = arith.xori %all_reduce_ffs3A_616, %reduce_max3A_620 : vector<16xi32>
      %reduce_max3A_622 = tpu.scan <max>, %reduce_max3A_621 masked %reduce_max3A_618 : vector<16xi32>, vector<16xi1> -> vector<16xi32>
      %reduce_max3A_623 = arith.xori %reduce_max3A_622, %reduce_max3A_620 : vector<16xi32>
      %reduce_max3A_624 = vector.extract %reduce_max3A_623[15] : i32 from vector<16xi32>
      %mul3A_625 = arith.constant 16 : i32
      %mul3A_626 = arith.muli %sub3A_587, %mul3A_625 : i32
      %add3A_627 = arith.constant 15 : i32
      %add3A_628 = arith.addi %mul3A_626, %add3A_627 : i32
      %sub3A_629 = arith.subi %add3A_628, %reduce_max3A_624 : i32
      %eq3A_630 = vector.broadcast %reduce_max3A_624 : i32 to vector<16xi32>
      %eq3A_631 = arith.cmpi eq, %iota3A, %eq3A_630 : vector<16xi32>
      %sub3A_632 = arith.subi %cumsum3A_611, %rev3A_608 : vector<16xi32>
      %jit3A_633 = arith.constant 0 : i32
      %broadcast_in_dim3A_634 = vector.broadcast %jit3A_633 : i32 to vector<16xi32>
      %select_n3A_635 = arith.select %eq3A_631, %sub3A_632, %broadcast_in_dim3A_634 : vector<16xi1>, vector<16xi32>
      %reduce_sum3A_636 = arith.constant true
      %reduce_sum3A_637 = vector.broadcast %reduce_sum3A_636 : i1 to vector<16xi1>
      %reduce_sum3A_638 = tpu.scan <sum>, %select_n3A_635 masked %reduce_sum3A_637 : vector<16xi32>, vector<16xi1> -> vector<16xi32>
      %reduce_sum3A_639 = vector.extract %reduce_sum3A_638[15] : i32 from vector<16xi32>
      %add3A_640 = arith.addi %reduce_sum3A_597, %reduce_sum3A_639 : i32
      %sub3A_641 = arith.subi %sub3A_491, %add3A_640 : i32
      %reduce_max3A_642 = arith.constant true
      %reduce_max3A_643 = vector.broadcast %reduce_max3A_642 : i1 to vector<16xi1>
      %reduce_max3A_644 = arith.constant -2147483648 : i32
      %reduce_max3A_645 = vector.broadcast %reduce_max3A_644 : i32 to vector<16xi32>
      %reduce_max3A_646 = arith.xori %while3A_515#1, %reduce_max3A_645 : vector<16xi32>
      %reduce_max3A_647 = tpu.scan <max>, %reduce_max3A_646 masked %reduce_max3A_643 : vector<16xi32>, vector<16xi1> -> vector<16xi32>
      %reduce_max3A_648 = arith.xori %reduce_max3A_647, %reduce_max3A_645 : vector<16xi32>
      %reduce_max3A_649 = vector.extract %reduce_max3A_648[15] : i32 from vector<16xi32>
      %while3A_650 = arith.constant 0 : i32
      %while3A_651 = arith.subi %reduce_max3A_649, %while3A_650 : i32
      %while3A_652 = arith.addi %while3A_650, %while3A_651 : i32
      %while3A_653 = arith.constant 1 : i32
      %while3A_654 = arith.divsi %while3A_651, %while3A_653 : i32
      %while3A_655 = arith.muli %while3A_654, %while3A_653 : i32
      %while3A_656 = arith.addi %while3A_650, %while3A_655 : i32
      %while3A_657 = arith.constant 1 : i32
      %while3A_658 = scf.for %while3A_702 = %while3A_650 to %while3A_656 step %while3A_657 iter_args(%while3A_703 = %broadcast_in_dim3A_191) -> (vector<16xf32>)  : i32 {
        %add3A_704 = vector.broadcast %while3A_702 : i32 to vector<16xi32>
        %add3A_705 = arith.addi %mul3A_6, %add3A_704 : vector<16xi32>
        %gather3A_706 = tpu.vector_load_idx %arg6[%add3A_705] : memref<32768xf32, #tpu.memory_space<vmem>>[vector<16xi32>], vector<16xf32>,
        %lt3A_707 = vector.broadcast %while3A_702 : i32 to vector<16xi32>
        %lt3A_708 = arith.cmpi slt, %lt3A_707, %while3A_515#1 : vector<16xi32>
        %bitcast3A_709 = vector.bitcast %gather3A_706 : vector<16xf32> to vector<16xi32>
        %broadcast_in_dim3A_710 = arith.constant 31 : i32
        %broadcast_in_dim3A_711 = vector.broadcast %broadcast_in_dim3A_710 : i32 to vector<16xi32>
        %shift_right_arithmetic3A_712 = arith.shrsi %bitcast3A_709, %broadcast_in_dim3A_711 : vector<16xi32>
        %or3A_713 = arith.constant -2147483648 : i32
        %or3A_714 = vector.broadcast %or3A_713 : i32 to vector<16xi32>
        %or3A_715 = arith.ori %shift_right_arithmetic3A_712, %or3A_714 : vector<16xi32>
        %xor3A_716 = arith.xori %bitcast3A_709, %or3A_715 : vector<16xi32>
        %broadcast_in_dim3A_717 = arith.constant 0 : i32
        %broadcast_in_dim3A_718 = vector.broadcast %broadcast_in_dim3A_717 : i32 to vector<16xi32>
        %shift_right_logical3A_719 = arith.shrui %xor3A_716, %broadcast_in_dim3A_718 : vector<16xi32>
        %and3A_720 = arith.constant 255 : i32
        %and3A_721 = vector.broadcast %and3A_720 : i32 to vector<16xi32>
        %and3A_722 = arith.andi %shift_right_logical3A_719, %and3A_721 : vector<16xi32>
        %gt3A = vector.broadcast %sub3A_629 : i32 to vector<16xi32>
        %gt3A_723 = arith.cmpi sgt, %and3A_722, %gt3A : vector<16xi32>
        %and3A_724 = arith.andi %lt3A_708, %gt3A_723 : vector<16xi1>
        %exp3A_725 = math.exp %gather3A_706 : vector<16xf32>
        %jit3A_726 = arith.constant 0.000000e+00 : f32
        %broadcast_in_dim3A_727 = vector.broadcast %jit3A_726 : f32 to vector<16xf32>
        %select_n3A_728 = arith.select %and3A_724, %exp3A_725, %broadcast_in_dim3A_727 : vector<16xi1>, vector<16xf32>
        %add3A_729 = arith.addf %while3A_703, %select_n3A_728 : vector<16xf32>
        scf.yield %add3A_729 : vector<16xf32>
      }
      %while3A_659 = arith.constant 1 : i32
      %while3A_660 = scf.for %while3A_702 = %while3A_656 to %while3A_652 step %while3A_659 iter_args(%while3A_703 = %while3A_658) -> (vector<16xf32>)  : i32 {
        %add3A_704 = vector.broadcast %while3A_702 : i32 to vector<16xi32>
        %add3A_705 = arith.addi %mul3A_6, %add3A_704 : vector<16xi32>
        %gather3A_706 = tpu.vector_load_idx %arg6[%add3A_705] : memref<32768xf32, #tpu.memory_space<vmem>>[vector<16xi32>], vector<16xf32>,
        %lt3A_707 = vector.broadcast %while3A_702 : i32 to vector<16xi32>
        %lt3A_708 = arith.cmpi slt, %lt3A_707, %while3A_515#1 : vector<16xi32>
        %bitcast3A_709 = vector.bitcast %gather3A_706 : vector<16xf32> to vector<16xi32>
        %broadcast_in_dim3A_710 = arith.constant 31 : i32
        %broadcast_in_dim3A_711 = vector.broadcast %broadcast_in_dim3A_710 : i32 to vector<16xi32>
        %shift_right_arithmetic3A_712 = arith.shrsi %bitcast3A_709, %broadcast_in_dim3A_711 : vector<16xi32>
        %or3A_713 = arith.constant -2147483648 : i32
        %or3A_714 = vector.broadcast %or3A_713 : i32 to vector<16xi32>
        %or3A_715 = arith.ori %shift_right_arithmetic3A_712, %or3A_714 : vector<16xi32>
        %xor3A_716 = arith.xori %bitcast3A_709, %or3A_715 : vector<16xi32>
        %broadcast_in_dim3A_717 = arith.constant 0 : i32
        %broadcast_in_dim3A_718 = vector.broadcast %broadcast_in_dim3A_717 : i32 to vector<16xi32>
        %shift_right_logical3A_719 = arith.shrui %xor3A_716, %broadcast_in_dim3A_718 : vector<16xi32>
        %and3A_720 = arith.constant 255 : i32
        %and3A_721 = vector.broadcast %and3A_720 : i32 to vector<16xi32>
        %and3A_722 = arith.andi %shift_right_logical3A_719, %and3A_721 : vector<16xi32>
        %gt3A = vector.broadcast %sub3A_629 : i32 to vector<16xi32>
        %gt3A_723 = arith.cmpi sgt, %and3A_722, %gt3A : vector<16xi32>
        %and3A_724 = arith.andi %lt3A_708, %gt3A_723 : vector<16xi1>
        %exp3A_725 = math.exp %gather3A_706 : vector<16xf32>
        %jit3A_726 = arith.constant 0.000000e+00 : f32
        %broadcast_in_dim3A_727 = vector.broadcast %jit3A_726 : f32 to vector<16xf32>
        %select_n3A_728 = arith.select %and3A_724, %exp3A_725, %broadcast_in_dim3A_727 : vector<16xi1>, vector<16xf32>
        %add3A_729 = arith.addf %while3A_703, %select_n3A_728 : vector<16xf32>
        scf.yield %add3A_729 : vector<16xf32>
      }
      %add3A_661 = arith.addf %add3A_519, %while3A_660 : vector<16xf32>
      %reduce_sum3A_662 = arith.constant true
      %reduce_sum3A_663 = vector.broadcast %reduce_sum3A_662 : i1 to vector<16xi1>
      %reduce_sum3A_664 = tpu.scan <sum>, %add3A_661 masked %reduce_sum3A_663 : vector<16xf32>, vector<16xi1> -> vector<16xf32>
      %reduce_sum3A_665 = vector.extract %reduce_sum3A_664[15] : f32 from vector<16xf32>
      %shift_left3A = arith.constant 8 : i32
      %shift_left3A_666 = arith.shli %sub3A_149, %shift_left3A : i32
      %or3A_667 = arith.ori %shift_left3A_666, %sub3A_329 : i32
      %shift_left3A_668 = arith.constant 8 : i32
      %shift_left3A_669 = arith.shli %or3A_667, %shift_left3A_668 : i32
      %or3A_670 = arith.ori %shift_left3A_669, %sub3A_479 : i32
      %shift_left3A_671 = arith.constant 8 : i32
      %shift_left3A_672 = arith.shli %or3A_670, %shift_left3A_671 : i32
      %or3A_673 = arith.ori %shift_left3A_672, %sub3A_629 : i32
      %broadcast_in_dim3A_674 = vector.broadcast %or3A_673 : i32 to vector<16xi32>
      %lt3A = arith.constant 0 : i32
      %lt3A_675 = vector.broadcast %lt3A : i32 to vector<16xi32>
      %lt3A_676 = arith.cmpi slt, %broadcast_in_dim3A_674, %lt3A_675 : vector<16xi32>
      %xor3A_677 = arith.constant -2147483648 : i32
      %xor3A_678 = vector.broadcast %xor3A_677 : i32 to vector<16xi32>
      %xor3A_679 = arith.xori %broadcast_in_dim3A_674, %xor3A_678 : vector<16xi32>
      %xor3A_680 = arith.constant -1 : i32
      %xor3A_681 = vector.broadcast %xor3A_680 : i32 to vector<16xi32>
      %xor3A_682 = arith.xori %broadcast_in_dim3A_674, %xor3A_681 : vector<16xi32>
      %select_n3A_683 = arith.select %lt3A_676, %xor3A_679, %xor3A_682 : vector<16xi1>, vector<16xi32>
      %bitcast3A_684 = vector.bitcast %select_n3A_683 : vector<16xi32> to vector<16xf32>
      %exp3A_685 = math.exp %bitcast3A_684 : vector<16xf32>
      %reduce_max3A_686 = arith.constant true
      %reduce_max3A_687 = vector.broadcast %reduce_max3A_686 : i1 to vector<16xi1>
      %reduce_max3A_688 = tpu.scan <max>, %exp3A_685 masked %reduce_max3A_687 : vector<16xf32>, vector<16xi1> -> vector<16xf32>
      %reduce_max3A_689 = vector.extract %reduce_max3A_688[15] : f32 from vector<16xf32>
      %convert_element_type3A = arith.sitofp %sub3A_641 : i32 to f32
      %mul3A_690 = arith.mulf %convert_element_type3A, %reduce_max3A_689 : f32
      %add3A_691 = arith.addf %reduce_sum3A_665, %mul3A_690 : f32
      %sub3A_692 = arith.subf %reduce_sum3A_41, %add3A_691 : f32
      %dma_wait3A = arith.constant 0 : i32
      %dma_wait3A_693 = tpu.memref_slice %arg2[%add3A_182, %dma_wait3A] : memref<128x32768xf32, #tpu.memory_space<hbm>> -> memref<1x32768xf32, #tpu.memory_space<hbm>>
      %dma_wait3A_694 = tpu.memref_squeeze %dma_wait3A_693 : memref<1x32768xf32, #tpu.memory_space<hbm>> -> memref<32768xf32, #tpu.memory_space<hbm>>
      %dma_wait3A_695 = arith.constant 0 : i32
      %dma_wait3A_696 = tpu.memref_slice %arg2[%add3A_182, %dma_wait3A_695] : memref<128x32768xf32, #tpu.memory_space<hbm>> -> memref<1x32768xf32, #tpu.memory_space<hbm>>
      %dma_wait3A_697 = tpu.memref_squeeze %dma_wait3A_696 : memref<1x32768xf32, #tpu.memory_space<hbm>> -> memref<32768xf32, #tpu.memory_space<hbm>>
      tpu.wait_dma2 semaphore(%arg10 : memref<!tpu.dma_semaphore, #tpu.memory_space<semaphore_mem>>) src(%dma_wait3A_697 : memref<32768xf32, #tpu.memory_space<hbm>>) dst(%arg4 : memref<32768xf32, #tpu.memory_space<vmem>>)
      %eq3A_698 = vector.broadcast %scan3A_16 : i32 to vector<16xi32>
      %eq3A_699 = arith.cmpi eq, %iota3A, %eq3A_698 : vector<16xi32>
      %broadcast_in_dim3A_700 = vector.broadcast %sub3A_692 : f32 to vector<16xf32>
      %select_n3A_701 = arith.select %eq3A_699, %broadcast_in_dim3A_700, %scan3A_17 : vector<16xi1>, vector<16xf32>
      scf.yield %select_n3A_701 : vector<16xf32>
    }
    %scan3A_14 = arith.constant 4 : i32
    %swap3A = arith.constant 0 : index
    %swap3A_15 = tpu.vector_load %arg9[%swap3A] {strides = array<i32>} : memref<16xf32, #tpu.memory_space<vmem>>, vector<16xf32>,
    tpu.vector_store %arg9[%swap3A], %scan3A_13 {strides = array<i32>} : memref<16xf32, #tpu.memory_space<vmem>>, vector<16xf32>,
    "tpu.region"() ({
      %run_scoped3A = tpu.sem_alloc : memref<!tpu.dma_semaphore, #tpu.memory_space<semaphore_mem>>
      %dma_start3A = arith.constant 0 : i32
      %dma_start3A_16 = tpu.memref_slice %arg3[%add3A, %dma_start3A] : memref<32x16xf32, #tpu.memory_space<hbm>> -> memref<1x16xf32, #tpu.memory_space<hbm>>
      %dma_start3A_17 = tpu.memref_squeeze %dma_start3A_16 : memref<1x16xf32, #tpu.memory_space<hbm>> -> memref<16xf32, #tpu.memory_space<hbm>>
      %dma_start3A_18 = arith.constant 0 : i32
      %dma_start3A_19 = tpu.memref_slice %arg3[%add3A, %dma_start3A_18] : memref<32x16xf32, #tpu.memory_space<hbm>> -> memref<1x16xf32, #tpu.memory_space<hbm>>
      %dma_start3A_20 = tpu.memref_squeeze %dma_start3A_19 : memref<1x16xf32, #tpu.memory_space<hbm>> -> memref<16xf32, #tpu.memory_space<hbm>>
      tpu.enqueue_dma source(%arg9 : memref<16xf32, #tpu.memory_space<vmem>>) target(%dma_start3A_20 : memref<16xf32, #tpu.memory_space<hbm>>) target_semaphore(%run_scoped3A : memref<!tpu.dma_semaphore, #tpu.memory_space<semaphore_mem>>)
      %dma_wait3A = arith.constant 0 : i32
      %dma_wait3A_21 = tpu.memref_slice %arg3[%add3A, %dma_wait3A] : memref<32x16xf32, #tpu.memory_space<hbm>> -> memref<1x16xf32, #tpu.memory_space<hbm>>
      %dma_wait3A_22 = tpu.memref_squeeze %dma_wait3A_21 : memref<1x16xf32, #tpu.memory_space<hbm>> -> memref<16xf32, #tpu.memory_space<hbm>>
      %dma_wait3A_23 = arith.constant 0 : i32
      %dma_wait3A_24 = tpu.memref_slice %arg3[%add3A, %dma_wait3A_23] : memref<32x16xf32, #tpu.memory_space<hbm>> -> memref<1x16xf32, #tpu.memory_space<hbm>>
      %dma_wait3A_25 = tpu.memref_squeeze %dma_wait3A_24 : memref<1x16xf32, #tpu.memory_space<hbm>> -> memref<16xf32, #tpu.memory_space<hbm>>
      tpu.wait_dma2 semaphore(%run_scoped3A : memref<!tpu.dma_semaphore, #tpu.memory_space<semaphore_mem>>) src(%arg9 : memref<16xf32, #tpu.memory_space<vmem>>) dst(%dma_wait3A_25 : memref<16xf32, #tpu.memory_space<hbm>>)
      tpu.yield
    }) : () -> ()
    return
  }
}

module attributes {stable_mosaic.version = 14 : i64} {
  func.func @_finish_kernel(%arg0: i32, %arg1: memref<32x16xf32, #tpu.memory_space<vmem>>, %arg2: memref<128x128xf32, #tpu.memory_space<vmem>>, %arg3: memref<1x1xf32, #tpu.memory_space<smem>>) attributes {dimension_semantics = [#tpu.dimension_semantics<arbitrary>], iteration_bounds = array<i64: 1>, scalar_prefetch = 0 : i64, scratch_operands = 0 : i64, tpu.core_type = #tpu.core_type<tc>, window_params = [{pipeline_mode = #tpu.pipeline_mode<synchronous>, transform_indices = @transform_0, window_bounds = array<i64: 32, 16>}, {transform_indices = @transform_1, window_bounds = array<i64: 128, 128>}, {transform_indices = @transform_2, window_bounds = array<i64: 1, 1>}]} {
    %get3A = arith.constant 0 : index
    %get3A_0 = arith.constant 0 : index
    %get3A_1 = vector.load %arg1[%get3A, %get3A_0] : memref<32x16xf32, #tpu.memory_space<vmem>>, vector<32x16xf32>
    %get3A_2 = arith.constant 0 : index
    %get3A_3 = arith.constant 0 : index
    %get3A_4 = vector.load %arg2[%get3A_2, %get3A_3] : memref<128x128xf32, #tpu.memory_space<vmem>>, vector<128x128xf32>
    %iota3A = tpu.iota {dimensions = array<i32: 1>} : vector<128x128xi32>
    %eq3A = arith.constant 0 : i32
    %eq3A_5 = vector.broadcast %eq3A : i32 to vector<128x128xi32>
    %eq3A_6 = arith.cmpi eq, %iota3A, %eq3A_5 : vector<128x128xi32>
    %jit3A = arith.constant 0.000000e+00 : f32
    %broadcast_in_dim3A = vector.broadcast %jit3A : f32 to vector<128x128xf32>
    %select_n3A = arith.select %eq3A_6, %get3A_4, %broadcast_in_dim3A : vector<128x128xi1>, vector<128x128xf32>
    %reduce_sum3A = vector.shape_cast %select_n3A : vector<128x128xf32> to vector<1x128x128xf32>
    %reduce_sum3A_7 = arith.constant dense<0.000000e+00> : vector<1xf32>
    %reduce_sum3A_8 = vector.multi_reduction <add>, %reduce_sum3A, %reduce_sum3A_7 [1, 2] : vector<1x128x128xf32> to vector<1xf32>
    %reduce_sum3A_9 = vector.shape_cast %reduce_sum3A_8 : vector<1xf32> to vector<1x1x1xf32>
    %reduce_sum3A_10 = vector.extract %reduce_sum3A_9[0, 0, 0] : f32 from vector<1x1x1xf32>
    %log3A = math.log %get3A_1 : vector<32x16xf32>
    %reduce_sum3A_11 = vector.shape_cast %log3A : vector<32x16xf32> to vector<1x32x16xf32>
    %reduce_sum3A_12 = arith.constant dense<0.000000e+00> : vector<1xf32>
    %reduce_sum3A_13 = vector.multi_reduction <add>, %reduce_sum3A_11, %reduce_sum3A_12 [1, 2] : vector<1x32x16xf32> to vector<1xf32>
    %reduce_sum3A_14 = vector.shape_cast %reduce_sum3A_13 : vector<1xf32> to vector<1x1x1xf32>
    %reduce_sum3A_15 = vector.extract %reduce_sum3A_14[0, 0, 0] : f32 from vector<1x1x1xf32>
    %sub3A = arith.subf %reduce_sum3A_15, %reduce_sum3A_10 : f32
    %mul3A = arith.constant 7.812500e-03 : f32
    %mul3A_16 = arith.mulf %sub3A, %mul3A : f32
    %swap3A = arith.constant 0 : index
    %swap3A_17 = arith.constant 0 : index
    %swap3A_18 = memref.load %arg3[%swap3A, %swap3A_17] : memref<1x1xf32, #tpu.memory_space<smem>>
    memref.store %mul3A_16, %arg3[%swap3A, %swap3A_17] : memref<1x1xf32, #tpu.memory_space<smem>>
    return
  }
  func.func @transform_0(%arg0: i32) -> (i32, i32) {
    %c0_i32 = arith.constant 0 : i32
    %c0_i32_0 = arith.constant 0 : i32
    %c0_i32_1 = arith.constant 0 : i32
    return %c0_i32, %c0_i32_0 : i32, i32
  }
  func.func @transform_1(%arg0: i32) -> (i32, i32) {
    %c0_i32 = arith.constant 0 : i32
    %c0_i32_0 = arith.constant 0 : i32
    %c0_i32_1 = arith.constant 0 : i32
    return %c0_i32, %c0_i32_0 : i32, i32
  }
  func.func @transform_2(%arg0: i32) -> (i32, i32) {
    %c0_i32 = arith.constant 0 : i32
    %c0_i32_0 = arith.constant 0 : i32
    %c0_i32_1 = arith.constant 0 : i32
    return %c0_i32, %c0_i32_0 : i32, i32
  }
}

</mosaic_0001>

<sc_bundles>
// kernel: kernel.4.cloned.1.call-start
scs
__scs_entry_jumppad:
0x0: {  	(pc) =	sbr.rel $0x88, $3  }
0x1: {  	(tag) =	ssettag $0x0;
	lr =	simm.s32 $0x1  }
0x2: {  	[smem:$0x3FA0] =	sst lr;
	_ =	strace $0xD0000000  }
0x3: {  	_ = 	snop  }
0x4: {  	_ = 	snop  }
0x5: {  	_ = 	snop  }
0x6: {  	_ = 	snop  }
0x7: {  	_ = 	snop  }
__scs_overlays_trampoline_lowered:
0x8: {  	[smem:$0x3FAF] =	sst s0  }
0x9: {  	[smem:$0x3FB0] =	sst s1  }
0xa: {  	[smem:$0x3FB1] =	sst s2  }
0xb: {  	[smem:$0x3FB2] =	sst s3  }
0xc: {  	[smem:$0x3FB3] =	sst s4  }
0xd: {  	[smem:$0x3FB4] =	sst s5  }
0xe: {  	[smem:$0x3FB5] =	sst s6  }
0xf: {  	[smem:$0x3FB6] =	sst s7  }
0x10: {  	[smem:$0x3FB7] =	sst s8  }
0x11: {  	[smem:$0x3FB8] =	sst s9;
	s0 =	simm.s32 @!p0 $0x0  }
0x12: {  	s1 =	sld [smem:$0x3F9E];
	s0 =	simm.s32 @p0 $0x1  }
0x13: {  	[smem:$0x3FB9] =	sst s0;
	s0 =	simm.s32 @!p1 $0x0  }
0x14: {  	s2 =	sld [smem:$0x3F9D];
	s0 =	simm.s32 @p1 $0x1  }
0x15: {  	[smem:$0x3FBA] =	sst s0;
	s0 =	simm.s32 @!p2 $0x0  }
0x16: {  	s3 =	sld [smem:$0x3FDB];
	s0 =	simm.s32 @p2 $0x1  }
0x17: {  	s4 =	simm.s32 $0x1BF5;
	[smem:$0x3FBC] =	sst s0  }
0x18: {  	s0 =	sld [smem:$0x3F9F];
	_ =	swait.ge [sflag:s4], $0x0  }
0x19: {  	s7 =	sld [smem:$0x3FA0]  }
0x1a: {  	s8 =	sadd.s32 $0xFFFFE003, lr  }
0x1b: {  	s9 =	sadd.s32 $0xFFFFFEF7, lr;
	s5 =	simm.s32 $0xFFFFFFFF;
	p2 =	slt.u32 s8, $0xFFFFF086  }
0x1c: {  	p1 =	slt.u32 s9, $0xF7A;
	s5 =	simm.s32 @!p2 $0x0  }
0x1d: {  	s5 =	simm.s32 @p1 $0x1;
	p0 =	seq.s32 s7, s2  }
0x1e: {  	s7 =	smul.u32 @!p0 $0xF7A, s2;
	p2 =	seq.s32 @!p0 s5, $0x0  }
0x1f: {  	s9 =	smul.u32 $0xF7A, s1;
	s8 =	simm.s32 @!p0 $0x1BF5;
	p2 =	por !p2, p0  }
0x20: {  	[sflag:s8] =	ssyncset.s32 @!p0 $0xFFFFF086;
	s6 =	sadd.s32 @!p0 s3, s7;
	s7 =	simm.s32 @!p0 $0x108  }
0x21: {  	s3 =	sadd.s32 s3, s9;
	s6 =	sadd.s32 @!p0 $0x88, s6;
	s7 =	simm.s32 @p2 $0x1082  }
0x22: {  	[simem:s7], [sflag:s8] =	dma.local @!p0 [hbm:s6], $0xF7A  }
0x23: {  	s9 =	sor.u32 $0xD0000000, s2;
	s6 =	simm.s32 $0x108;
	_ =	swait.ge @!p0 [sflag:s8], $0x0  }
0x24: {  	s3 =	sadd.s32 $0x88, s3;
	s6 =	simm.s32 @!p1 $0x1082;
	[sflag:s4] =	ssyncset.s32 $0xFFFFF086  }
0x25: {  	[simem:s6], [sflag:s4] =	dma.local [hbm:s3], $0xF7A  }
0x26: {  	[smem:$0x3FA0] =	sst s1;
	(tag) =	ssettag s2;
	_ =	strace s9  }
0x27: {  	s1 =	sld [smem:$0x3FB0]  }
0x28: {  	s2 =	sld [smem:$0x3FB1]  }
0x29: {  	s4 =	sld [smem:$0x3FB3]  }
0x2a: {  	p0 =	seq.s32 s5, $0x0;
	s5 =	sld [smem:$0x3FB4]  }
0x2b: {  	s6 =	sld [smem:$0x3FB5]  }
0x2c: {  	s7 =	sld [smem:$0x3FB6]  }
0x2d: {  	s3 =	simm.s32 $0x108;
	s8 =	sld [smem:$0x3FB7]  }
0x2e: {  	s3 =	simm.s32 @!p0 $0x1082;
	s9 =	sld [smem:$0x3FB8]  }
0x2f: {  	lr =	sadd.s32 s0, s3;
	s0 =	sld [smem:$0x3FAF]  }
0x30: {  	s3 =	sld [smem:$0x3FB2]  }
0x31: {  	[smem:$0x3FBB] =	sst s10  }
0x32: {  	s10 =	sld [smem:$0x3FB9];
	_ =	sdelay $0x3  }
0x33: {  	p0 =	seq.s32 s10, $0x1;
	s10 =	sld [smem:$0x3FBB];
	_ =	sdelay $0x3  }
0x34: {  	[smem:$0x3FBB] =	sst s10  }
0x35: {  	s10 =	sld [smem:$0x3FBA];
	_ =	sdelay $0x3  }
0x36: {  	p1 =	seq.s32 s10, $0x1;
	s10 =	sld [smem:$0x3FBB];
	_ =	sdelay $0x3  }
0x37: {  	[smem:$0x3FBB] =	sst s10  }
0x38: {  	s10 =	sld [smem:$0x3FBC]  }
0x39: {  	_ = 	snop;
	(pc) =	sbr.ind lr, $3  }
0x3a: {  	_ = 	snop  }
0x3b: {  	_ = 	snop  }
0x3c: {  	p2 =	seq.s32 s10, $0x1;
	s10 =	sld [smem:$0x3FBB]  }
0x3d: {  	_ =	shalt  }
0x3e: {  	_ =	shalt  }
0x3f: {  	_ =	shalt  }
0x40: {  	_ =	shalt  }
0x41: {  	_ =	shalt  }
0x42: {  	_ =	shalt  }
0x43: {  	_ =	shalt  }
0x44: {  	_ =	shalt  }
0x45: {  	_ =	shalt  }
0x46: {  	_ =	shalt  }
0x47: {  	_ =	shalt  }
0x48: {  	_ =	shalt  }
0x49: {  	_ =	shalt  }
0x4a: {  	_ =	shalt  }
0x4b: {  	_ =	shalt  }
0x4c: {  	_ =	shalt  }
0x4d: {  	_ =	shalt  }
0x4e: {  	_ =	shalt  }
0x4f: {  	_ =	shalt  }
0x50: {  	_ =	shalt  }
0x51: {  	_ =	shalt  }
0x52: {  	_ =	shalt  }
0x53: {  	_ =	shalt  }
0x54: {  	_ =	shalt  }
0x55: {  	_ =	shalt  }
0x56: {  	_ =	shalt  }
0x57: {  	_ =	shalt  }
0x58: {  	_ =	shalt  }
0x59: {  	_ =	shalt  }
0x5a: {  	_ =	shalt  }
0x5b: {  	_ =	shalt  }
0x5c: {  	_ =	shalt  }
0x5d: {  	_ =	shalt  }
0x5e: {  	_ =	shalt  }
0x5f: {  	_ =	shalt  }
0x60: {  	_ =	shalt  }
0x61: {  	_ =	shalt  }
0x62: {  	_ =	shalt  }
0x63: {  	_ =	shalt  }
0x64: {  	_ =	shalt  }
0x65: {  	_ =	shalt  }
0x66: {  	_ =	shalt  }
0x67: {  	_ =	shalt  }
0x68: {  	_ =	shalt  }
0x69: {  	_ =	shalt  }
0x6a: {  	_ =	shalt  }
0x6b: {  	_ =	shalt  }
0x6c: {  	_ =	shalt  }
0x6d: {  	_ =	shalt  }
0x6e: {  	_ =	shalt  }
0x6f: {  	_ =	shalt  }
0x70: {  	_ =	shalt  }
0x71: {  	_ =	shalt  }
0x72: {  	_ =	shalt  }
0x73: {  	_ =	shalt  }
0x74: {  	_ =	shalt  }
0x75: {  	_ =	shalt  }
0x76: {  	_ =	shalt  }
0x77: {  	_ =	shalt  }
0x78: {  	_ =	shalt  }
0x79: {  	_ =	shalt  }
0x7a: {  	_ =	shalt  }
0x7b: {  	_ =	shalt  }
0x7c: {  	_ =	shalt  }
0x7d: {  	_ =	shalt  }
0x7e: {  	_ =	shalt  }
0x7f: {  	_ =	shalt  }
0x80: {  	_ =	shalt  }
0x81: {  	_ =	shalt  }
0x82: {  	_ =	shalt  }
0x83: {  	_ =	shalt  }
0x84: {  	_ =	shalt  }
0x85: {  	_ =	shalt  }
0x86: {  	_ =	shalt  }
0x87: {  	_ =	shalt  }
.Lfunc_end0:
.L_simem_size_0:
called_computation_lowered:
.L_overlay_start_0:
0x88: {  	s2 =	sld [smem:$0x3FD9]  }
0x89: {  	s3 =	sld [smem:$0x3FFE];
	_ =	sdelay $0x1  }
0x8a: {  	s1 =	srdreg.scid  }
0x8b: {  	s0 =	sand.u32 $0x1, s1  }
0x8c: {  	s17 =	sshll.u32 s0, $0xA;
	s2 =	sadd.s32 s3, s2  }
0x8d: {  	s2 =	sadd.s32 s2, s17  }
0x8e: {  	[smem:$0x3FC7] =	sst s2  }
0x8f: {  	_ = 	snop  }
0x90: {  	s2 =	sld [smem:$0x3FC9];
	(tm) =	ssettm $0x1  }
0x91: {  	s18 =	sld [smem:$0x3FFB];
	_ =	sdelay $0x3  }
0x92: {  	_ =	strace s18  }
0x93: {  	s3 =	sld [smem:$0x3FFC];
	_ =	sdelay $0x3  }
0x94: {  	_ =	strace s3  }
0x95: {  	s3 =	sld [smem:$0x3FFD];
	_ =	sdelay $0x3  }
0x96: {  	_ =	strace s3  }
0x97: {  	_ =	strace $0x8FFFFFFF  }
0x98: {  	s19 =	sld [smem:$0x3FDB];
	_ =	sdelay $0x1  }
0x99: {  	s4 =	simm.s32 $_scs_section_size  }
0x9a: {  	s5 =	simm.s32 $_size__tile_overlayer_lowered;
	s6 =	simm.s32 $_tile_overlayer_lowered  }
0x9b: {  	s22 =	simm.s32 $0x1BFF;
	s21 =	sshll.u32 s6, $0x1;
	s3 =	sadd.s32 s4, s19  }
0x9c: {  	s7 =	simm.s32 $0x0;
	s20 =	sshll.u32 s5, $0x1;
	s5 =	sadd.s32 s21, s3  }
0x9d: {  	[timem:s7], [sflag:s22] =	dma.local [hbm:s5], s20  }
0x9e: {  	_ =	swait.ge [sflag:s22], s20  }
0x9f: {  	s4 =	ssub.s32 $0x0, s20;
	[sflag:s22] =	ssyncset.done $0x0  }
0xa0: {  	[sflag:s22] =	ssyncadd.s32 s4;
	_ =	sdelay $0x1  }
0xa1: {  	s23 =	simm.s32 $0x1B8B  }
0xa2: {  	_ =	swait.ge [sflag:s23], $0x1  }
0xa3: {  	[sflag:s23] =	ssyncset.done $0x0  }
0xa4: {  	s25 =	simm.s32 $0x1B8E;
	s24 =	sld [smem:$0x3FFE];
	[sflag:s23] =	ssyncadd.s32 $0xFFFFFFFF  }
0xa5: {  	s26 =	simm.s32 $execute0_lowered;
	[smem:$0x3FD2] =	sst s25  }
0xa6: {  	s5 =	sshll.u32 s26, $0x1;
	_ =	strace $0x80000046;
	[dreg:$0x1] =	wrdreg $0xFFFFFFFF  }
0xa7: {  	s28 =	simm.s32 $_size_execute0_lowered;
	s3 =	sadd.s32 s3, s5;
	[dreg:$0x0] =	wrdreg $0x0  }
0xa8: {  	s5 =	sshll.u32 s28, $0x1;
	[dreg:$0x2] =	wrdreg s3  }
0xa9: {  	[dreg:$0x3] =	wrdreg s5  }
0xaa: {  	[dreg:$0x4] =	wrdreg $0xC0  }
0xab: {  	_ =	task [dreg:s7], $0x5FFFF  }
0xac: {  	[dreg:$0x1] =	wrdreg $0xFFFFFFFF  }
0xad: {  	[dreg:$0x0] =	wrdreg $0x60  }
0xae: {  	[dreg:$0x2] =	wrdreg s2  }
0xaf: {  	[dreg:$0x3] =	wrdreg s24  }
0xb0: {  	[dreg:$0x4] =	wrdreg $0x9  }
0xb1: {  	_ =	task.clear_ibuf [dreg:s7], $0x5FFFF;
	_ =	strace $0x90000046  }
0xb2: {  	s29 =	simm.s32 $0x9;
	_ =	strace $0x80000048  }
0xb3: {  	_ =	swait.ge [sflag:s29], $0x1  }
0xb4: {  	[sflag:s29] =	ssyncadd.s32 $0xFFFFFFFF  }
0xb5: {  	_ =	strace $0x90000048  }
0xb6: {  	_ =	sfence  }
0xb7: {  	s30 =	sld [smem:$0x0];
	_ =	sdelay $0x2  }
0xb8: {  	s31 =	sshll.u32 s1, $0xD;
	s1 =	sshrl.u32 s1, $0x2  }
0xb9: {  	s3 =	sand.u32 $0x4000, s31;
	s1 =	sadd.s32 s1, s30  }
0xba: {  	s0 =	sor.u32 s3, s0;
	s1 =	sshll.u32 s1, $0x11  }
0xbb: {  	s0 =	sor.u32 s1, s0  }
0xbc: {  	s0 =	sadd.s32 $0x8F2B, s0  }
0xbd: {  	[sflag:s0] =	ssyncadd.remote.s32 $0x1  }
0xbe: {  	_ =	sfence.sel $0xFFFF  }
0xbf: {  	[dreg:$0x0] =	wrdreg $0xFFFFFFFF;
	(pc) =	sbr.abs _section_cstart, $3  }
0xc0: {  	[dreg:$0x1] =	wrdreg $0xFFFFFFFF  }
0xc1: {  	_ =	task.clear_ibuf [dreg:s7], $0x2FFFF;
	_ =	strace $0x9FFFFFFF  }
0xc2: {  	(tm) =	ssettm $0x7FFFFFFF  }
0xc3: {  	_ =	shalt  }
tec
execute0_lowered:
.L_overlay_start_1:
0x0: {  	(tag) =	ssettag $0x1  }
0x1: {  	s0 =	rddreg [dreg:$0x0]  }
0x2: {  	s2 =	rddreg [dreg:$0x1]  }
0x3: {  	s3 =	srdreg.scid;
	s1 =	simm.s32 $0x0;
	s7 =	stileid.u32  }
0x4: {  	s8 =	simm.s32 $0x2;
	s9 =	simm.s32 $0x18000;
	s10 =	simm.s32 $0x19000  }
0x5: {  	s11 =	simm.s32 $0x8000;
	s12 =	simm.s32 $0x10000;
	s13 =	simm.s32 $0x1  }
0x6: {  	s15 =	simm.s32 $0x0;
	s3 =	sand.u32 $0x1, s3;
	[smem:$0x7FF] =	sst s1  }
0x7: {  	s6 =	sshll.u32 s7, $0xF;
	s7 =	sshll.u32 s7, $0x5;
	s4 =	sshll.u32 s3, $0x4  }
.Ltmp0:
0x8: {  	_ =	strace $0x80000047;
	s30 =	ssub.s32 $0x2, s3;
	(pc) =	sbr.rel .LBB2_1-.Ltmp0, $4  }
0x9: {  	v0 =	vlaneseq.u32;
	s3 =	sshll.u32 s3, $0x6;
	s2 =	sadd.s32 s4, s2;
	s5 =	sshrl.u32 s30, $0x1  }
0xa: {  	v1 =	vimm.s32 $0x0;
	vm0 =	vcmask $0x3F04;
	v5 =	vmul.u32 $0xFFFFFFFF, v0;
	s0 =	sadd.s32 s0, s3;
	s5 =	ssub.s32 s30, s5;
	s31 =	sadd.s32 s7, s2  }
0xb: {  	v3 =	vimm.s32 $0x1;
	v7 =	vimm.s32 $0x80000000;
	v6 =	vmul.u32 $0x800, v0;
	s3 =	sadd.s32 s6, s0;
	s6 =	simm.s32 $0x80;
	s0 =	sadd.s32 $0x800, s31  }
0xc: {  	v2 =	vmul.u32 $0x100, v0;
	v4 =	vmul.u32 $0x10, v0;
	v5 =	vadd.s32 $0xF, v5;
	s7 =	simm.s32 $0x400;
	s5 =	smax.u32 s5, $0x1;
	[dreg:$0x3] =	wrdreg s0  }
.LBB2_60:
0xd: {  	s15 =	sadd.s32 $0x1, s15  }
0xe: {  	p0 =	sne.s32 s15, s5  }
.Ltmp1:
0xf: {  	[tilespmem:$0x19100] =	vst v8;
	s0 =	rddreg [dreg:$0x3];
	s2 =	simm.s32 $0x19100;
	(pc) =	sbr.rel @!p0 .LBB2_61-.Ltmp1, $4  }
0x10: {  	[hbm4b:s0+s1] =	stream.linear.scatter [tilespmem:s2], [sflag:$0x2], $0x80, $0x38;
	[tilespmem:$0x19180] =	vst v63  }
0x11: {  	_ =	swait.ge [sflag:s8], $0x80  }
0x12: {  	[sflag:s8] =	ssyncset.done $0x0  }
0x13: {  	[sflag:s8] =	ssyncadd.s32 $0xFFFFFF80  }
.LBB2_1:
.Ltmp2:
0x14: {  	(pc) =	sbr.rel .LBB2_2-.Ltmp2, $4  }
0x15: {  	[tilespmem:s1], [sflag:$0x2] =	stream.strided.gather [hbm4b:s3+s6], $0x8000, s7, s6, $0x38;
	[tilespmem:$0x19180] =	vst v63  }
0x16: {  	_ =	swait.ge [sflag:s8], $0x8000  }
0x17: {  	[sflag:s8] =	ssyncset.done $0x0  }
0x18: {  	v8 =	vimm.f32 $1.000000000e+00;
	s18 =	simm.s32 $0x0;
	[sflag:s8] =	ssyncadd.s32 $0xFFFF8000  }
.LBB2_32:
0x19: {  	v11 =	vimm.f32 $0.0e+00  }
.LBB2_59:
0x1a: {  	s0 =	sshll.u32 s17, $0x10;
	s2 =	sshll.u32 s20, $0x8  }
0x1b: {  	s0 =	sor.u32 s0, s2  }
0x1c: {  	s0 =	sor.u32 s21, s0  }
0x1d: {  	s0 =	sshll.u32 s0, $0x8  }
0x1e: {  	s0 =	sor.u32 s0, s25  }
0x1f: {  	v12 =	vmov s0  }
0x20: {  	vm1 =	vgt.s32 v12, $0xFFFFFFFF  }
0x21: {  	v12 =	vsel vm1, $0xFFFFFFFF, v7  }
0x22: {  	v12 =	vxor.u32 s0, v12  }
0x23: {  	v12 =	vmul.f32 $1.442695020e+00, v12;
	_ =	sdelay $0x1  }
0x24: {  	(erf) = vpow2.f32 v12  }
0x25: {  	v9 =	vadd.f32 v10, v9;
	_ =	sdelay $0x1  }
0x26: {  	v9 =	vadd.f32 v11, v9;
	_ =	sdelay $0x1  }
0x27: {  	(xrf2) =	vadd.scan.msk.f32 $0xffff, v9;
	_ =	sdelay $0x3  }
0x28: {  	v9 =	vpop (erf)  }
0x29: {  	(xrf0) =	vmax.scan.msk.f32 $0xffff, v9;
	_ =	sdelay $0x4  }
0x2a: {  	v9, _, _ =	vpop (xrf2)  }
0x2b: {  	(v2sf) =	vpush v9, $0xF;
	v9, _, _ =	vpop (xrf0)  }
0x2c: {  	(v2sf) =	vpush v9, $0xF;
	_ =	sdelay $0xb  }
0x2d: {  	s30 =	sadd.s32 s24, s23  }
0x2e: {  	s0 =	ssub.s32 s22, s30  }
0x2f: {  	s0 =	scvt.s32.f32 s0;
	s31 =	spop (v2sf)  }
0x30: {  	s4 =	spop (v2sf)  }
0x31: {  	s0 =	smul.f32 s0, s4  }
0x32: {  	p0 =	sne.s32 s18, $0x4  }
.Ltmp3:
0x33: {  	s0 =	sadd.f32 s31, s0;
	(pc) =	sbr.rel @!p0 .LBB2_60-.Ltmp3, $4  }
0x34: {  	_ = 	snop  }
0x35: {  	v9 =	vmov s16;
	_ =	swait.ge [sflag:s13], $0x8000;
	s0 =	ssub.f32 s19, s0  }
0x36: {  	vm1 =	veq.s32 v9, v0;
	[sflag:s13] =	ssyncset.done $0x0  }
0x37: {  	[sflag:s13] =	ssyncadd.s32 $0xFFFF8000;
	v8 =	vsel vm1, s0, v8  }
.LBB2_2:
0x38: {  	s0 =	simm.s32 $0x18040  }
0x39: {  	[tilespmem:s0+$0xFFFFFFC0] =	vst v1  }
0x3a: {  	[tilespmem:s0+$0x30] =	vst v1  }
0x3b: {  	[tilespmem:s0+$0x20] =	vst v1  }
0x3c: {  	[tilespmem:s0+$0x10] =	vst v1  }
0x3d: {  	[tilespmem:s0+$0x0] =	vst v1  }
0x3e: {  	[tilespmem:s0+$0xFFFFFFF0] =	vst v1  }
0x3f: {  	s16 =	smov.u32 s18;
	s2 =	simm.s32 $0x0;
	[tilespmem:s0+$0xFFFFFFE0] =	vst v1  }
.LBB2_3:
0x40: {  	s2 =	sadd.s32 $0x80, s2;
	[tilespmem:s0+$0xFFFFFFD0] =	vst v1;
	s0 =	sadd.s32 $0x80, s0  }
0x41: {  	[tilespmem:s0+$0xFFFFFFC0] =	vst v1;
	p0 =	slt.u32 s2, $0xF80  }
0x42: {  	[tilespmem:s0+$0x30] =	vst v1  }
.Ltmp4:
0x43: {  	[tilespmem:s0+$0x20] =	vst v1;
	(pc) =	sbr.rel @p0 .LBB2_3-.Ltmp4, $4  }
0x44: {  	[tilespmem:s0+$0x10] =	vst v1  }
0x45: {  	[tilespmem:s0+$0x0] =	vst v1  }
0x46: {  	[tilespmem:s0+$0xFFFFFFF0] =	vst v1  }
0x47: {  	[tilespmem:s0+$0xFFFFFFE0] =	vst v1  }
0x48: {  	[tilespmem:s0+$0xFFFFFFD0] =	vst v1  }
0x49: {  	v9 =	vld [tilespmem:$0x0];
	_ =	sdelay $0x4  }
0x4a: {  	v10 =	vshra.s32 v9, $0x1F  }
0x4b: {  	v10 =	vor.u32 $0x80000000, v10  }
0x4c: {  	v10 =	vxor.u32 v9, v10  }
0x4d: {  	v10 =	vshrl.u32 v10, $0x18  }
0x4e: {  	v11 =	vand.u32 $0x80, v10  }
0x4f: {  	v12 =	vand.u32 $0x7F, v10;
	v11 =	vor.u32 v2, v11  }
0x50: {  	v11 =	vor.u32 v12, v11;
	_ =	sdelay $0x3  }
0x51: {  	v12 =	vmul.f32 $1.442695020e+00, v9  }
0x52: {  	s31 =	simm.s32 $0x40;
	[tilespmem:v11+s9+$0x0] =	vst.idx.add.s32.msk vm0, v3  }
0x53: {  	(erf) = vpow2.f32 v12;
	v11 =	vld [tilespmem:s31+$0xFFFFFFD0];
	_ =	sdelay $0x1  }
0x54: {  	v12 =	vld [tilespmem:s31+$0xFFFFFFE0]  }
0x55: {  	v13 =	vld [tilespmem:s31+$0xFFFFFFF0];
	_ =	sdelay $0x1  }
0x56: {  	v15 =	vmul.f32 $1.442695020e+00, v11  }
0x57: {  	vm1 =	veq.s32 v0, $0x0;
	v14 =	vshra.s32 v11, $0x1F  }
0x58: {  	v16 =	vld [tilespmem:s31+$0x0];
	v18 =	vshra.s32 v12, $0x1F;
	v14 =	vor.u32 $0x80000000, v14;
	(erf) = vpow2.f32 v15  }
0x59: {  	v11 =	vxor.u32 v11, v14;
	v14 =	vor.u32 $0x80000000, v18;
	v18 =	vshra.s32 v13, $0x1F  }
0x5a: {  	v17 =	vpop (erf);
	v19 =	vmul.f32 $1.442695020e+00, v12;
	v12 =	vxor.u32 v12, v14;
	v14 =	vor.u32 $0x80000000, v18;
	v18 =	vld [tilespmem:s31+$0x20]  }
0x5b: {  	v15 =	vsel vm1, $0x0, v17;
	v17 =	vld [tilespmem:s31+$0x10]  }
0x5c: {  	v20 =	vmul.f32 $1.442695020e+00, v13;
	(erf) = vpow2.f32 v19  }
0x5d: {  	v21 =	vmul.f32 $1.442695020e+00, v16;
	v19 =	vshra.s32 v16, $0x1F  }
0x5e: {  	(erf) = vpow2.f32 v20;
	v13 =	vxor.u32 v13, v14;
	v14 =	vor.u32 $0x80000000, v19;
	v19 =	vld [tilespmem:s31+$0x30]  }
0x5f: {  	(erf) = vpow2.f32 v21;
	v21 =	vshra.s32 v18, $0x1F  }
0x60: {  	v11 =	vshrl.u32 v11, $0x18;
	v20 =	vshra.s32 v17, $0x1F;
	v22 =	vmul.f32 $1.442695020e+00, v17  }
0x61: {  	v14 =	vxor.u32 v16, v14;
	v16 =	vor.u32 $0x80000000, v20;
	v20 =	vld [tilespmem:s31+$0x40];
	v23 =	vmul.f32 $1.442695020e+00, v18  }
0x62: {  	(erf) = vpow2.f32 v22;
	v16 =	vxor.u32 v17, v16;
	v17 =	vor.u32 $0x80000000, v21;
	v21 =	vpop (erf)  }
0x63: {  	v22 =	vmul.f32 $1.442695020e+00, v19;
	(erf) = vpow2.f32 v23;
	v21 =	vadd.f32 v21, v15  }
0x64: {  	v15 =	vshrl.u32 v16, $0x18;
	v16 =	vxor.u32 v18, v17;
	v17 =	vshra.s32 v19, $0x1F  }
0x65: {  	v14 =	vshrl.u32 v14, $0x18;
	v18 =	vpop (erf);
	(erf) = vpow2.f32 v22;
	v17 =	vor.u32 $0x80000000, v17  }
0x66: {  	v22 =	vshra.s32 v20, $0x1F;
	v18 =	vadd.f32 v18, v21;
	v21 =	vmul.f32 $1.442695020e+00, v20  }
0x67: {  	v25 =	vand.u32 $0x80, v14;
	v23 =	vpop (erf);
	v22 =	vor.u32 $0x80000000, v22;
	v17 =	vxor.u32 v19, v17  }
0x68: {  	v19 =	vxor.u32 v20, v22;
	v18 =	vadd.f32 v23, v18;
	(erf) = vpow2.f32 v21  }
0x69: {  	v12 =	vshrl.u32 v12, $0x18;
	v13 =	vshrl.u32 v13, $0x18;
	v25 =	vor.u32 v2, v25;
	v20 =	vpop (erf)  }
0x6a: {  	v16 =	vshrl.u32 v16, $0x18;
	v27 =	vand.u32 $0x80, v15;
	v20 =	vadd.f32 v20, v18  }
0x6b: {  	v28 =	vand.u32 $0x80, v16;
	v18 =	vshrl.u32 v17, $0x18;
	v17 =	vshrl.u32 v19, $0x18;
	v19 =	vpop (erf)  }
0x6c: {  	v22 =	vand.u32 $0x80, v12;
	v21 =	vand.u32 $0x80, v11;
	v20 =	vadd.f32 v19, v20  }
0x6d: {  	v23 =	vand.u32 $0x80, v13;
	v26 =	vor.u32 v2, v22;
	v22 =	vor.u32 v2, v28;
	v30 =	vpop (erf)  }
0x6e: {  	v24 =	vor.u32 v2, v23;
	v23 =	vor.u32 v2, v27;
	v20 =	vadd.f32 v30, v20  }
0x6f: {  	v29 =	vand.u32 $0x80, v17;
	v19 =	vor.u32 v2, v21;
	v21 =	vand.u32 $0x80, v18;
	v27 =	vpop (erf)  }
0x70: {  	s19 =	simm.s32 $0x10;
	s20 =	simm.s32 $0xC0;
	v21 =	vor.u32 v2, v21;
	v27 =	vadd.f32 v27, v20;
	v20 =	vor.u32 v2, v29  }
.LBB2_5:
0x71: {  	v28 =	vld [tilespmem:s20+$0xFFFFFFD0];
	s19 =	sadd.s32 $0x80, s19;
	v11 =	vand.u32 $0x7F, v11;
	v12 =	vand.u32 $0x7F, v12;
	v13 =	vand.u32 $0x7F, v13;
	v29 =	vpop (erf)  }
0x72: {  	v14 =	vand.u32 $0x7F, v14;
	v15 =	vand.u32 $0x7F, v15;
	s17 =	simm.s32 $0x7F80;
	s18 =	simm.s32 $0x7F90;
	p0 =	slt.u32 s19, $0x7F10;
	v27 =	vadd.f32 v29, v27  }
0x73: {  	v16 =	vand.u32 $0x7F, v16;
	v18 =	vand.u32 $0x7F, v18;
	v17 =	vand.u32 $0x7F, v17;
	v29 =	vld [tilespmem:s20+$0xFFFFFFE0]  }
0x74: {  	v11 =	vor.u32 v11, v19;
	v12 =	vor.u32 v12, v26;
	v13 =	vor.u32 v13, v24  }
0x75: {  	v14 =	vor.u32 v14, v25;
	v15 =	vor.u32 v15, v23;
	v16 =	vor.u32 v16, v22;
	v19 =	vld [tilespmem:s20+$0xFFFFFFF0]  }
0x76: {  	v18 =	vor.u32 v18, v21;
	v22 =	vshra.s32 v28, $0x1F;
	v23 =	vmul.f32 $1.442695020e+00, v28  }
0x77: {  	v17 =	vor.u32 v17, v20;
	v21 =	vor.u32 $0x80000000, v22;
	v22 =	vld [tilespmem:s20+$0x0]  }
0x78: {  	v20 =	vshra.s32 v29, $0x1F;
	v24 =	vmul.f32 $1.442695020e+00, v29;
	(erf) = vpow2.f32 v23  }
0x79: {  	v21 =	vxor.u32 v28, v21;
	v20 =	vor.u32 $0x80000000, v20;
	v23 =	vld [tilespmem:s20+$0x10]  }
0x7a: {  	v25 =	vshra.s32 v19, $0x1F;
	v26 =	vmul.f32 $1.442695020e+00, v19;
	(erf) = vpow2.f32 v24;
	[tilespmem:v11+s9+$0x0] =	vst.idx.add.s32.msk $0xffff, v3  }
0x7b: {  	v11 =	vshrl.u32 v21, $0x18;
	v20 =	vxor.u32 v29, v20;
	v21 =	vor.u32 $0x80000000, v25;
	v24 =	vld [tilespmem:s20+$0x20]  }
0x7c: {  	v25 =	vshra.s32 v22, $0x1F;
	v28 =	vmul.f32 $1.442695020e+00, v22;
	(erf) = vpow2.f32 v26;
	[tilespmem:v12+s9+$0x0] =	vst.idx.add.s32.msk $0xffff, v3  }
0x7d: {  	v12 =	vshrl.u32 v20, $0x18;
	v19 =	vxor.u32 v19, v21;
	v20 =	vor.u32 $0x80000000, v25;
	v21 =	vld [tilespmem:s20+$0x30]  }
0x7e: {  	v25 =	vshra.s32 v23, $0x1F;
	v26 =	vmul.f32 $1.442695020e+00, v23;
	(erf) = vpow2.f32 v28;
	[tilespmem:v13+s9+$0x0] =	vst.idx.add.s32.msk $0xffff, v3  }
0x7f: {  	v13 =	vshrl.u32 v19, $0x18;
	v19 =	vxor.u32 v22, v20;
	v20 =	vor.u32 $0x80000000, v25;
	v22 =	vld [tilespmem:s20+$0x40]  }
0x80: {  	v25 =	vshra.s32 v24, $0x1F;
	v28 =	vmul.f32 $1.442695020e+00, v24;
	(erf) = vpow2.f32 v26;
	[tilespmem:v14+s9+$0x0] =	vst.idx.add.s32.msk $0xffff, v3  }
0x81: {  	v14 =	vshrl.u32 v19, $0x18;
	v19 =	vxor.u32 v23, v20;
	v26 =	vor.u32 $0x80000000, v25;
	v23 =	vpop (erf);
	[tilespmem:v15+s9+$0x0] =	vst.idx.add.s32.msk $0xffff, v3  }
0x82: {  	v27 =	vadd.f32 v23, v27;
	v25 =	vmul.f32 $1.442695020e+00, v21;
	(erf) = vpow2.f32 v28;
	[tilespmem:v16+s9+$0x0] =	vst.idx.add.s32.msk $0xffff, v3  }
0x83: {  	v15 =	vshrl.u32 v19, $0x18;
	v16 =	vxor.u32 v24, v26;
	v19 =	vshra.s32 v21, $0x1F;
	v20 =	vpop (erf);
	[tilespmem:v18+s9+$0x0] =	vst.idx.add.s32.msk $0xffff, v3  }
0x84: {  	v18 =	vadd.f32 v20, v27;
	v20 =	vmul.f32 $1.442695020e+00, v22;
	(erf) = vpow2.f32 v25;
	[tilespmem:v17+s9+$0x0] =	vst.idx.add.s32.msk $0xffff, v3  }
0x85: {  	v16 =	vshrl.u32 v16, $0x18;
	v17 =	vor.u32 $0x80000000, v19;
	v19 =	vshra.s32 v22, $0x1F;
	v23 =	vpop (erf)  }
0x86: {  	v19 =	vor.u32 $0x80000000, v19;
	v18 =	vadd.f32 v23, v18;
	(erf) = vpow2.f32 v20  }
0x87: {  	v17 =	vxor.u32 v21, v17;
	v20 =	vand.u32 $0x80, v11;
	v24 =	vxor.u32 v22, v19;
	v21 =	vpop (erf)  }
0x88: {  	v21 =	vadd.f32 v21, v18;
	v18 =	vshrl.u32 v17, $0x18;
	v17 =	vshrl.u32 v24, $0x18  }
0x89: {  	v25 =	vand.u32 $0x80, v14;
	v22 =	vand.u32 $0x80, v12;
	v23 =	vand.u32 $0x80, v13;
	v19 =	vpop (erf)  }
.Ltmp5:
0x8a: {  	v27 =	vand.u32 $0x80, v15;
	v28 =	vand.u32 $0x80, v16;
	v21 =	vadd.f32 v19, v21;
	(pc) =	sbr.rel @p0 .LBB2_5-.Ltmp5, $4  }
0x8b: {  	v29 =	vand.u32 $0x80, v17;
	v19 =	vor.u32 v2, v20;
	v20 =	vand.u32 $0x80, v18;
	v30 =	vpop (erf)  }
0x8c: {  	v26 =	vor.u32 v2, v22;
	v24 =	vor.u32 v2, v23;
	v30 =	vadd.f32 v30, v21  }
0x8d: {  	v25 =	vor.u32 v2, v25;
	v22 =	vor.u32 v2, v28;
	v23 =	vor.u32 v2, v27;
	v27 =	vpop (erf)  }
0x8e: {  	s20 =	sadd.s32 $0x80, s20;
	v21 =	vor.u32 v2, v20;
	v20 =	vor.u32 v2, v29;
	v27 =	vadd.f32 v27, v30  }
0x8f: {  	v11 =	vand.u32 $0x7F, v11  }
0x90: {  	v12 =	vand.u32 $0x7F, v12;
	v11 =	vor.u32 v11, v19  }
0x91: {  	v13 =	vand.u32 $0x7F, v13;
	v12 =	vor.u32 v12, v26  }
0x92: {  	v14 =	vand.u32 $0x7F, v14;
	v13 =	vor.u32 v13, v24  }
0x93: {  	v15 =	vand.u32 $0x7F, v15;
	v14 =	vor.u32 v14, v25  }
0x94: {  	v16 =	vand.u32 $0x7F, v16;
	v15 =	vor.u32 v15, v23  }
0x95: {  	v18 =	vand.u32 $0x7F, v18;
	v16 =	vor.u32 v16, v22;
	[tilespmem:v11+s9+$0x0] =	vst.idx.add.s32.msk $0xffff, v3  }
0x96: {  	v62 =	vor.u32 v18, v21;
	v11 =	vand.u32 $0x7F, v17;
	[tilespmem:v12+s9+$0x0] =	vst.idx.add.s32.msk $0xffff, v3  }
0x97: {  	[tilespmem:v13+s9+$0x0] =	vst.idx.add.s32.msk $0xffff, v3;
	v63 =	vor.u32 v11, v20  }
0x98: {  	[tilespmem:v14+s9+$0x0] =	vst.idx.add.s32.msk $0xffff, v3  }
0x99: {  	[tilespmem:v15+s9+$0x0] =	vst.idx.add.s32.msk $0xffff, v3  }
0x9a: {  	[tilespmem:v16+s9+$0x0] =	vst.idx.add.s32.msk $0xffff, v3  }
0x9b: {  	[tilespmem:v62+s9+$0x0] =	vst.idx.add.s32.msk $0xffff, v3;
	v11 =	vpop (erf)  }
0x9c: {  	v11 =	vadd.f32 v11, v27;
	[tilespmem:v63+s9+$0x0] =	vst.idx.add.s32.msk $0xffff, v3  }
.LBB2_7:
0x9d: {  	v12 =	vld [tilespmem:s18+$0x0];
	_ =	sdelay $0x4  }
0x9e: {  	v13 =	vmul.f32 $1.442695020e+00, v12  }
0x9f: {  	v14 =	vshra.s32 v12, $0x1F  }
0xa0: {  	v14 =	vor.u32 $0x80000000, v14;
	(erf) = vpow2.f32 v13  }
0xa1: {  	v12 =	vxor.u32 v12, v14  }
0xa2: {  	v12 =	vshrl.u32 v12, $0x18  }
0xa3: {  	v62 =	vand.u32 $0x80, v12  }
0xa4: {  	s17 =	sadd.s32 $0x10, s17;
	v12 =	vand.u32 $0x7F, v12;
	v13 =	vor.u32 v2, v62  }
0xa5: {  	p0 =	slt.u32 s17, $0x7FF0;
	v12 =	vor.u32 v12, v13  }
.Ltmp6:
0xa6: {  	_ = 	snop;
	(pc) =	sbr.rel @p0 .LBB2_7-.Ltmp6, $3  }
0xa7: {  	_ =	sdelay $0x1  }
0xa8: {  	s0 =	simm.s32 $0x18000;
	v63 =	vpop (erf)  }
0xa9: {  	s18 =	sadd.s32 $0x10, s18;
	s2 =	simm.s32 $0xFFFFFFF0;
	s19 =	simm.s32 $0x0;
	[tilespmem:v12+s0+$0x0] =	vst.idx.add.s32.msk $0xffff, v3;
	v11 =	vadd.f32 v63, v11  }
0xaa: {  	s2 =	sadd.s32 $0x10, s2  }
0xab: {  	v12 =	vld [tilespmem:s0+$0x0];
	s14 =	sand.u32 $0xF0, s2  }
0xac: {  	v13 =	vld [tilespmem:s14+$0x18100]  }
0xad: {  	v14 =	vld [tilespmem:s14+$0x18200]  }
0xae: {  	v15 =	vld [tilespmem:s14+$0x18300]  }
0xaf: {  	v16 =	vld [tilespmem:s14+$0x18400]  }
0xb0: {  	v17 =	vld [tilespmem:s14+$0x18500]  }
0xb1: {  	v18 =	vld [tilespmem:s14+$0x18600]  }
0xb2: {  	v19 =	vld [tilespmem:s14+$0x18700]  }
0xb3: {  	v20 =	vld [tilespmem:s14+$0x18800]  }
0xb4: {  	v21 =	vld [tilespmem:s14+$0x18900]  }
0xb5: {  	v22 =	vld [tilespmem:s14+$0x18A00]  }
0xb6: {  	v23 =	vld [tilespmem:s14+$0x18B00]  }
0xb7: {  	v24 =	vld [tilespmem:s14+$0x18C00]  }
0xb8: {  	v25 =	vld [tilespmem:s14+$0x18D00]  }
0xb9: {  	v26 =	vld [tilespmem:s14+$0x18E00]  }
0xba: {  	s18 =	sadd.s32 $0x10, s0;
	s17 =	sadd.s32 $0x10, s2;
	v27 =	vld [tilespmem:s14+$0x18F00];
	v12 =	vadd.s32 v12, v13  }
0xbb: {  	s20 =	sand.u32 $0xF0, s17;
	v13 =	vld [tilespmem:s18+$0x0];
	v12 =	vadd.s32 v14, v12  }
0xbc: {  	v14 =	vld [tilespmem:s20+$0x18100];
	v12 =	vadd.s32 v15, v12  }
0xbd: {  	v15 =	vld [tilespmem:s20+$0x18200];
	v12 =	vadd.s32 v16, v12  }
0xbe: {  	v16 =	vld [tilespmem:s20+$0x18300];
	v12 =	vadd.s32 v17, v12  }
0xbf: {  	v17 =	vld [tilespmem:s20+$0x18400];
	v12 =	vadd.s32 v18, v12  }
0xc0: {  	v18 =	vld [tilespmem:s20+$0x18500];
	v12 =	vadd.s32 v19, v12  }
0xc1: {  	v13 =	vadd.s32 v13, v14;
	v14 =	vld [tilespmem:s20+$0x18600];
	v12 =	vadd.s32 v20, v12  }
0xc2: {  	v13 =	vadd.s32 v15, v13;
	v15 =	vld [tilespmem:s20+$0x18700];
	v12 =	vadd.s32 v21, v12  }
0xc3: {  	v19 =	vld [tilespmem:s20+$0x18800];
	v13 =	vadd.s32 v16, v13;
	v12 =	vadd.s32 v22, v12  }
0xc4: {  	v63 =	vor.u32 s19, v4;
	v13 =	vadd.s32 v17, v13;
	v17 =	vld [tilespmem:s20+$0x18900];
	v12 =	vadd.s32 v23, v12  }
0xc5: {  	v16 =	vld [tilespmem:s20+$0x18A00];
	v13 =	vadd.s32 v18, v13;
	v12 =	vadd.s32 v24, v12  }
0xc6: {  	v13 =	vadd.s32 v14, v13;
	v18 =	vadd.s32 v25, v12;
	v12 =	vld [tilespmem:s20+$0x18B00]  }
0xc7: {  	v15 =	vadd.s32 v15, v13;
	v13 =	vld [tilespmem:s20+$0x18C00];
	v14 =	vadd.s32 v26, v18  }
0xc8: {  	v15 =	vadd.s32 v19, v15;
	v18 =	vadd.s32 v27, v14;
	v14 =	vld [tilespmem:s20+$0x18D00]  }
0xc9: {  	v17 =	vadd.s32 v17, v15;
	v15 =	vld [tilespmem:s20+$0x18E00];
	[tilespmem:v63+s10+$0x0] =	vst.idx.msk $0xffff, v18  }
.LBB2_9:
0xca: {  	s17 =	sadd.s32 $0x10, s17;
	v16 =	vadd.s32 v16, v17;
	v17 =	vld [tilespmem:s20+$0x18F00];
	s18 =	sadd.s32 $0x10, s18;
	s19 =	sadd.s32 $0x1, s19  }
0xcb: {  	v18 =	vld [tilespmem:s18+$0x0];
	s20 =	sand.u32 $0xF0, s17;
	p0 =	slt.u32 s17, $0xF0;
	v12 =	vadd.s32 v12, v16;
	v16 =	vor.u32 s19, v4  }
0xcc: {  	v19 =	vld [tilespmem:s20+$0x18100];
	v12 =	vadd.s32 v13, v12  }
0xcd: {  	v13 =	vld [tilespmem:s20+$0x18200];
	v12 =	vadd.s32 v14, v12  }
0xce: {  	v14 =	vld [tilespmem:s20+$0x18300];
	v12 =	vadd.s32 v15, v12  }
0xcf: {  	v15 =	vld [tilespmem:s20+$0x18400];
	v12 =	vadd.s32 v17, v12  }
0xd0: {  	v17 =	vld [tilespmem:s20+$0x18500];
	[tilespmem:v16+s10+$0x0] =	vst.idx.msk $0xffff, v12  }
0xd1: {  	v12 =	vadd.s32 v18, v19;
	v18 =	vld [tilespmem:s20+$0x18600]  }
0xd2: {  	v12 =	vadd.s32 v13, v12;
	v13 =	vld [tilespmem:s20+$0x18700]  }
0xd3: {  	v12 =	vadd.s32 v14, v12;
	v14 =	vld [tilespmem:s20+$0x18800]  }
0xd4: {  	v12 =	vadd.s32 v15, v12;
	v15 =	vld [tilespmem:s20+$0x18900]  }
.Ltmp7:
0xd5: {  	v12 =	vadd.s32 v17, v12;
	v16 =	vld [tilespmem:s20+$0x18A00];
	(pc) =	sbr.rel @p0 .LBB2_9-.Ltmp7, $4  }
0xd6: {  	v17 =	vadd.s32 v18, v12;
	v12 =	vld [tilespmem:s20+$0x18B00]  }
0xd7: {  	v17 =	vadd.s32 v13, v17;
	v13 =	vld [tilespmem:s20+$0x18C00]  }
0xd8: {  	v17 =	vadd.s32 v14, v17;
	v14 =	vld [tilespmem:s20+$0x18D00]  }
0xd9: {  	v17 =	vadd.s32 v15, v17;
	v15 =	vld [tilespmem:s20+$0x18E00]  }
0xda: {  	v16 =	vadd.s32 v16, v17;
	v17 =	vld [tilespmem:s20+$0x18F00];
	s0 =	sadd.s32 $0x1, s19  }
0xdb: {  	v12 =	vadd.s32 v12, v16;
	v16 =	vor.u32 s0, v4  }
0xdc: {  	v12 =	vadd.s32 v13, v12  }
0xdd: {  	v12 =	vadd.s32 v14, v12  }
0xde: {  	v12 =	vadd.s32 v15, v12  }
0xdf: {  	v12 =	vadd.s32 v17, v12  }
0xe0: {  	[tilespmem:v16+s10+$0x0] =	vst.idx.msk $0xffff, v12  }
0xe1: {  	v12 =	vld [tilespmem:$0x19000]  }
0xe2: {  	v13 =	vld [tilespmem:$0x19010]  }
0xe3: {  	v14 =	vld [tilespmem:$0x19020]  }
0xe4: {  	v15 =	vld [tilespmem:$0x19030]  }
0xe5: {  	v16 =	vld [tilespmem:$0x19040]  }
0xe6: {  	v17 =	vld [tilespmem:$0x19050]  }
0xe7: {  	v12 =	vadd.s32 v12, v13;
	v13 =	vld [tilespmem:$0x19060]  }
0xe8: {  	v12 =	vadd.s32 v14, v12;
	v14 =	vld [tilespmem:$0x19070]  }
0xe9: {  	v12 =	vadd.s32 v15, v12;
	v15 =	vld [tilespmem:$0x19080]  }
0xea: {  	v12 =	vadd.s32 v16, v12;
	v16 =	vld [tilespmem:$0x19090]  }
0xeb: {  	v12 =	vadd.s32 v17, v12;
	v17 =	vld [tilespmem:$0x190A0]  }
0xec: {  	v12 =	vadd.s32 v13, v12;
	v13 =	vld [tilespmem:$0x190B0]  }
0xed: {  	v12 =	vadd.s32 v14, v12;
	v14 =	vld [tilespmem:$0x190C0]  }
0xee: {  	v12 =	vadd.s32 v15, v12;
	v15 =	vld [tilespmem:$0x190D0]  }
0xef: {  	v12 =	vadd.s32 v16, v12;
	v16 =	vld [tilespmem:$0x190E0]  }
0xf0: {  	v12 =	vadd.s32 v17, v12;
	v17 =	vld [tilespmem:$0x190F0]  }
0xf1: {  	v12 =	vadd.s32 v13, v12  }
0xf2: {  	v12 =	vadd.s32 v14, v12  }
0xf3: {  	v12 =	vadd.s32 v15, v12  }
0xf4: {  	v12 =	vadd.s32 v16, v12  }
0xf5: {  	v12 =	vadd.s32 v17, v12  }
0xf6: {  	v12 =	vperm.xlane v12, v5;
	_ =	sdelay $0x1  }
0xf7: {  	(xrf0) =	vadd.scan.msk.s32 $0xffff, v12;
	_ =	sdelay $0x5  }
0xf8: {  	v13, _, _ =	vpop (xrf0)  }
0xf9: {  	vm1 =	vgt.s32 v13, $0x3F  }
0xfa: {  	v14 =	vmctz.xlane vm1;
	_ =	sdelay $0x1  }
0xfb: {  	v14 =	vxor.u32 $0x80000000, v14  }
0xfc: {  	(xrf0) =	vmax.scan.msk.u32 $0xffff, v14;
	_ =	sdelay $0x5  }
0xfd: {  	v14, _, _ =	vpop (xrf0)  }
0xfe: {  	(v2sf) =	vpush v14, $0xF;
	_ =	sdelay $0xe  }
0xff: {  	s28 =	spop (v2sf)  }
0x100: {  	s0 =	sxor.u32 $0x80000000, s28  }
0x101: {  	s2 =	ssub.s32 $0xF, s0  }
0x102: {  	v14 =	vadd.s32 s2, v4;
	_ =	sdelay $0x4  }
0x103: {  	v14 =	vld.idx.msk [tilespmem:v14+s10+$0x0], $0xffff;
	_ =	sdelay $0x1  }
0x104: {  	v15 =	vmov s0  }
0x105: {  	v12 =	vsub.s32 v13, v12;
	vm1 =	veq.s32 v15, v0  }
0x106: {  	v12 =	vnsel vm1, $0x0, v12  }
0x107: {  	(xrf0) =	vadd.scan.msk.s32 $0xffff, v12;
	v14 =	vperm.xlane v14, v5;
	_ =	sdelay $0x1  }
0x108: {  	(xrf0) =	vadd.scan.msk.s32 $0xffff, v14;
	_ =	sdelay $0x3  }
0x109: {  	v13, _, _ =	vpop (xrf0)  }
0x10a: {  	v12 =	vbroadcast v13, $0xF  }
0x10b: {  	v15, _, _ =	vpop (xrf0)  }
0x10c: {  	v12 =	vadd.s32 v15, v12  }
0x10d: {  	vm1 =	vgt.s32 v12, $0x3F  }
0x10e: {  	v12 =	vmctz.xlane vm1;
	_ =	sdelay $0x1  }
0x10f: {  	v12 =	vxor.u32 $0x80000000, v12  }
0x110: {  	(xrf0) =	vmax.scan.msk.u32 $0xffff, v12;
	_ =	sdelay $0x5  }
0x111: {  	v12, _, _ =	vpop (xrf0)  }
0x112: {  	(v2sf) =	vpush v12, $0xF;
	_ =	sdelay $0xe  }
0x113: {  	s29 =	spop (v2sf)  }
0x114: {  	s30 =	sshllo.u32 s2, $0x4;
	s19 =	sxor.u32 $0x80000000, s29  }
0x115: {  	s17 =	ssub.s32 s30, s19  }
0x116: {  	vm1 =	vge.s32 v10, s17  }
0x117: {  	vm1 =	vmand vm1, vm0;
	_ =	sdelay $0x5  }
0x118: {  	s31 =	simm.s32 $0x40;
	[tilespmem:v6+s11+$0x0] =	vst.idx.msk vm1, v9  }
0x119: {  	v10 =	vld [tilespmem:s31+$0x40]  }
0x11a: {  	v20 =	vld [tilespmem:s31+$0x30]  }
0x11b: {  	v17 =	vld [tilespmem:s31+$0x20]  }
0x11c: {  	v18 =	vld [tilespmem:s31+$0x10]  }
0x11d: {  	v19 =	vld [tilespmem:s31+$0x0]  }
0x11e: {  	v16 =	vld [tilespmem:s31+$0xFFFFFFF0]  }
0x11f: {  	v9 =	vld [tilespmem:s31+$0xFFFFFFE0]  }
0x120: {  	v21 =	vld [tilespmem:s31+$0xFFFFFFD0];
	_ =	sdelay $0x1  }
0x121: {  	v12 =	vmov s17;
	v23 =	vsel vm1, $0x1, v1  }
0x122: {  	v22 =	vadd.s32 v6, v23;
	v24 =	vshra.s32 v20, $0x1F;
	v25 =	vshra.s32 v10, $0x1F  }
0x123: {  	v26 =	vshra.s32 v19, $0x1F;
	v27 =	vshra.s32 v18, $0x1F;
	v28 =	vshra.s32 v17, $0x1F  }
0x124: {  	v29 =	vshra.s32 v21, $0x1F;
	v30 =	vshra.s32 v9, $0x1F;
	v31 =	vshra.s32 v16, $0x1F  }
0x125: {  	v28 =	vor.u32 $0x80000000, v28;
	v24 =	vor.u32 $0x80000000, v24;
	v25 =	vor.u32 $0x80000000, v25  }
0x126: {  	v31 =	vor.u32 $0x80000000, v31;
	v26 =	vor.u32 $0x80000000, v26;
	v27 =	vor.u32 $0x80000000, v27  }
0x127: {  	v29 =	vor.u32 $0x80000000, v29;
	v30 =	vor.u32 $0x80000000, v30;
	v32 =	vxor.u32 v10, v25  }
0x128: {  	v27 =	vxor.u32 v18, v27;
	v28 =	vxor.u32 v17, v28;
	v24 =	vxor.u32 v20, v24  }
0x129: {  	v30 =	vxor.u32 v9, v30;
	v31 =	vxor.u32 v16, v31;
	v33 =	vxor.u32 v19, v26  }
0x12a: {  	v26 =	vxor.u32 v21, v29;
	v25 =	vshrl.u32 v24, $0x18;
	v24 =	vshrl.u32 v32, $0x18  }
0x12b: {  	v29 =	vshrl.u32 v26, $0x18;
	v27 =	vshrl.u32 v27, $0x18;
	v26 =	vshrl.u32 v28, $0x18  }
0x12c: {  	v30 =	vshrl.u32 v30, $0x18;
	v28 =	vshrl.u32 v33, $0x18;
	vm4 =	vge.s32 v29, v12  }
0x12d: {  	s18 =	simm.s32 $0x10;
	s20 =	simm.s32 $0xC0;
	vm1 =	vge.s32 v30, v12;
	v30 =	vshrl.u32 v31, $0x18;
	v29 =	vsel vm4, $0x1, v1  }
.LBB2_11:
0x12e: {  	v31 =	vld [tilespmem:s20+$0x40];
	v29 =	vadd.s32 v29, v23;
	v23 =	vsel vm1, $0x1, v1;
	vm2 =	vge.s32 v30, v12  }
0x12f: {  	vm3 =	vge.s32 v28, v12;
	v30 =	vld [tilespmem:s20+$0x30];
	v32 =	vadd.s32 v23, v29;
	v23 =	vsel vm2, $0x1, v1  }
0x130: {  	vm5 =	vge.s32 v27, v12;
	v28 =	vld [tilespmem:s20+$0x20];
	v33 =	vadd.s32 v23, v32;
	v23 =	vsel vm3, $0x1, v1  }
0x131: {  	vm6 =	vge.s32 v26, v12;
	v27 =	vld [tilespmem:s20+$0x10];
	v34 =	vadd.s32 v23, v33;
	v23 =	vsel vm5, $0x1, v1  }
0x132: {  	vm7 =	vge.s32 v25, v12;
	v26 =	vld [tilespmem:s20+$0x0];
	[tilespmem:v22+s11+$0x0] =	vst.idx.msk vm4, v21;
	v22 =	vadd.s32 v23, v34;
	v21 =	vsel vm6, $0x1, v1  }
0x133: {  	v23 =	vsel vm7, $0x1, v1;
	vm4 =	vge.s32 v24, v12;
	v35 =	vld [tilespmem:s20+$0xFFFFFFF0];
	v21 =	vadd.s32 v21, v22  }
0x134: {  	s18 =	sadd.s32 $0x80, s18;
	v25 =	vsel vm4, $0x1, v1;
	v36 =	vld [tilespmem:s20+$0xFFFFFFE0];
	v24 =	vadd.s32 v6, v21;
	v23 =	vadd.s32 v23, v21  }
0x135: {  	p0 =	slt.u32 s18, $0x7F10;
	v37 =	vadd.s32 v6, v22;
	v21 =	vld [tilespmem:s20+$0xFFFFFFD0];
	v38 =	vadd.s32 v6, v23;
	v23 =	vadd.s32 v25, v23  }
0x136: {  	v32 =	vadd.s32 v6, v32;
	v25 =	vadd.s32 v6, v33;
	v33 =	vadd.s32 v6, v34  }
0x137: {  	v29 =	vadd.s32 v6, v29;
	v22 =	vadd.s32 v6, v23  }
0x138: {  	v39 =	vshra.s32 v31, $0x1F;
	v34 =	vshra.s32 v30, $0x1F  }
0x139: {  	v42 =	vshra.s32 v28, $0x1F;
	v41 =	vshra.s32 v27, $0x1F;
	v40 =	vshra.s32 v26, $0x1F;
	[tilespmem:v24+s11+$0x0] =	vst.idx.msk vm7, v20;
	v20 =	vmovc v30  }
0x13a: {  	v43 =	vshra.s32 v35, $0x1F;
	v30 =	vshra.s32 v36, $0x1F;
	v24 =	vshra.s32 v21, $0x1F;
	[tilespmem:v38+s11+$0x0] =	vst.idx.msk vm4, v10;
	v10 =	vmovc v31  }
0x13b: {  	v34 =	vor.u32 $0x80000000, v34;
	v31 =	vor.u32 $0x80000000, v42;
	v38 =	vor.u32 $0x80000000, v39;
	[tilespmem:v37+s11+$0x0] =	vst.idx.msk vm6, v17;
	v17 =	vmovc v28  }
0x13c: {  	v39 =	vor.u32 $0x80000000, v41;
	v28 =	vor.u32 $0x80000000, v43;
	v37 =	vor.u32 $0x80000000, v40;
	[tilespmem:v33+s11+$0x0] =	vst.idx.msk vm5, v18;
	v18 =	vmovc v27  }
0x13d: {  	v24 =	vor.u32 $0x80000000, v24;
	v27 =	vor.u32 $0x80000000, v30;
	v30 =	vxor.u32 v10, v38;
	[tilespmem:v25+s11+$0x0] =	vst.idx.msk vm3, v19;
	v19 =	vmovc v26  }
0x13e: {  	v31 =	vxor.u32 v17, v31;
	v26 =	vxor.u32 v18, v39;
	v25 =	vxor.u32 v20, v34  }
.Ltmp8:
0x13f: {  	v33 =	vxor.u32 v36, v27;
	v34 =	vxor.u32 v35, v28;
	v28 =	vxor.u32 v19, v37;
	(pc) =	sbr.rel @p0 .LBB2_11-.Ltmp8, $4  }
0x140: {  	v27 =	vxor.u32 v21, v24;
	v24 =	vshrl.u32 v30, $0x18;
	v25 =	vshrl.u32 v25, $0x18;
	[tilespmem:v32+s11+$0x0] =	vst.idx.msk vm2, v16;
	v16 =	vmovc v35  }
0x141: {  	v30 =	vshrl.u32 v27, $0x18;
	v27 =	vshrl.u32 v26, $0x18;
	v26 =	vshrl.u32 v31, $0x18;
	[tilespmem:v29+s11+$0x0] =	vst.idx.msk vm1, v9;
	v9 =	vmovc v36  }
0x142: {  	vm4 =	vge.s32 v30, v12;
	v30 =	vshrl.u32 v33, $0x18;
	v28 =	vshrl.u32 v28, $0x18  }
0x143: {  	s20 =	sadd.s32 $0x80, s20;
	v29 =	vsel vm4, $0x1, v1;
	vm1 =	vge.s32 v30, v12;
	v30 =	vshrl.u32 v34, $0x18  }
0x144: {  	v23 =	vadd.s32 v29, v23  }
0x145: {  	v51 =	vsel vm1, $0x1, v1;
	vm2 =	vge.s32 v30, v12;
	vm3 =	vge.s32 v28, v12  }
0x146: {  	vm5 =	vge.s32 v27, v12;
	vm6 =	vge.s32 v26, v12;
	vm7 =	vge.s32 v25, v12  }
0x147: {  	vm8 =	vge.s32 v24, v12;
	v29 =	vadd.s32 v51, v23;
	v30 =	vsel vm2, $0x1, v1  }
0x148: {  	v53 =	vsel vm3, $0x1, v1;
	v63 =	vadd.s32 v6, v23;
	v52 =	vadd.s32 v30, v29  }
0x149: {  	v55 =	vsel vm5, $0x1, v1;
	v62 =	vadd.s32 v6, v29;
	v54 =	vadd.s32 v53, v52  }
0x14a: {  	v57 =	vsel vm6, $0x1, v1;
	v61 =	vadd.s32 v6, v52;
	v56 =	vadd.s32 v55, v54  }
0x14b: {  	v59 =	vsel vm7, $0x1, v1;
	v27 =	vadd.s32 v6, v54;
	v58 =	vadd.s32 v57, v56  }
0x14c: {  	[tilespmem:v22+s11+$0x0] =	vst.idx.msk vm4, v21;
	v26 =	vadd.s32 v6, v56;
	v25 =	vadd.s32 v59, v58  }
0x14d: {  	[tilespmem:v63+s11+$0x0] =	vst.idx.msk vm1, v9;
	v30 =	vadd.s32 v6, v25  }
0x14e: {  	v60 =	vadd.s32 v6, v58;
	[tilespmem:v62+s11+$0x0] =	vst.idx.msk vm2, v16  }
0x14f: {  	[tilespmem:v61+s11+$0x0] =	vst.idx.msk vm3, v19  }
0x150: {  	[tilespmem:v27+s11+$0x0] =	vst.idx.msk vm5, v18  }
0x151: {  	[tilespmem:v26+s11+$0x0] =	vst.idx.msk vm6, v17  }
0x152: {  	[tilespmem:v30+s11+$0x0] =	vst.idx.msk vm8, v10;
	v10 =	vsel vm8, $0x1, v1  }
0x153: {  	s0 =	simm.s32 $0x7F80;
	s2 =	simm.s32 $0x7F90;
	[tilespmem:v60+s11+$0x0] =	vst.idx.msk vm7, v20;
	v16 =	vadd.s32 v10, v25  }
.LBB2_13:
0x154: {  	v9 =	vld [tilespmem:s2+$0x0];
	_ =	sdelay $0x4  }
0x155: {  	v10 =	vshra.s32 v9, $0x1F  }
0x156: {  	v10 =	vor.u32 $0x80000000, v10  }
0x157: {  	v10 =	vxor.u32 v9, v10  }
0x158: {  	v10 =	vshrl.u32 v10, $0x18  }
0x159: {  	s0 =	sadd.s32 $0x10, s0;
	vm1 =	vge.s32 v10, v12  }
0x15a: {  	p0 =	slt.u32 s0, $0x7FF0;
	v10 =	vadd.s32 v6, v16  }
.Ltmp9:
0x15b: {  	_ = 	snop;
	(pc) =	sbr.rel @p0 .LBB2_13-.Ltmp9, $3  }
0x15c: {  	_ =	sdelay $0x1  }
0x15d: {  	v17 =	vsel vm1, $0x1, v1  }
0x15e: {  	s2 =	sadd.s32 $0x10, s2;
	v16 =	vadd.s32 v17, v16;
	[tilespmem:v10+s11+$0x0] =	vst.idx.msk vm1, v9  }
0x15f: {  	s18 =	sadd.s32 $0x1, s16  }
0x160: {  	p0 =	slt.s32 s18, $0x3;
	s0 =	smov.u32 s18  }
0x161: {  	s0 =	simm.s32 @!p0 $0x3  }
0x162: {  	s0 =	sshll.u32 s0, $0x4  }
0x163: {  	s2 =	simm.s32 $0x18040;
	s0 =	sadd.s32 s0, s3  }
0x164: {  	[tilespmem:s1], [sflag:$0x1] =	stream.strided.gather [hbm4b:s0+s6], $0x8000, s7, s6, $0x38;
	[tilespmem:$0x19180] =	vst v63  }
0x165: {  	[tilespmem:s2+$0xFFFFFFC0] =	vst v1  }
0x166: {  	[tilespmem:s2+$0x30] =	vst v1  }
0x167: {  	[tilespmem:s2+$0x20] =	vst v1  }
0x168: {  	[tilespmem:s2+$0x10] =	vst v1  }
0x169: {  	[tilespmem:s2+$0x0] =	vst v1  }
0x16a: {  	[tilespmem:s2+$0xFFFFFFF0] =	vst v1  }
0x16b: {  	s0 =	simm.s32 $0x0;
	[tilespmem:s2+$0xFFFFFFE0] =	vst v1  }
.LBB2_15:
0x16c: {  	s0 =	sadd.s32 $0x80, s0;
	[tilespmem:s2+$0xFFFFFFD0] =	vst v1;
	s2 =	sadd.s32 $0x80, s2  }
0x16d: {  	[tilespmem:s2+$0xFFFFFFC0] =	vst v1;
	p0 =	slt.u32 s0, $0xF80  }
0x16e: {  	[tilespmem:s2+$0x30] =	vst v1  }
.Ltmp10:
0x16f: {  	[tilespmem:s2+$0x20] =	vst v1;
	(pc) =	sbr.rel @p0 .LBB2_15-.Ltmp10, $4  }
0x170: {  	[tilespmem:s2+$0x10] =	vst v1  }
0x171: {  	[tilespmem:s2+$0x0] =	vst v1  }
0x172: {  	[tilespmem:s2+$0xFFFFFFF0] =	vst v1  }
0x173: {  	[tilespmem:s2+$0xFFFFFFE0] =	vst v1  }
0x174: {  	(xrf2) =	vadd.scan.msk.f32 $0xffff, v11;
	_ =	sdelay $0x2  }
0x175: {  	v9 =	vmov s19  }
0x176: {  	vm1 =	veq.s32 v9, v0;
	v9 =	vsub.s32 v15, v14  }
0x177: {  	v9 =	vnsel vm1, $0x0, v9  }
0x178: {  	(xrf0) =	vadd.scan.msk.s32 $0xffff, v9;
	v9 =	vxor.u32 $0x80000000, v16  }
0x179: {  	(xrf0) =	vmax.scan.msk.u32 $0xffff, v9;
	_ =	sdelay $0x2  }
0x17a: {  	v9, _, _ =	vpop (xrf2)  }
0x17b: {  	(v2sf) =	vpush v9, $0xF  }
0x17c: {  	v9, _, _ =	vpop (xrf0);
	(v2sf) =	vpush v13, $0xF  }
0x17d: {  	(v2sf) =	vpush v9, $0xF;
	v9, _, _ =	vpop (xrf0)  }
0x17e: {  	(v2sf) =	vpush v9, $0xF;
	_ =	sdelay $0xb  }
0x17f: {  	s19 =	spop (v2sf)  }
0x180: {  	s21 =	spop (v2sf)  }
0x181: {  	s22 =	spop (v2sf)  }
0x182: {  	s0 =	spop (v2sf)  }
0x183: {  	s0 =	sxor.u32 $0x80000000, s0  }
0x184: {  	p0 =	sgt.s32 s0, $0x0  }
.Ltmp11:
0x185: {  	_ = 	snop;
	(pc) =	sbr.rel @!p0 .LBB2_17-.Ltmp11, $2  }
0x186: {  	_ =	sdelay $0x2  }
0x187: {  	[tilespmem:s2+$0xFFFFFFD0] =	vst v1;
	v10 =	vimm.s32 $0x0;
	s20 =	simm.s32 $0x0;
	v9 =	vimm.f32 $0.0e+00  }
0x188: {  	v11 =	vadd.s32 s20, v6;
	_ =	sdelay $0x4  }
0x189: {  	v11 =	vld.idx.msk [tilespmem:v11+s11+$0x0], $0xffff;
	_ =	sdelay $0x4  }
0x18a: {  	v13 =	vshra.s32 v11, $0x1F;
	v14 =	vmul.f32 $1.442695020e+00, v11  }
0x18b: {  	p0 =	seq.s32 s0, $0x1;
	v13 =	vor.u32 $0x80000000, v13  }
.Ltmp12:
0x18c: {  	v13 =	vxor.u32 v11, v13;
	(erf) = vpow2.f32 v14;
	(pc) =	sbr.rel @p0 .LBB2_35-.Ltmp12, $4  }
0x18d: {  	v14 =	vmov s20;
	v15 =	vshrl.u32 v13, $0x18  }
0x18e: {  	vm2 =	vlt.s32 v14, v16;
	v13 =	vshrl.u32 v13, $0x10;
	vm1 =	veq.s32 v15, v12  }
0x18f: {  	vm3 =	vgt.s32 v15, v12;
	v13 =	vand.u32 $0xFF, v13;
	vm1 =	vmand vm2, vm1  }
0x190: {  	s2 =	simm.s32 $0x1;
	vm2 =	vmand vm2, vm3;
	v13 =	vor.u32 v2, v13;
	v14 =	vsel vm1, $0x1, v1  }
.LBB2_34:
0x191: {  	v15 =	vadd.s32 v6, v10;
	v10 =	vadd.s32 v14, v10;
	s14 =	smov.u32 s2;
	s2 =	sadd.s32 $0x1, s2  }
0x192: {  	v14 =	vadd.s32 s14, v6;
	p0 =	seq.s32 s0, s2;
	_ =	sdelay $0x2  }
0x193: {  	[tilespmem:v13+s9+$0x0] =	vst.idx.add.s32.msk vm1, v3;
	v13 =	vpop (erf)  }
0x194: {  	v13 =	vnsel vm2, $0x0, v13;
	[tilespmem:v15+s12+$0x0] =	vst.idx.msk vm1, v11  }
0x195: {  	v11 =	vld.idx.msk [tilespmem:v14+s11+$0x0], $0xffff;
	v9 =	vadd.f32 v13, v9;
	_ =	sdelay $0x5  }
0x196: {  	v13 =	vshra.s32 v11, $0x1F;
	v14 =	vmul.f32 $1.442695020e+00, v11  }
0x197: {  	v13 =	vor.u32 $0x80000000, v13  }
.Ltmp13:
0x198: {  	v13 =	vxor.u32 v11, v13;
	(erf) = vpow2.f32 v14;
	(pc) =	sbr.rel @!p0 .LBB2_34-.Ltmp13, $4  }
0x199: {  	v14 =	vmov s14;
	v15 =	vshrl.u32 v13, $0x18  }
0x19a: {  	v13 =	vshrl.u32 v13, $0x10;
	vm2 =	vlt.s32 v14, v16;
	vm1 =	veq.s32 v15, v12  }
0x19b: {  	vm3 =	vgt.s32 v15, v12;
	v13 =	vand.u32 $0xFF, v13;
	vm1 =	vmand vm2, vm1  }
0x19c: {  	vm2 =	vmand vm2, vm3;
	v13 =	vor.u32 v2, v13;
	v14 =	vsel vm1, $0x1, v1  }
.LBB2_35:
0x19d: {  	_ = 	snop  }
0x19e: {  	v12 =	vadd.s32 v6, v10;
	_ =	sdelay $0x2  }
0x19f: {  	v15 =	vpop (erf)  }
0x1a0: {  	[tilespmem:v13+s9+$0x0] =	vst.idx.add.s32.msk vm1, v3;
	v63 =	vnsel vm2, $0x0, v15  }
0x1a1: {  	v10 =	vadd.s32 v14, v10;
	[tilespmem:v12+s12+$0x0] =	vst.idx.msk vm1, v11;
	v9 =	vadd.f32 v63, v9  }
.LBB2_17:
0x1a2: {  	s30 =	simm.s32 $0x18000;
	s2 =	simm.s32 $0x0  }
0x1a3: {  	v11 =	vld [tilespmem:s30+$0x0];
	s31 =	sand.u32 $0xF0, s2  }
0x1a4: {  	v12 =	vld [tilespmem:s31+$0x18100]  }
0x1a5: {  	v13 =	vld [tilespmem:s31+$0x18200]  }
0x1a6: {  	v14 =	vld [tilespmem:s31+$0x18300]  }
0x1a7: {  	v15 =	vld [tilespmem:s31+$0x18400]  }
0x1a8: {  	v16 =	vld [tilespmem:s31+$0x18500]  }
0x1a9: {  	v17 =	vld [tilespmem:s31+$0x18600]  }
0x1aa: {  	v18 =	vld [tilespmem:s31+$0x18700]  }
0x1ab: {  	v19 =	vld [tilespmem:s31+$0x18800]  }
0x1ac: {  	v20 =	vld [tilespmem:s31+$0x18900]  }
0x1ad: {  	v21 =	vld [tilespmem:s31+$0x18A00]  }
0x1ae: {  	v22 =	vld [tilespmem:s31+$0x18B00]  }
0x1af: {  	v23 =	vld [tilespmem:s31+$0x18C00]  }
0x1b0: {  	v24 =	vld [tilespmem:s31+$0x18D00]  }
0x1b1: {  	v25 =	vld [tilespmem:s31+$0x18E00]  }
0x1b2: {  	s0 =	sadd.s32 s22, s21;
	s22 =	simm.s32 $0x10;
	s23 =	simm.s32 $0x18010;
	v26 =	vld [tilespmem:s31+$0x18F00];
	v11 =	vadd.s32 v11, v12  }
0x1b3: {  	s24 =	sand.u32 $0xF0, s22;
	v12 =	vld [tilespmem:s23+$0x0];
	v11 =	vadd.s32 v13, v11  }
0x1b4: {  	v13 =	vld [tilespmem:s24+$0x18100];
	v11 =	vadd.s32 v14, v11  }
0x1b5: {  	v14 =	vld [tilespmem:s24+$0x18200];
	v11 =	vadd.s32 v15, v11  }
0x1b6: {  	v15 =	vld [tilespmem:s24+$0x18300];
	v11 =	vadd.s32 v16, v11  }
0x1b7: {  	v16 =	vld [tilespmem:s24+$0x18400];
	v11 =	vadd.s32 v17, v11  }
0x1b8: {  	v17 =	vld [tilespmem:s24+$0x18500];
	v11 =	vadd.s32 v18, v11  }
0x1b9: {  	v12 =	vadd.s32 v12, v13;
	v13 =	vld [tilespmem:s24+$0x18600];
	v11 =	vadd.s32 v19, v11  }
0x1ba: {  	v12 =	vadd.s32 v14, v12;
	v14 =	vld [tilespmem:s24+$0x18700];
	v11 =	vadd.s32 v20, v11  }
0x1bb: {  	v18 =	vld [tilespmem:s24+$0x18800];
	v12 =	vadd.s32 v15, v12;
	v11 =	vadd.s32 v21, v11  }
0x1bc: {  	v19 =	vor.u32 s20, v4;
	v12 =	vadd.s32 v16, v12;
	v16 =	vld [tilespmem:s24+$0x18900];
	v11 =	vadd.s32 v22, v11  }
0x1bd: {  	v15 =	vld [tilespmem:s24+$0x18A00];
	v12 =	vadd.s32 v17, v12;
	v11 =	vadd.s32 v23, v11  }
0x1be: {  	v12 =	vadd.s32 v13, v12;
	v17 =	vadd.s32 v24, v11;
	v11 =	vld [tilespmem:s24+$0x18B00]  }
0x1bf: {  	v14 =	vadd.s32 v14, v12;
	v12 =	vld [tilespmem:s24+$0x18C00];
	v13 =	vadd.s32 v25, v17  }
0x1c0: {  	v14 =	vadd.s32 v18, v14;
	v17 =	vadd.s32 v26, v13;
	v13 =	vld [tilespmem:s24+$0x18D00]  }
0x1c1: {  	s21 =	ssub.s32 $0x40, s0;
	v16 =	vadd.s32 v16, v14;
	v14 =	vld [tilespmem:s24+$0x18E00];
	[tilespmem:v19+s10+$0x0] =	vst.idx.msk $0xffff, v17  }
.LBB2_18:
0x1c2: {  	s22 =	sadd.s32 $0x10, s22;
	v15 =	vadd.s32 v15, v16;
	v16 =	vld [tilespmem:s24+$0x18F00];
	s23 =	sadd.s32 $0x10, s23;
	s20 =	sadd.s32 $0x1, s20  }
0x1c3: {  	v17 =	vld [tilespmem:s23+$0x0];
	s24 =	sand.u32 $0xF0, s22;
	p0 =	slt.u32 s22, $0xF0;
	v11 =	vadd.s32 v11, v15;
	v15 =	vor.u32 s20, v4  }
0x1c4: {  	v18 =	vld [tilespmem:s24+$0x18100];
	v11 =	vadd.s32 v12, v11  }
0x1c5: {  	v12 =	vld [tilespmem:s24+$0x18200];
	v11 =	vadd.s32 v13, v11  }
0x1c6: {  	v13 =	vld [tilespmem:s24+$0x18300];
	v11 =	vadd.s32 v14, v11  }
0x1c7: {  	v14 =	vld [tilespmem:s24+$0x18400];
	v11 =	vadd.s32 v16, v11  }
0x1c8: {  	v16 =	vld [tilespmem:s24+$0x18500];
	[tilespmem:v15+s10+$0x0] =	vst.idx.msk $0xffff, v11  }
0x1c9: {  	v11 =	vadd.s32 v17, v18;
	v17 =	vld [tilespmem:s24+$0x18600]  }
0x1ca: {  	v11 =	vadd.s32 v12, v11;
	v12 =	vld [tilespmem:s24+$0x18700]  }
0x1cb: {  	v11 =	vadd.s32 v13, v11;
	v13 =	vld [tilespmem:s24+$0x18800]  }
0x1cc: {  	v11 =	vadd.s32 v14, v11;
	v14 =	vld [tilespmem:s24+$0x18900]  }
.Ltmp14:
0x1cd: {  	v11 =	vadd.s32 v16, v11;
	v15 =	vld [tilespmem:s24+$0x18A00];
	(pc) =	sbr.rel @p0 .LBB2_18-.Ltmp14, $4  }
0x1ce: {  	v16 =	vadd.s32 v17, v11;
	v11 =	vld [tilespmem:s24+$0x18B00]  }
0x1cf: {  	v16 =	vadd.s32 v12, v16;
	v12 =	vld [tilespmem:s24+$0x18C00]  }
0x1d0: {  	v16 =	vadd.s32 v13, v16;
	v13 =	vld [tilespmem:s24+$0x18D00]  }
0x1d1: {  	v16 =	vadd.s32 v14, v16;
	v14 =	vld [tilespmem:s24+$0x18E00]  }
0x1d2: {  	v15 =	vadd.s32 v15, v16;
	v60 =	vld [tilespmem:s24+$0x18F00];
	s0 =	sadd.s32 $0x1, s20  }
0x1d3: {  	v11 =	vadd.s32 v11, v15;
	v15 =	vor.u32 s0, v4  }
0x1d4: {  	v11 =	vadd.s32 v12, v11  }
0x1d5: {  	v11 =	vadd.s32 v13, v11  }
0x1d6: {  	v11 =	vadd.s32 v14, v11  }
0x1d7: {  	v11 =	vadd.s32 v60, v11  }
0x1d8: {  	[tilespmem:v15+s10+$0x0] =	vst.idx.msk $0xffff, v11  }
0x1d9: {  	v11 =	vld [tilespmem:$0x19000]  }
0x1da: {  	v12 =	vld [tilespmem:$0x19010]  }
0x1db: {  	v13 =	vld [tilespmem:$0x19020]  }
0x1dc: {  	v14 =	vld [tilespmem:$0x19030]  }
0x1dd: {  	v15 =	vld [tilespmem:$0x19040]  }
0x1de: {  	v61 =	vld [tilespmem:$0x19050]  }
0x1df: {  	v11 =	vadd.s32 v11, v12;
	v12 =	vld [tilespmem:$0x19060]  }
0x1e0: {  	v11 =	vadd.s32 v13, v11;
	v13 =	vld [tilespmem:$0x19070]  }
0x1e1: {  	v11 =	vadd.s32 v14, v11;
	v14 =	vld [tilespmem:$0x19080]  }
0x1e2: {  	v11 =	vadd.s32 v15, v11;
	v15 =	vld [tilespmem:$0x19090]  }
0x1e3: {  	v62 =	vld [tilespmem:$0x190A0];
	v11 =	vadd.s32 v61, v11  }
0x1e4: {  	v11 =	vadd.s32 v12, v11;
	v12 =	vld [tilespmem:$0x190B0]  }
0x1e5: {  	v11 =	vadd.s32 v13, v11;
	v13 =	vld [tilespmem:$0x190C0]  }
0x1e6: {  	v11 =	vadd.s32 v14, v11;
	v14 =	vld [tilespmem:$0x190D0]  }
0x1e7: {  	v11 =	vadd.s32 v15, v11;
	v15 =	vld [tilespmem:$0x190E0]  }
0x1e8: {  	v63 =	vld [tilespmem:$0x190F0];
	v11 =	vadd.s32 v62, v11  }
0x1e9: {  	v11 =	vadd.s32 v12, v11  }
0x1ea: {  	v11 =	vadd.s32 v13, v11  }
0x1eb: {  	v11 =	vadd.s32 v14, v11  }
0x1ec: {  	v11 =	vadd.s32 v15, v11  }
0x1ed: {  	v11 =	vadd.s32 v63, v11  }
0x1ee: {  	v11 =	vperm.xlane v11, v5;
	_ =	sdelay $0x1  }
0x1ef: {  	(xrf0) =	vadd.scan.msk.s32 $0xffff, v11;
	_ =	sdelay $0x5  }
0x1f0: {  	v12, _, _ =	vpop (xrf0)  }
0x1f1: {  	vm1 =	vge.s32 v12, s21  }
0x1f2: {  	v13 =	vmctz.xlane vm1;
	_ =	sdelay $0x1  }
0x1f3: {  	v13 =	vxor.u32 $0x80000000, v13  }
0x1f4: {  	(xrf0) =	vmax.scan.msk.u32 $0xffff, v13;
	_ =	sdelay $0x5  }
0x1f5: {  	v13, _, _ =	vpop (xrf0)  }
0x1f6: {  	(v2sf) =	vpush v13, $0xF;
	_ =	sdelay $0xe  }
0x1f7: {  	s31 =	spop (v2sf)  }
0x1f8: {  	s0 =	sxor.u32 $0x80000000, s31  }
0x1f9: {  	s2 =	ssub.s32 $0xF, s0  }
0x1fa: {  	v13 =	vadd.s32 s2, v4;
	_ =	sdelay $0x4  }
0x1fb: {  	v13 =	vld.idx.msk [tilespmem:v13+s10+$0x0], $0xffff;
	_ =	sdelay $0x1  }
0x1fc: {  	v14 =	vmov s0  }
0x1fd: {  	v11 =	vsub.s32 v12, v11;
	vm1 =	veq.s32 v14, v0  }
0x1fe: {  	v11 =	vnsel vm1, $0x0, v11  }
0x1ff: {  	(xrf0) =	vadd.scan.msk.s32 $0xffff, v11;
	v11 =	vperm.xlane v13, v5;
	_ =	sdelay $0x1  }
0x200: {  	(xrf0) =	vadd.scan.msk.s32 $0xffff, v11;
	_ =	sdelay $0x1  }
0x201: {  	s20 =	simm.s32 $0x18040  }
0x202: {  	[tilespmem:s20+$0xFFFFFFC0] =	vst v1  }
0x203: {  	[tilespmem:s20+$0x30] =	vst v1;
	v13, _, _ =	vpop (xrf0)  }
0x204: {  	[tilespmem:s20+$0x20] =	vst v1;
	v14 =	vbroadcast v13, $0xF  }
0x205: {  	[tilespmem:s20+$0x10] =	vst v1;
	v12, _, _ =	vpop (xrf0)  }
0x206: {  	[tilespmem:s20+$0x0] =	vst v1;
	v14 =	vadd.s32 v12, v14  }
0x207: {  	[tilespmem:s20+$0xFFFFFFF0] =	vst v1;
	vm1 =	vge.s32 v14, s21  }
0x208: {  	s0 =	simm.s32 $0x0;
	[tilespmem:s20+$0xFFFFFFE0] =	vst v1;
	v14 =	vmctz.xlane vm1  }
.LBB2_20:
0x209: {  	s0 =	sadd.s32 $0x80, s0;
	[tilespmem:s20+$0xFFFFFFD0] =	vst v1;
	s20 =	sadd.s32 $0x80, s20  }
0x20a: {  	[tilespmem:s20+$0xFFFFFFC0] =	vst v1;
	p0 =	slt.u32 s0, $0xF80  }
0x20b: {  	[tilespmem:s20+$0x30] =	vst v1  }
.Ltmp15:
0x20c: {  	[tilespmem:s20+$0x20] =	vst v1;
	(pc) =	sbr.rel @p0 .LBB2_20-.Ltmp15, $4  }
0x20d: {  	[tilespmem:s20+$0x10] =	vst v1  }
0x20e: {  	[tilespmem:s20+$0x0] =	vst v1  }
0x20f: {  	[tilespmem:s20+$0xFFFFFFF0] =	vst v1  }
0x210: {  	[tilespmem:s20+$0xFFFFFFE0] =	vst v1  }
0x211: {  	v14 =	vxor.u32 $0x80000000, v14  }
0x212: {  	(xrf0) =	vmax.scan.msk.u32 $0xffff, v14;
	_ =	sdelay $0x5  }
0x213: {  	(v2sf) =	vpush v13, $0xF;
	v62, _, _ =	vpop (xrf0)  }
0x214: {  	(v2sf) =	vpush v62, $0xF;
	_ =	sdelay $0xd  }
0x215: {  	s22 =	spop (v2sf)  }
0x216: {  	s0 =	spop (v2sf)  }
0x217: {  	s14 =	sxor.u32 $0x80000000, s0  }
0x218: {  	v63 =	vmov s14  }
0x219: {  	v11 =	vsub.s32 v12, v11;
	vm1 =	veq.s32 v63, v0  }
0x21a: {  	v11 =	vnsel vm1, $0x0, v11  }
0x21b: {  	(xrf0) =	vadd.scan.msk.s32 $0xffff, v11;
	v11 =	vxor.u32 $0x80000000, v10  }
0x21c: {  	(xrf0) =	vmax.scan.msk.u32 $0xffff, v11;
	_ =	sdelay $0x4  }
0x21d: {  	v11, _, _ =	vpop (xrf0)  }
0x21e: {  	(v2sf) =	vpush v11, $0xF;
	v11, _, _ =	vpop (xrf0)  }
0x21f: {  	(v2sf) =	vpush v11, $0xF;
	_ =	sdelay $0xd  }
0x220: {  	s23 =	spop (v2sf)  }
0x221: {  	s31 =	spop (v2sf)  }
0x222: {  	s0 =	sxor.u32 $0x80000000, s31  }
0x223: {  	p0 =	slt.s32 s0, $0x1  }
.Ltmp16:
0x224: {  	_ = 	snop;
	(pc) =	sbr.rel @p0 .LBB2_22-.Ltmp16, $3  }
0x225: {  	_ =	sdelay $0x1  }
0x226: {  	s2 =	sshllo.u32 s2, $0x4  }
0x227: {  	[tilespmem:s20+$0xFFFFFFD0] =	vst v1;
	s20 =	ssub.s32 s2, s14  }
0x228: {  	s2 =	simm.s32 $0x0  }
0x229: {  	v14 =	vadd.s32 s2, v6;
	_ =	sdelay $0x4  }
0x22a: {  	v14 =	vld.idx.msk [tilespmem:v14+s12+$0x0], $0xffff;
	_ =	sdelay $0x4  }
0x22b: {  	v15 =	vshra.s32 v14, $0x1F;
	v16 =	vmul.f32 $1.442695020e+00, v14  }
0x22c: {  	v13 =	vmov s20;
	p0 =	seq.s32 s0, $0x1;
	v15 =	vxor.u32 v14, v15  }
.Ltmp17:
0x22d: {  	v11 =	vimm.f32 $0.0e+00;
	v17 =	vshrl.u32 v15, $0x10;
	(erf) = vpow2.f32 v16;
	(pc) =	sbr.rel @p0 .LBB2_38-.Ltmp17, $4  }
0x22e: {  	v12 =	vimm.s32 $0x0;
	v16 =	vmov s2;
	v17 =	vand.u32 $0xFF, v17  }
0x22f: {  	v15 =	vshrl.u32 v15, $0x8;
	vm2 =	vlt.s32 v16, v10;
	vm1 =	veq.s32 v17, v13  }
0x230: {  	v15 =	vand.u32 $0xFF, v15;
	vm3 =	vgt.s32 v17, v13;
	vm1 =	vmand vm2, vm1  }
0x231: {  	s2 =	simm.s32 $0x1;
	v15 =	vor.u32 v2, v15;
	vm2 =	vmand vm2, vm3;
	v16 =	vsel vm1, $0x1, v1  }
.LBB2_37:
0x232: {  	v17 =	vadd.s32 v6, v12;
	v12 =	vadd.s32 v16, v12;
	s14 =	smov.u32 s2;
	s2 =	sadd.s32 $0x1, s2  }
0x233: {  	v16 =	vadd.s32 s14, v6;
	p0 =	seq.s32 s0, s2;
	_ =	sdelay $0x2  }
0x234: {  	[tilespmem:v15+s9+$0x0] =	vst.idx.add.s32.msk vm1, v3;
	v15 =	vpop (erf)  }
0x235: {  	v15 =	vnsel vm2, $0x0, v15;
	[tilespmem:v17+s11+$0x0] =	vst.idx.msk vm1, v14  }
0x236: {  	v14 =	vld.idx.msk [tilespmem:v16+s12+$0x0], $0xffff;
	v11 =	vadd.f32 v15, v11;
	_ =	sdelay $0x5  }
0x237: {  	v15 =	vshra.s32 v14, $0x1F;
	v16 =	vmul.f32 $1.442695020e+00, v14  }
0x238: {  	v15 =	vxor.u32 v14, v15  }
.Ltmp18:
0x239: {  	v17 =	vshrl.u32 v15, $0x10;
	(erf) = vpow2.f32 v16;
	(pc) =	sbr.rel @!p0 .LBB2_37-.Ltmp18, $4  }
0x23a: {  	v16 =	vmov s14;
	v17 =	vand.u32 $0xFF, v17  }
0x23b: {  	v15 =	vshrl.u32 v15, $0x8;
	vm2 =	vlt.s32 v16, v10;
	vm1 =	veq.s32 v17, v13  }
0x23c: {  	v15 =	vand.u32 $0xFF, v15;
	vm3 =	vgt.s32 v17, v13;
	vm1 =	vmand vm2, vm1  }
0x23d: {  	v15 =	vor.u32 v2, v15;
	vm2 =	vmand vm2, vm3;
	v16 =	vsel vm1, $0x1, v1  }
.LBB2_38:
0x23e: {  	_ = 	snop  }
0x23f: {  	v13 =	vadd.s32 v6, v12  }
.Ltmp19:
0x240: {  	_ = 	snop;
	(pc) =	sbr.rel .LBB2_23-.Ltmp19, $4  }
0x241: {  	_ = 	snop  }
0x242: {  	v10 =	vpop (erf)  }
0x243: {  	[tilespmem:v15+s9+$0x0] =	vst.idx.add.s32.msk vm1, v3;
	v15 =	vnsel vm2, $0x0, v10  }
0x244: {  	v10 =	vadd.s32 v16, v12;
	[tilespmem:v13+s11+$0x0] =	vst.idx.msk vm1, v14;
	v12 =	vadd.f32 v15, v11  }
.LBB2_22:
0x245: {  	v10 =	vimm.s32 $0x0;
	v12 =	vimm.f32 $0.0e+00  }
.LBB2_23:
0x246: {  	s30 =	simm.s32 $0x18000;
	s2 =	simm.s32 $0x0  }
0x247: {  	v11 =	vld [tilespmem:s30+$0x0];
	s31 =	sand.u32 $0xF0, s2  }
0x248: {  	v13 =	vld [tilespmem:s31+$0x18100]  }
0x249: {  	v14 =	vld [tilespmem:s31+$0x18200]  }
0x24a: {  	v15 =	vld [tilespmem:s31+$0x18300]  }
0x24b: {  	v16 =	vld [tilespmem:s31+$0x18400]  }
0x24c: {  	v17 =	vld [tilespmem:s31+$0x18500]  }
0x24d: {  	v18 =	vld [tilespmem:s31+$0x18600]  }
0x24e: {  	v19 =	vld [tilespmem:s31+$0x18700]  }
0x24f: {  	v20 =	vld [tilespmem:s31+$0x18800]  }
0x250: {  	v21 =	vld [tilespmem:s31+$0x18900]  }
0x251: {  	v22 =	vld [tilespmem:s31+$0x18A00]  }
0x252: {  	v23 =	vld [tilespmem:s31+$0x18B00]  }
0x253: {  	v24 =	vld [tilespmem:s31+$0x18C00]  }
0x254: {  	v25 =	vld [tilespmem:s31+$0x18D00]  }
0x255: {  	v26 =	vld [tilespmem:s31+$0x18E00]  }
0x256: {  	s0 =	sadd.s32 s23, s22;
	s23 =	simm.s32 $0x10;
	s24 =	simm.s32 $0x18010;
	v27 =	vld [tilespmem:s31+$0x18F00];
	v11 =	vadd.s32 v11, v13  }
0x257: {  	s25 =	sand.u32 $0xF0, s23;
	v13 =	vld [tilespmem:s24+$0x0];
	v11 =	vadd.s32 v14, v11  }
0x258: {  	v14 =	vld [tilespmem:s25+$0x18100];
	v11 =	vadd.s32 v15, v11  }
0x259: {  	v15 =	vld [tilespmem:s25+$0x18200];
	v11 =	vadd.s32 v16, v11  }
0x25a: {  	v16 =	vld [tilespmem:s25+$0x18300];
	v11 =	vadd.s32 v17, v11  }
0x25b: {  	v17 =	vld [tilespmem:s25+$0x18400];
	v11 =	vadd.s32 v18, v11  }
0x25c: {  	v18 =	vld [tilespmem:s25+$0x18500];
	v11 =	vadd.s32 v19, v11  }
0x25d: {  	v13 =	vadd.s32 v13, v14;
	v14 =	vld [tilespmem:s25+$0x18600];
	v11 =	vadd.s32 v20, v11  }
0x25e: {  	v13 =	vadd.s32 v15, v13;
	v15 =	vld [tilespmem:s25+$0x18700];
	v11 =	vadd.s32 v21, v11  }
0x25f: {  	s22 =	ssub.s32 s21, s0;
	s21 =	simm.s32 $0x0;
	v19 =	vld [tilespmem:s25+$0x18800];
	v13 =	vadd.s32 v16, v13;
	v11 =	vadd.s32 v22, v11  }
0x260: {  	v63 =	vor.u32 s21, v4;
	v13 =	vadd.s32 v17, v13;
	v17 =	vld [tilespmem:s25+$0x18900];
	v11 =	vadd.s32 v23, v11  }
0x261: {  	v16 =	vld [tilespmem:s25+$0x18A00];
	v13 =	vadd.s32 v18, v13;
	v11 =	vadd.s32 v24, v11  }
0x262: {  	v13 =	vadd.s32 v14, v13;
	v18 =	vadd.s32 v25, v11;
	v11 =	vld [tilespmem:s25+$0x18B00]  }
0x263: {  	v15 =	vadd.s32 v15, v13;
	v13 =	vld [tilespmem:s25+$0x18C00];
	v14 =	vadd.s32 v26, v18  }
0x264: {  	v15 =	vadd.s32 v19, v15;
	v18 =	vadd.s32 v27, v14;
	v14 =	vld [tilespmem:s25+$0x18D00]  }
0x265: {  	v17 =	vadd.s32 v17, v15;
	v15 =	vld [tilespmem:s25+$0x18E00];
	[tilespmem:v63+s10+$0x0] =	vst.idx.msk $0xffff, v18  }
.LBB2_24:
0x266: {  	s23 =	sadd.s32 $0x10, s23;
	v16 =	vadd.s32 v16, v17;
	v17 =	vld [tilespmem:s25+$0x18F00];
	s24 =	sadd.s32 $0x10, s24;
	s21 =	sadd.s32 $0x1, s21  }
0x267: {  	v18 =	vld [tilespmem:s24+$0x0];
	s25 =	sand.u32 $0xF0, s23;
	p0 =	slt.u32 s23, $0xF0;
	v11 =	vadd.s32 v11, v16;
	v16 =	vor.u32 s21, v4  }
0x268: {  	v19 =	vld [tilespmem:s25+$0x18100];
	v11 =	vadd.s32 v13, v11  }
0x269: {  	v13 =	vld [tilespmem:s25+$0x18200];
	v11 =	vadd.s32 v14, v11  }
0x26a: {  	v14 =	vld [tilespmem:s25+$0x18300];
	v11 =	vadd.s32 v15, v11  }
0x26b: {  	v15 =	vld [tilespmem:s25+$0x18400];
	v11 =	vadd.s32 v17, v11  }
0x26c: {  	v17 =	vld [tilespmem:s25+$0x18500];
	[tilespmem:v16+s10+$0x0] =	vst.idx.msk $0xffff, v11  }
0x26d: {  	v11 =	vadd.s32 v18, v19;
	v18 =	vld [tilespmem:s25+$0x18600]  }
0x26e: {  	v11 =	vadd.s32 v13, v11;
	v13 =	vld [tilespmem:s25+$0x18700]  }
0x26f: {  	v11 =	vadd.s32 v14, v11;
	v14 =	vld [tilespmem:s25+$0x18800]  }
0x270: {  	v11 =	vadd.s32 v15, v11;
	v15 =	vld [tilespmem:s25+$0x18900]  }
.Ltmp20:
0x271: {  	v11 =	vadd.s32 v17, v11;
	v16 =	vld [tilespmem:s25+$0x18A00];
	(pc) =	sbr.rel @p0 .LBB2_24-.Ltmp20, $4  }
0x272: {  	v17 =	vadd.s32 v18, v11;
	v11 =	vld [tilespmem:s25+$0x18B00]  }
0x273: {  	v17 =	vadd.s32 v13, v17;
	v13 =	vld [tilespmem:s25+$0x18C00]  }
0x274: {  	v17 =	vadd.s32 v14, v17;
	v14 =	vld [tilespmem:s25+$0x18D00]  }
0x275: {  	v17 =	vadd.s32 v15, v17;
	v15 =	vld [tilespmem:s25+$0x18E00]  }
0x276: {  	v16 =	vadd.s32 v16, v17;
	v17 =	vld [tilespmem:s25+$0x18F00];
	s0 =	sadd.s32 $0x1, s21  }
0x277: {  	v11 =	vadd.s32 v11, v16;
	v16 =	vor.u32 s0, v4  }
0x278: {  	v11 =	vadd.s32 v13, v11  }
0x279: {  	v11 =	vadd.s32 v14, v11  }
0x27a: {  	v11 =	vadd.s32 v15, v11  }
0x27b: {  	v11 =	vadd.s32 v17, v11  }
0x27c: {  	[tilespmem:v16+s10+$0x0] =	vst.idx.msk $0xffff, v11  }
0x27d: {  	v11 =	vld [tilespmem:$0x19000]  }
0x27e: {  	v13 =	vld [tilespmem:$0x19010]  }
0x27f: {  	v14 =	vld [tilespmem:$0x19020]  }
0x280: {  	v15 =	vld [tilespmem:$0x19030]  }
0x281: {  	v16 =	vld [tilespmem:$0x19040]  }
0x282: {  	v17 =	vld [tilespmem:$0x19050]  }
0x283: {  	v11 =	vadd.s32 v11, v13;
	v13 =	vld [tilespmem:$0x19060]  }
0x284: {  	v11 =	vadd.s32 v14, v11;
	v14 =	vld [tilespmem:$0x19070]  }
0x285: {  	v11 =	vadd.s32 v15, v11;
	v15 =	vld [tilespmem:$0x19080]  }
0x286: {  	v11 =	vadd.s32 v16, v11;
	v16 =	vld [tilespmem:$0x19090]  }
0x287: {  	v11 =	vadd.s32 v17, v11;
	v17 =	vld [tilespmem:$0x190A0]  }
0x288: {  	v11 =	vadd.s32 v13, v11;
	v13 =	vld [tilespmem:$0x190B0]  }
0x289: {  	v11 =	vadd.s32 v14, v11;
	v14 =	vld [tilespmem:$0x190C0]  }
0x28a: {  	v11 =	vadd.s32 v15, v11;
	v15 =	vld [tilespmem:$0x190D0]  }
0x28b: {  	v11 =	vadd.s32 v16, v11;
	v16 =	vld [tilespmem:$0x190E0]  }
0x28c: {  	v11 =	vadd.s32 v17, v11;
	v17 =	vld [tilespmem:$0x190F0]  }
0x28d: {  	v11 =	vadd.s32 v13, v11  }
0x28e: {  	v11 =	vadd.s32 v14, v11  }
0x28f: {  	v11 =	vadd.s32 v15, v11  }
0x290: {  	v11 =	vadd.s32 v16, v11  }
0x291: {  	v11 =	vadd.s32 v17, v11  }
0x292: {  	v11 =	vperm.xlane v11, v5;
	_ =	sdelay $0x1  }
0x293: {  	(xrf0) =	vadd.scan.msk.s32 $0xffff, v11;
	_ =	sdelay $0x5  }
0x294: {  	v13, _, _ =	vpop (xrf0)  }
0x295: {  	vm1 =	vge.s32 v13, s22  }
0x296: {  	v14 =	vmctz.xlane vm1;
	_ =	sdelay $0x1  }
0x297: {  	v14 =	vxor.u32 $0x80000000, v14  }
0x298: {  	(xrf0) =	vmax.scan.msk.u32 $0xffff, v14;
	_ =	sdelay $0x5  }
0x299: {  	v14, _, _ =	vpop (xrf0)  }
0x29a: {  	(v2sf) =	vpush v14, $0xF;
	_ =	sdelay $0xe  }
0x29b: {  	s31 =	spop (v2sf)  }
0x29c: {  	s2 =	sxor.u32 $0x80000000, s31  }
0x29d: {  	s0 =	ssub.s32 $0xF, s2  }
0x29e: {  	v14 =	vadd.s32 s0, v4;
	_ =	sdelay $0x4  }
0x29f: {  	v14 =	vld.idx.msk [tilespmem:v14+s10+$0x0], $0xffff;
	_ =	sdelay $0x1  }
0x2a0: {  	v15 =	vmov s2  }
0x2a1: {  	v11 =	vsub.s32 v13, v11;
	vm1 =	veq.s32 v15, v0  }
0x2a2: {  	v11 =	vnsel vm1, $0x0, v11  }
0x2a3: {  	(xrf0) =	vadd.scan.msk.s32 $0xffff, v11;
	v11 =	vperm.xlane v14, v5;
	_ =	sdelay $0x1  }
0x2a4: {  	(xrf0) =	vadd.scan.msk.s32 $0xffff, v11;
	_ =	sdelay $0x1  }
0x2a5: {  	s2 =	simm.s32 $0x18040  }
0x2a6: {  	[tilespmem:s2+$0xFFFFFFC0] =	vst v1  }
0x2a7: {  	[tilespmem:s2+$0x30] =	vst v1;
	v14, _, _ =	vpop (xrf0)  }
0x2a8: {  	[tilespmem:s2+$0x20] =	vst v1;
	v15 =	vbroadcast v14, $0xF  }
0x2a9: {  	[tilespmem:s2+$0x10] =	vst v1;
	v13, _, _ =	vpop (xrf0)  }
0x2aa: {  	[tilespmem:s2+$0x0] =	vst v1;
	v15 =	vadd.s32 v13, v15  }
0x2ab: {  	[tilespmem:s2+$0xFFFFFFF0] =	vst v1;
	vm1 =	vge.s32 v15, s22  }
0x2ac: {  	s14 =	simm.s32 $0x0;
	[tilespmem:s2+$0xFFFFFFE0] =	vst v1;
	v15 =	vmctz.xlane vm1  }
.LBB2_26:
0x2ad: {  	s14 =	sadd.s32 $0x80, s14;
	[tilespmem:s2+$0xFFFFFFD0] =	vst v1;
	s2 =	sadd.s32 $0x80, s2  }
0x2ae: {  	[tilespmem:s2+$0xFFFFFFC0] =	vst v1;
	p0 =	slt.u32 s14, $0xF80  }
0x2af: {  	[tilespmem:s2+$0x30] =	vst v1  }
.Ltmp21:
0x2b0: {  	[tilespmem:s2+$0x20] =	vst v1;
	(pc) =	sbr.rel @p0 .LBB2_26-.Ltmp21, $4  }
0x2b1: {  	[tilespmem:s2+$0x10] =	vst v1  }
0x2b2: {  	[tilespmem:s2+$0x0] =	vst v1  }
0x2b3: {  	[tilespmem:s2+$0xFFFFFFF0] =	vst v1  }
0x2b4: {  	[tilespmem:s2+$0xFFFFFFE0] =	vst v1  }
0x2b5: {  	v15 =	vxor.u32 $0x80000000, v15  }
0x2b6: {  	(xrf0) =	vmax.scan.msk.u32 $0xffff, v15;
	_ =	sdelay $0x5  }
0x2b7: {  	(v2sf) =	vpush v14, $0xF;
	v14, _, _ =	vpop (xrf0)  }
0x2b8: {  	(v2sf) =	vpush v14, $0xF;
	_ =	sdelay $0xd  }
0x2b9: {  	s23 =	spop (v2sf)  }
0x2ba: {  	s14 =	spop (v2sf)  }
0x2bb: {  	s14 =	sxor.u32 $0x80000000, s14  }
0x2bc: {  	v14 =	vmov s14  }
0x2bd: {  	v11 =	vsub.s32 v13, v11;
	vm1 =	veq.s32 v14, v0  }
0x2be: {  	v11 =	vnsel vm1, $0x0, v11  }
0x2bf: {  	(xrf0) =	vadd.scan.msk.s32 $0xffff, v11;
	v11 =	vxor.u32 $0x80000000, v10  }
0x2c0: {  	(xrf0) =	vmax.scan.msk.u32 $0xffff, v11;
	_ =	sdelay $0x4  }
0x2c1: {  	v11, _, _ =	vpop (xrf0)  }
0x2c2: {  	(v2sf) =	vpush v11, $0xF;
	v11, _, _ =	vpop (xrf0)  }
0x2c3: {  	(v2sf) =	vpush v11, $0xF;
	_ =	sdelay $0xd  }
0x2c4: {  	s24 =	spop (v2sf)  }
0x2c5: {  	s21 =	spop (v2sf)  }
0x2c6: {  	s25 =	sxor.u32 $0x80000000, s21  }
0x2c7: {  	p0 =	slt.s32 s25, $0x1  }
.Ltmp22:
0x2c8: {  	_ = 	snop;
	(pc) =	sbr.rel @p0 .LBB2_28-.Ltmp22, $3  }
0x2c9: {  	_ =	sdelay $0x1  }
0x2ca: {  	s0 =	sshllo.u32 s0, $0x4  }
0x2cb: {  	[tilespmem:s2+$0xFFFFFFD0] =	vst v1;
	s21 =	ssub.s32 s0, s14  }
0x2cc: {  	p1 =	seq.s32 s25, $0x1  }
.Ltmp23:
0x2cd: {  	_ = 	snop;
	(pc) =	sbr.rel @p1 .LBB2_40-.Ltmp23, $3  }
0x2ce: {  	_ =	sdelay $0x1  }
0x2cf: {  	v14 =	vmov s21;
	s2 =	simm.s32 $0x0  }
0x2d0: {  	v11 =	vimm.f32 $0.0e+00;
	v13 =	vimm.s32 $0x0;
	s0 =	simm.s32 $0x1;
	p0 =	por $0x0, $0x0;
	v16 =	vadd.s32 s2, v6  }
0x2d1: {  	_ =	sdelay $0x3  }
0x2d2: {  	v15 =	vld.idx.msk [tilespmem:v16+s11+$0x0], $0xffff;
	_ =	sdelay $0x4  }
0x2d3: {  	v16 =	vshra.s32 v15, $0x1F  }
0x2d4: {  	v17 =	vmul.f32 $1.442695020e+00, v15;
	v16 =	vxor.u32 v15, v16  }
0x2d5: {  	v18 =	vshrl.u32 v16, $0x8  }
0x2d6: {  	(erf) = vpow2.f32 v17;
	v17 =	vmov s2;
	v18 =	vand.u32 $0xFF, v18  }
0x2d7: {  	vm1 =	vlt.s32 v17, v10;
	vm2 =	veq.s32 v18, v14  }
0x2d8: {  	v16 =	vand.u32 $0xFF, v16;
	vm2 =	vmand vm1, vm2  }
0x2d9: {  	v16 =	vor.u32 v2, v16;
	_ =	sdelay $0x3  }
0x2da: {  	v19 =	vadd.s32 v6, v13;
	p1 =	seq.s32 s25, $0x2  }
.Ltmp24:
0x2db: {  	v17 =	vsel vm2, $0x1, v1;
	[tilespmem:v16+s9+$0x0] =	vst.idx.add.s32.msk vm2, v3;
	v16 =	vadd.s32 s0, v6;
	(pc) =	sbr.rel @p1 .LBB2_42-.Ltmp24, $4  }
0x2dc: {  	_ = 	snop  }
0x2dd: {  	vm3 =	vgt.s32 v18, v14  }
0x2de: {  	vm1 =	vmand vm1, vm3;
	v13 =	vadd.s32 v17, v13;
	v17 =	vpop (erf)  }
0x2df: {  	p0 =	por $0x1, $0x1;
	s2 =	simm.s32 $0x2;
	v17 =	vnsel vm1, $0x0, v17;
	[tilespmem:v19+s12+$0x0] =	vst.idx.msk vm2, v15;
	v15 =	vimm.f32 $0.0e+00  }
.LBB2_43:
0x2e0: {  	v18 =	vld.idx.msk [tilespmem:v16+s11+$0x0], $0xffff;
	v15 =	vadd.f32 v17, v15;
	s14 =	smov.u32 s2;
	s2 =	sadd.s32 $0x1, s2  }
0x2e1: {  	p1 =	seq.s32 s25, s2;
	_ =	sdelay $0x4  }
0x2e2: {  	v16 =	vshra.s32 v18, $0x1F;
	v17 =	vmul.f32 $1.442695020e+00, v18  }
0x2e3: {  	v16 =	vxor.u32 v18, v16  }
0x2e4: {  	v19 =	vshrl.u32 v16, $0x8;
	v16 =	vand.u32 $0xFF, v16;
	(erf) = vpow2.f32 v17  }
0x2e5: {  	v17 =	vmov s0;
	v19 =	vand.u32 $0xFF, v19;
	s0 =	smov.u32 s14  }
0x2e6: {  	vm1 =	vlt.s32 v17, v10;
	vm2 =	vgt.s32 v19, v14;
	vm3 =	veq.s32 v19, v14  }
0x2e7: {  	vm3 =	vmand vm1, vm3  }
0x2e8: {  	v17 =	vor.u32 v2, v16;
	v16 =	vsel vm3, $0x1, v1  }
0x2e9: {  	v19 =	vadd.s32 v6, v13;
	v13 =	vadd.s32 v16, v13  }
.Ltmp25:
0x2ea: {  	v16 =	vadd.s32 s0, v6;
	(pc) =	sbr.rel @!p1 .LBB2_43-.Ltmp25, $3  }
0x2eb: {  	_ =	sdelay $0x1  }
0x2ec: {  	vm1 =	vmand vm1, vm2;
	[tilespmem:v17+s9+$0x0] =	vst.idx.add.s32.msk vm3, v3;
	v17 =	vpop (erf)  }
0x2ed: {  	v17 =	vnsel vm1, $0x0, v17;
	[tilespmem:v19+s12+$0x0] =	vst.idx.msk vm3, v18  }
0x2ee: {  	s2 =	smov.u32 s0  }
.LBB2_45:
0x2ef: {  	_ =	sdelay $0x3  }
0x2f0: {  	v16 =	vld.idx.msk [tilespmem:v16+s11+$0x0], $0xffff;
	_ =	sdelay $0x4  }
0x2f1: {  	v18 =	vmul.f32 $1.442695020e+00, v16  }
0x2f2: {  	v19 =	vshra.s32 v16, $0x1F  }
0x2f3: {  	v19 =	vxor.u32 v16, v19;
	(erf) = vpow2.f32 v18  }
0x2f4: {  	v61 =	vshrl.u32 v19, $0x8  }
0x2f5: {  	v20 =	vmov s2;
	v18 =	vand.u32 $0xFF, v61  }
0x2f6: {  	vm1 =	vlt.s32 v20, v10;
	vm2 =	veq.s32 v18, v14  }
0x2f7: {  	v10 =	vand.u32 $0xFF, v19;
	vm2 =	vmand vm1, vm2  }
0x2f8: {  	v10 =	vor.u32 v2, v10  }
0x2f9: {  	v62 =	vadd.s32 v6, v13  }
.Ltmp26:
0x2fa: {  	_ = 	snop;
	(pc) =	sbr.rel .LBB2_29-.Ltmp26, $4  }
0x2fb: {  	v15 =	vadd.f32 @p0 v17, v15;
	vm3 =	vgt.s32 v18, v14  }
0x2fc: {  	vm1 =	vmand vm1, vm3;
	v14 =	vpop (erf)  }
0x2fd: {  	v63 =	vsel vm2, $0x1, v1;
	[tilespmem:v10+s9+$0x0] =	vst.idx.add.s32.msk vm2, v3;
	v10 =	vnsel vm1, $0x0, v14;
	v14 =	vpsel p0, v15, v11  }
0x2fe: {  	v11 =	vadd.s32 v63, v13;
	[tilespmem:v62+s12+$0x0] =	vst.idx.msk vm2, v16;
	v10 =	vadd.f32 v10, v14  }
.LBB2_28:
0x2ff: {  	v11 =	vimm.s32 $0x0;
	v10 =	vimm.f32 $0.0e+00  }
.LBB2_29:
0x300: {  	s30 =	simm.s32 $0x18000;
	s2 =	simm.s32 $0x0  }
0x301: {  	v9 =	vadd.f32 v12, v9;
	v12 =	vld [tilespmem:s30+$0x0];
	s31 =	sand.u32 $0xF0, s2  }
0x302: {  	v13 =	vld [tilespmem:s31+$0x18100]  }
0x303: {  	v14 =	vld [tilespmem:s31+$0x18200]  }
0x304: {  	v15 =	vld [tilespmem:s31+$0x18300]  }
0x305: {  	v16 =	vld [tilespmem:s31+$0x18400]  }
0x306: {  	v17 =	vld [tilespmem:s31+$0x18500]  }
0x307: {  	v18 =	vld [tilespmem:s31+$0x18600]  }
0x308: {  	v19 =	vld [tilespmem:s31+$0x18700]  }
0x309: {  	v20 =	vld [tilespmem:s31+$0x18800]  }
0x30a: {  	v21 =	vld [tilespmem:s31+$0x18900]  }
0x30b: {  	v22 =	vld [tilespmem:s31+$0x18A00]  }
0x30c: {  	v23 =	vld [tilespmem:s31+$0x18B00]  }
0x30d: {  	v24 =	vld [tilespmem:s31+$0x18C00]  }
0x30e: {  	v25 =	vld [tilespmem:s31+$0x18D00]  }
0x30f: {  	v26 =	vld [tilespmem:s31+$0x18E00]  }
0x310: {  	s0 =	sadd.s32 s24, s23;
	s24 =	simm.s32 $0x10;
	s25 =	simm.s32 $0x18010;
	v27 =	vld [tilespmem:s31+$0x18F00];
	v12 =	vadd.s32 v12, v13  }
0x311: {  	s26 =	sand.u32 $0xF0, s24;
	v13 =	vld [tilespmem:s25+$0x0];
	v12 =	vadd.s32 v14, v12  }
0x312: {  	v14 =	vld [tilespmem:s26+$0x18100];
	v12 =	vadd.s32 v15, v12  }
0x313: {  	v15 =	vld [tilespmem:s26+$0x18200];
	v12 =	vadd.s32 v16, v12  }
0x314: {  	v16 =	vld [tilespmem:s26+$0x18300];
	v12 =	vadd.s32 v17, v12  }
0x315: {  	v17 =	vld [tilespmem:s26+$0x18400];
	v12 =	vadd.s32 v18, v12  }
0x316: {  	v18 =	vld [tilespmem:s26+$0x18500];
	v12 =	vadd.s32 v19, v12  }
0x317: {  	v13 =	vadd.s32 v13, v14;
	v14 =	vld [tilespmem:s26+$0x18600];
	v12 =	vadd.s32 v20, v12  }
0x318: {  	v13 =	vadd.s32 v15, v13;
	v15 =	vld [tilespmem:s26+$0x18700];
	v12 =	vadd.s32 v21, v12  }
0x319: {  	s23 =	simm.s32 $0x0;
	v19 =	vld [tilespmem:s26+$0x18800];
	v13 =	vadd.s32 v16, v13;
	v12 =	vadd.s32 v22, v12  }
0x31a: {  	v63 =	vor.u32 s23, v4;
	v13 =	vadd.s32 v17, v13;
	v17 =	vld [tilespmem:s26+$0x18900];
	v12 =	vadd.s32 v23, v12  }
0x31b: {  	v16 =	vld [tilespmem:s26+$0x18A00];
	v13 =	vadd.s32 v18, v13;
	v12 =	vadd.s32 v24, v12  }
0x31c: {  	v13 =	vadd.s32 v14, v13;
	v18 =	vadd.s32 v25, v12;
	v12 =	vld [tilespmem:s26+$0x18B00]  }
0x31d: {  	v15 =	vadd.s32 v15, v13;
	v13 =	vld [tilespmem:s26+$0x18C00];
	v14 =	vadd.s32 v26, v18  }
0x31e: {  	v15 =	vadd.s32 v19, v15;
	v18 =	vadd.s32 v27, v14;
	v14 =	vld [tilespmem:s26+$0x18D00]  }
0x31f: {  	s22 =	ssub.s32 s22, s0;
	v17 =	vadd.s32 v17, v15;
	v15 =	vld [tilespmem:s26+$0x18E00];
	[tilespmem:v63+s10+$0x0] =	vst.idx.msk $0xffff, v18  }
.LBB2_30:
0x320: {  	s24 =	sadd.s32 $0x10, s24;
	v16 =	vadd.s32 v16, v17;
	v17 =	vld [tilespmem:s26+$0x18F00];
	s25 =	sadd.s32 $0x10, s25;
	s23 =	sadd.s32 $0x1, s23  }
0x321: {  	v18 =	vld [tilespmem:s25+$0x0];
	s26 =	sand.u32 $0xF0, s24;
	p0 =	slt.u32 s24, $0xF0;
	v12 =	vadd.s32 v12, v16;
	v16 =	vor.u32 s23, v4  }
0x322: {  	v19 =	vld [tilespmem:s26+$0x18100];
	v12 =	vadd.s32 v13, v12  }
0x323: {  	v13 =	vld [tilespmem:s26+$0x18200];
	v12 =	vadd.s32 v14, v12  }
0x324: {  	v14 =	vld [tilespmem:s26+$0x18300];
	v12 =	vadd.s32 v15, v12  }
0x325: {  	v15 =	vld [tilespmem:s26+$0x18400];
	v12 =	vadd.s32 v17, v12  }
0x326: {  	v17 =	vld [tilespmem:s26+$0x18500];
	[tilespmem:v16+s10+$0x0] =	vst.idx.msk $0xffff, v12  }
0x327: {  	v12 =	vadd.s32 v18, v19;
	v18 =	vld [tilespmem:s26+$0x18600]  }
0x328: {  	v12 =	vadd.s32 v13, v12;
	v13 =	vld [tilespmem:s26+$0x18700]  }
0x329: {  	v12 =	vadd.s32 v14, v12;
	v14 =	vld [tilespmem:s26+$0x18800]  }
0x32a: {  	v12 =	vadd.s32 v15, v12;
	v15 =	vld [tilespmem:s26+$0x18900]  }
.Ltmp27:
0x32b: {  	v12 =	vadd.s32 v17, v12;
	v16 =	vld [tilespmem:s26+$0x18A00];
	(pc) =	sbr.rel @p0 .LBB2_30-.Ltmp27, $4  }
0x32c: {  	v17 =	vadd.s32 v18, v12;
	v12 =	vld [tilespmem:s26+$0x18B00]  }
0x32d: {  	v17 =	vadd.s32 v13, v17;
	v13 =	vld [tilespmem:s26+$0x18C00]  }
0x32e: {  	v17 =	vadd.s32 v14, v17;
	v14 =	vld [tilespmem:s26+$0x18D00]  }
0x32f: {  	v17 =	vadd.s32 v15, v17;
	v15 =	vld [tilespmem:s26+$0x18E00]  }
0x330: {  	v16 =	vadd.s32 v16, v17;
	v35 =	vld [tilespmem:s26+$0x18F00];
	s0 =	sadd.s32 $0x1, s23  }
0x331: {  	v12 =	vadd.s32 v12, v16;
	v36 =	vor.u32 s0, v4  }
0x332: {  	v12 =	vadd.s32 v13, v12  }
0x333: {  	v12 =	vadd.s32 v14, v12  }
0x334: {  	v12 =	vadd.s32 v15, v12  }
0x335: {  	v12 =	vadd.s32 v35, v12  }
0x336: {  	[tilespmem:v36+s10+$0x0] =	vst.idx.msk $0xffff, v12  }
0x337: {  	v12 =	vld [tilespmem:$0x19000]  }
0x338: {  	v37 =	vld [tilespmem:$0x19010]  }
0x339: {  	v38 =	vld [tilespmem:$0x19020]  }
0x33a: {  	v39 =	vld [tilespmem:$0x19030]  }
0x33b: {  	v16 =	vld [tilespmem:$0x19040]  }
0x33c: {  	v40 =	vld [tilespmem:$0x19050]  }
0x33d: {  	v41 =	vld [tilespmem:$0x19060];
	v12 =	vadd.s32 v12, v37  }
0x33e: {  	v42 =	vld [tilespmem:$0x19070];
	v12 =	vadd.s32 v38, v12  }
0x33f: {  	v43 =	vld [tilespmem:$0x19080];
	v12 =	vadd.s32 v39, v12  }
0x340: {  	v44 =	vld [tilespmem:$0x19090];
	v12 =	vadd.s32 v16, v12  }
0x341: {  	v45 =	vld [tilespmem:$0x190A0];
	v12 =	vadd.s32 v40, v12  }
0x342: {  	v46 =	vld [tilespmem:$0x190B0];
	v12 =	vadd.s32 v41, v12  }
0x343: {  	v47 =	vld [tilespmem:$0x190C0];
	v12 =	vadd.s32 v42, v12  }
0x344: {  	v48 =	vld [tilespmem:$0x190D0];
	v12 =	vadd.s32 v43, v12  }
0x345: {  	v49 =	vld [tilespmem:$0x190E0];
	v12 =	vadd.s32 v44, v12  }
0x346: {  	v50 =	vld [tilespmem:$0x190F0];
	v12 =	vadd.s32 v45, v12  }
0x347: {  	v12 =	vadd.s32 v46, v12  }
0x348: {  	v12 =	vadd.s32 v47, v12  }
0x349: {  	v12 =	vadd.s32 v48, v12  }
0x34a: {  	v12 =	vadd.s32 v49, v12  }
0x34b: {  	v12 =	vadd.s32 v50, v12  }
0x34c: {  	v12 =	vperm.xlane v12, v5;
	_ =	sdelay $0x1  }
0x34d: {  	(xrf0) =	vadd.scan.msk.s32 $0xffff, v12;
	_ =	sdelay $0x5  }
0x34e: {  	v51, _, _ =	vpop (xrf0)  }
0x34f: {  	vm1 =	vge.s32 v51, s22  }
0x350: {  	v52 =	vmctz.xlane vm1;
	_ =	sdelay $0x1  }
0x351: {  	v14 =	vxor.u32 $0x80000000, v52  }
0x352: {  	(xrf0) =	vmax.scan.msk.u32 $0xffff, v14;
	_ =	sdelay $0x5  }
0x353: {  	v14, _, _ =	vpop (xrf0)  }
0x354: {  	(v2sf) =	vpush v14, $0xF;
	_ =	sdelay $0xe  }
0x355: {  	s29 =	spop (v2sf)  }
0x356: {  	s0 =	sxor.u32 $0x80000000, s29  }
0x357: {  	s2 =	ssub.s32 $0xF, s0  }
0x358: {  	v53 =	vadd.s32 s2, v4;
	_ =	sdelay $0x4  }
0x359: {  	v14 =	vld.idx.msk [tilespmem:v53+s10+$0x0], $0xffff;
	_ =	sdelay $0x1  }
0x35a: {  	v54 =	vmov s0  }
0x35b: {  	v12 =	vsub.s32 v51, v12;
	vm1 =	veq.s32 v54, v0  }
0x35c: {  	v12 =	vnsel vm1, $0x0, v12  }
0x35d: {  	(xrf0) =	vadd.scan.msk.s32 $0xffff, v12;
	v55 =	vperm.xlane v14, v5;
	_ =	sdelay $0x1  }
0x35e: {  	(xrf0) =	vadd.scan.msk.s32 $0xffff, v55;
	_ =	sdelay $0x3  }
0x35f: {  	v56, _, _ =	vpop (xrf0)  }
0x360: {  	v57 =	vbroadcast v56, $0xF  }
0x361: {  	v58, _, _ =	vpop (xrf0)  }
0x362: {  	v14 =	vadd.s32 v58, v57  }
0x363: {  	vm1 =	vge.s32 v14, s22  }
0x364: {  	v14 =	vmctz.xlane vm1;
	_ =	sdelay $0x1  }
0x365: {  	v14 =	vxor.u32 $0x80000000, v14  }
0x366: {  	(xrf0) =	vmax.scan.msk.u32 $0xffff, v14;
	_ =	sdelay $0x5  }
0x367: {  	(v2sf) =	vpush v56, $0xF;
	v59, _, _ =	vpop (xrf0)  }
0x368: {  	(v2sf) =	vpush v59, $0xF;
	_ =	sdelay $0xd  }
0x369: {  	s23 =	spop (v2sf)  }
0x36a: {  	s30 =	spop (v2sf)  }
0x36b: {  	s0 =	sxor.u32 $0x80000000, s30  }
0x36c: {  	v60 =	vmov s0  }
0x36d: {  	v12 =	vsub.s32 v58, v55;
	vm1 =	veq.s32 v60, v0  }
0x36e: {  	v12 =	vnsel vm1, $0x0, v12  }
0x36f: {  	v61 =	vxor.u32 $0x80000000, v11;
	(xrf0) =	vadd.scan.msk.s32 $0xffff, v12  }
0x370: {  	(xrf0) =	vmax.scan.msk.u32 $0xffff, v61;
	_ =	sdelay $0x4  }
0x371: {  	v62, _, _ =	vpop (xrf0)  }
0x372: {  	(v2sf) =	vpush v62, $0xF;
	v63, _, _ =	vpop (xrf0)  }
0x373: {  	(v2sf) =	vpush v63, $0xF;
	_ =	sdelay $0xd  }
0x374: {  	s24 =	spop (v2sf)  }
0x375: {  	s14 =	spop (v2sf)  }
0x376: {  	s31 =	sxor.u32 $0x80000000, s14  }
0x377: {  	p0 =	slt.s32 s31, $0x1  }
.Ltmp28:
0x378: {  	_ = 	snop;
	(pc) =	sbr.rel @p0 .LBB2_32-.Ltmp28, $3  }
0x379: {  	_ =	sdelay $0x1  }
0x37a: {  	s2 =	sshllo.u32 s2, $0x4  }
0x37b: {  	s25 =	ssub.s32 s2, s0  }
0x37c: {  	p4 =	sne.s32 s31, $0x1  }
.Ltmp29:
0x37d: {  	_ = 	snop;
	(pc) =	sbr.rel @!p4 .LBB2_47-.Ltmp29, $3  }
0x37e: {  	_ =	sdelay $0x1  }
0x37f: {  	s29 =	simm.s32 $0x0;
	s28 =	simm.s32 $0x1;
	p0 =	por $0x0, $0x0  }
0x380: {  	v13 =	vmov s25;
	v12 =	vimm.f32 $0.0e+00;
	p1 =	por $0x0, $0x0;
	p2 =	por $0x0, $0x0;
	p3 =	por $0x0, $0x0  }
0x381: {  	v14 =	vadd.s32 s29, v6;
	p4 =	sne.s32 s31, $0x2  }
.Ltmp30:
0x382: {  	_ = 	snop;
	(pc) =	sbr.rel @!p4 .LBB2_49-.Ltmp30, $2  }
0x383: {  	_ =	sdelay $0x2  }
0x384: {  	s2 =	simm.s32 $0x2;
	p0 =	por $0x1, $0x1;
	v14 =	vld.idx.msk [tilespmem:v14+s12+$0x0], $0xffff  }
0x385: {  	v15 =	vadd.s32 s28, v6;
	p4 =	sne.s32 s31, $0x3  }
.Ltmp31:
0x386: {  	_ = 	snop;
	(pc) =	sbr.rel @!p4 .LBB2_51-.Ltmp31, $2  }
0x387: {  	_ =	sdelay $0x2  }
0x388: {  	s30 =	simm.s32 $0x3;
	p1 =	por $0x1, $0x1;
	v21 =	vmul.f32 $1.442695020e+00, v14;
	v16 =	vld.idx.msk [tilespmem:v15+s12+$0x0], $0xffff;
	v15 =	vshra.s32 v14, $0x1F  }
0x389: {  	v17 =	vadd.s32 s2, v6;
	_ =	sdelay $0x1  }
0x38a: {  	p4 =	sne.s32 s31, $0x4  }
.Ltmp32:
0x38b: {  	_ = 	snop;
	(pc) =	sbr.rel @!p4 .LBB2_53-.Ltmp32, $3  }
0x38c: {  	_ = 	snop  }
0x38d: {  	v20 =	vld.idx.msk [tilespmem:v17+s12+$0x0], $0xffff;
	_ =	sdelay $0x1  }
0x38e: {  	s26 =	simm.s32 $0x4;
	p2 =	por $0x1, $0x1;
	(erf) = vpow2.f32 v21;
	v19 =	vshra.s32 v16, $0x1F;
	v18 =	vmul.f32 $1.442695020e+00, v16  }
0x38f: {  	_ =	sdelay $0x3  }
0x390: {  	v17 =	vadd.s32 s30, v6;
	p4 =	sne.s32 s31, $0x5  }
.Ltmp33:
0x391: {  	v21 =	vxor.u32 v14, v15;
	(pc) =	sbr.rel @!p4 .LBB2_55-.Ltmp33, $4  }
0x392: {  	v22 =	vmov s29;
	v21 =	vand.u32 $0xFF, v21;
	(erf) = vpow2.f32 v18  }
0x393: {  	vm1 =	vlt.s32 v22, v11;
	vm2 =	vgt.s32 v21, v13  }
0x394: {  	v22 =	vshra.s32 v20, $0x1F;
	vm1 =	vmand vm1, vm2;
	v23 =	vpop (erf)  }
0x395: {  	s14 =	simm.s32 $0x5;
	p3 =	por $0x1, $0x1;
	v25 =	vmovc v16;
	s0 =	simm.s32 $0x1;
	v21 =	vmul.f32 $1.442695020e+00, v20;
	v27 =	vld.idx.msk [tilespmem:v17+s12+$0x0], $0xffff;
	v17 =	vimm.f32 $0.0e+00;
	v24 =	vnsel vm1, $0x0, v23;
	v23 =	vmovc v19  }
.LBB2_56:
0x396: {  	s4 =	smov.u32 s14;
	s14 =	sadd.s32 $0x1, s14  }
0x397: {  	v26 =	vadd.s32 s26, v6;
	v17 =	vadd.f32 v24, v17;
	p4 =	sne.s32 s31, s14  }
.Ltmp34:
0x398: {  	(erf) = vpow2.f32 v21;
	v21 =	vxor.u32 v25, v23;
	v25 =	vmovc v20;
	v23 =	vmov v22;
	(pc) =	sbr.rel @p4 .LBB2_56-.Ltmp34, $4  }
0x399: {  	v22 =	vmov s0;
	s0 =	smov.u32 s2;
	s2 =	smov.u32 s30;
	s30 =	smov.u32 s26;
	v21 =	vand.u32 $0xFF, v21  }
0x39a: {  	s26 =	smov.u32 s4;
	vm1 =	vlt.s32 v22, v11;
	vm2 =	vgt.s32 v21, v13  }
0x39b: {  	vm1 =	vmand vm1, vm2;
	v20 =	vpop (erf)  }
0x39c: {  	v22 =	vshra.s32 v27, $0x1F;
	v21 =	vmul.f32 $1.442695020e+00, v27;
	v24 =	vnsel vm1, $0x0, v20;
	v20 =	vmovc v27;
	v27 =	vld.idx.msk [tilespmem:v26+s12+$0x0], $0xffff  }
0x39d: {  	_ =	sdelay $0x3  }
0x39e: {  	v26 =	vmov v20;
	s31 =	smov.u32 s2;
	s2 =	smov.u32 s30;
	v20 =	vmov v27  }
.LBB2_58:
0x39f: {  	v27 =	vadd.s32 s26, v6;
	_ =	sdelay $0x2  }
0x3a0: {  	v23 =	vxor.u32 @p2 v25, v23  }
0x3a1: {  	(erf) = vpow2.f32 @p1 v21;
	v23 =	vand.u32 @p2 $0xFF, v23  }
0x3a2: {  	v21 =	vmov @p2 s0;
	vm2 =	vgt.s32 @p2 v23, v13;
	v23 =	vmul.f32 @p0 $1.442695020e+00, v20;
	v58 =	vld.idx.msk [tilespmem:v27+s12+$0x0], $0xffff  }
0x3a3: {  	v17 =	vadd.f32 @p3 v24, v17;
	v25 =	vmovc @p1 v26;
	v26 =	vshra.s32 @p0 v20, $0x1F;
	v15 =	vpsel p1, v22, v15  }
0x3a4: {  	v16 =	vpsel p0, v20, v16;
	vm1 =	vlt.s32 @p2 v21, v11;
	v18 =	vpsel p0, v23, v18  }
0x3a5: {  	v24 =	vpop @p2 (erf);
	s0 =	smov.u32 @p1 s31;
	v14 =	vpsel p1, v25, v14;
	v59 =	vpsel p0, v26, v19;
	(erf) = vpow2.f32 @p0 v18  }
0x3a6: {  	s29 =	smov.u32 @p1 s0;
	v16 =	vpsel p0, v16, v0;
	v17 =	vpsel p3, v17, v12;
	v14 =	vxor.u32 @p1 v14, v15  }
0x3a7: {  	s0 =	smov.u32 @p0 s2;
	v19 =	vmov @p1 s29;
	v15 =	vpsel p0, v59, v0;
	v60 =	vmul.f32 $1.442695020e+00, v58  }
0x3a8: {  	s28 =	smov.u32 @p0 s0;
	vm1 =	vmand @p2 vm1, vm2;
	v14 =	vand.u32 @p1 $0xFF, v14;
	v15 =	vxor.u32 @p0 v16, v15  }
0x3a9: {  	s0 =	smov.u32 @p0 s28;
	v24 =	vnsel @p2 vm1, $0x0, v24;
	vm1 =	vlt.s32 @p1 v19, v11;
	(erf) = vpow2.f32 v60  }
0x3aa: {  	vm2 =	vgt.s32 @p1 v14, v13;
	s0 =	smov.u32 @p0 s0;
	v15 =	vand.u32 @p0 $0xFF, v15;
	v23 =	vpsel p2, v24, v0  }
0x3ab: {  	vm1 =	vmand @p1 vm1, vm2;
	v16 =	vmov @p0 s0;
	v17 =	vadd.f32 @p2 v23, v17;
	v14 =	vpop @p1 (erf)  }
0x3ac: {  	vm2 =	vgt.s32 @p0 v15, v13;
	v14 =	vnsel @p1 vm1, $0x0, v14  }
0x3ad: {  	v17 =	vpsel p2, v17, v12;
	vm1 =	vlt.s32 @p0 v16, v11;
	v14 =	vpsel p1, v14, v0  }
0x3ae: {  	v61 =	vshra.s32 v58, $0x1F;
	vm1 =	vmand @p0 vm1, vm2;
	v14 =	vadd.f32 @p1 v14, v17;
	v16 =	vpop @p0 (erf)  }
0x3af: {  	v62 =	vmov s26;
	v15 =	vxor.u32 v58, v61;
	v16 =	vnsel @p0 vm1, $0x0, v16  }
.Ltmp35:
0x3b0: {  	v15 =	vand.u32 $0xFF, v15;
	v14 =	vpsel p1, v14, v12;
	v16 =	vpsel p0, v16, v0;
	(pc) =	sbr.rel .LBB2_59-.Ltmp35, $4  }
0x3b1: {  	vm2 =	vgt.s32 v15, v13;
	vm1 =	vlt.s32 v62, v11;
	v14 =	vadd.f32 @p0 v16, v14  }
0x3b2: {  	vm1 =	vmand vm1, vm2;
	v11 =	vpop (erf)  }
0x3b3: {  	v63 =	vpsel p0, v14, v12;
	v11 =	vnsel vm1, $0x0, v11  }
0x3b4: {  	v11 =	vadd.f32 v11, v63  }
.LBB2_40:
.Ltmp36:
0x3b5: {  	(pc) =	sbr.rel .LBB2_45-.Ltmp36, $2  }
0x3b6: {  	_ =	sdelay $0x2  }
0x3b7: {  	v15 =	vimm.f32 $0.0e+00  }
.LBB2_47:
.Ltmp37:
0x3b8: {  	(pc) =	sbr.rel .LBB2_58-.Ltmp37, $2  }
0x3b9: {  	_ =	sdelay $0x2  }
0x3ba: {  	s26 =	simm.s32 $0x0;
	v17 =	vimm.f32 $0.0e+00  }
.LBB2_42:
.Ltmp38:
0x3bb: {  	(pc) =	sbr.rel .LBB2_45-.Ltmp38, $2  }
0x3bc: {  	_ =	sdelay $0x2  }
0x3bd: {  	v15 =	vimm.f32 $0.0e+00;
	s2 =	simm.s32 $0x1  }
.LBB2_49:
.Ltmp39:
0x3be: {  	_ = 	snop;
	(pc) =	sbr.rel .LBB2_58-.Ltmp39, $2  }
0x3bf: {  	_ =	sdelay $0x2  }
0x3c0: {  	s26 =	simm.s32 $0x1;
	v17 =	vimm.f32 $0.0e+00;
	s2 =	simm.s32 $0x0;
	v20 =	vmov v14  }
.LBB2_51:
.Ltmp40:
0x3c1: {  	_ = 	snop;
	(pc) =	sbr.rel .LBB2_58-.Ltmp40, $2  }
0x3c2: {  	_ =	sdelay $0x2  }
0x3c3: {  	v26 =	vmovc v14;
	v22 =	vmov v15;
	s26 =	simm.s32 $0x2;
	v17 =	vimm.f32 $0.0e+00;
	s31 =	simm.s32 $0x0;
	s2 =	simm.s32 $0x1;
	v20 =	vmov v16  }
.LBB2_53:
.Ltmp41:
0x3c4: {  	(pc) =	sbr.rel .LBB2_58-.Ltmp41, $3  }
0x3c5: {  	_ =	sdelay $0x1  }
0x3c6: {  	v17 =	vimm.f32 $0.0e+00  }
0x3c7: {  	s26 =	simm.s32 $0x3;
	v23 =	vmovc v15;
	v25 =	vmovc v14;
	v26 =	vmov v16;
	v22 =	vmov v19;
	s0 =	simm.s32 $0x0;
	s31 =	simm.s32 $0x1;
	v21 =	vmov v18  }
.LBB2_55:
.Ltmp42:
0x3c8: {  	_ = 	snop;
	(pc) =	sbr.rel .LBB2_58-.Ltmp42, $2  }
0x3c9: {  	_ =	sdelay $0x2  }
0x3ca: {  	v26 =	vmovc v20;
	v17 =	vimm.f32 $0.0e+00;
	v23 =	vmovc v19;
	v25 =	vmov v16;
	s0 =	simm.s32 $0x1;
	s31 =	simm.s32 $0x2;
	s2 =	simm.s32 $0x3;
	v20 =	vmov v27  }
.LBB2_61:
0x3cb: {  	_ =	sfence.sel $0x180000  }
0x3cc: {  	[bflag:$0x0] =	sbarrier.arrive $0xFFFF  }
0x3cd: {  	_ =	strace $0x90000047  }
0x3ce: {  	s0 =	stileid.u32;
	[bflag:$0x2] =	sbarrier.arrive $0xFFFF  }
0x3cf: {  	p0 =	sne.s32 s0, $0x0;
	s0 =	rddreg [dreg:$0x2]  }
0x3d0: {  	s0 =	sadd.s32 @!p0 $0x100000, s0  }
0x3d1: {  	[sflag:s0] =	ssyncadd.tile.s32 @!p0 $0x1;
	_ =	shalt  }
.Lfunc_end2:
_tile_overlayer_lowered:
.L_overlay_start_2:
0x3d2: {  	(tag) =	ssettag $0x2  }
0x3d3: {  	s0 =	rddreg [dreg:$0x0];
	s2 =	stileid.u32  }
0x3d4: {  	s1 =	rddreg [dreg:$0x1];
	p0 =	sne.s32 s2, $0x0  }
0x3d5: {  	s3 =	rddreg [dreg:$0x2];
	[bflag:$0x3] =	sbarrier.arrive $0xFFFF;
	s2 =	simm.s32 @!p0 $0x1C02  }
0x3d6: {  	[timem:s3], [sflag:s2] =	dma.local @!p0 [hbm:s0], s1  }
0x3d7: {  	s0 =	simm.s32 @!p0 $0x2  }
0x3d8: {  	_ =	swait.ge @!p0 [sflag:s0], s1  }
0x3d9: {  	s1 =	ssub.s32 @!p0 $0x0, s1;
	[sflag:s0] =	ssyncset.done @!p0 $0x0  }
0x3da: {  	[sflag:s0] =	ssyncadd.s32 @!p0 s1  }
0x3db: {  	[bflag:$0x3] =	sbarrier.arrive $0xFFFF  }
0x3dc: {  	_ =	shalt  }

</sc_bundles>
